<compile_context>
chip_gen: v7x
topology: tpu7x:2x2x1
jax: 0.10.2.dev20260603
libtpu: 0.0.44.dev20260713+nightly
codegen_flags: <defaults>
</compile_context>

<pallas_src>
import functools

import jax
import jax.numpy as jnp
from jax import lax
from jax.experimental import pallas as pl
from jax.experimental.pallas import tpu as pltpu
from jax.experimental.pallas import tpu_sc as plsc

B = 16
H = 128
W = 128
C = 96
NPH = 32
NPW = 32
P = NPH * NPW
KEEP = 716
N = H * W
ROW_F32 = 4 * C
TABLE_ROWS = B * H * NPW
TOTAL_ROWS = B * KEEP * 4
N_TILES = 32
ROWS_PER_TILE = TOTAL_ROWS // N_TILES
CHUNK = 128
N_FULL = ROWS_PER_TILE // CHUNK
TAIL = ROWS_PER_TILE - N_FULL * CHUNK

ROWGROUPS = 8
TOK_BLOCK = (H // ROWGROUPS) * W


def _score_body(tok_ref, w1_ref, b1_ref, w2_ref, b2_ref, out_ref, table_ref):
    xt = tok_ref[0]
    x = xt.T
    x3 = x.reshape(TOK_BLOCK // 4, 4, C)
    table_ref[...] = jnp.concatenate(
        [x3[:, j, :] for j in range(4)], axis=1)
    h = jnp.dot(x, w1_ref[...], preferred_element_type=jnp.float32)
    h = jax.nn.gelu(h + b1_ref[...])
    imp = jnp.dot(h, w2_ref[...], preferred_element_type=jnp.float32)
    imp = imp[:, 0] + b2_ref[0, 0]
    ps = imp.reshape(4, 4, NPW, 4).sum(axis=(1, 3)) * 0.0625
    out_ref[0, 0] = ps.reshape(4 * NPW)


def _select_body(s_ref, sc_ref, rowidx_ref, kept_ref):
    b = pl.program_id(0)
    sj = s_ref[0]
    si = sc_ref[0]
    ii = lax.broadcasted_iota(jnp.int32, (P, P), 0)
    jj = lax.broadcasted_iota(jnp.int32, (P, P), 1)
    beats_i = (sj > si) | ((sj == si) & (jj < ii))
    beats_j = (si > sj) | ((si == sj) & (ii < jj))
    rank_col = jnp.sum(beats_i.astype(jnp.int32), axis=1, keepdims=True)
    rank_row = jnp.sum(beats_j.astype(jnp.int32), axis=0, keepdims=True)
    keep_col = rank_col < KEEP
    keep_row = rank_row < KEEP
    pos_row = jnp.sum((keep_col & (ii <= jj)).astype(jnp.int32),
                      axis=0, keepdims=True) - 1
    posm_row = jnp.where(keep_row, pos_row, -1)
    kk = lax.broadcasted_iota(jnp.int32, (KEEP, P), 0)
    jj2 = lax.broadcasted_iota(jnp.int32, (KEEP, P), 1)
    hit = posm_row == kk
    pidx = jnp.sum(jnp.where(hit, jj2, 0), axis=1, keepdims=True)
    py = pidx // NPW
    px = pidx - py * NPW
    r4 = lax.broadcasted_iota(jnp.int32, (KEEP, 4), 1)
    rowidx_ref[0] = b * (H * NPW) + (py * (4 * NPW) + px) + r4 * NPW
    t16 = lax.broadcasted_iota(jnp.int32, (KEEP, 16), 1)
    offs = (t16 // 4) * W + (t16 % 4)
    kept_ref[0] = (py * (4 * W) + px * 4) + offs


def _gather_body(table_hbm, idx_hbm, out_hbm, idx_v, rows_v, idx_t, rows_t, sem):
    wid = lax.axis_index("s") * 2 + lax.axis_index("c")
    base = wid * ROWS_PER_TILE
    for g in range(N_FULL):
        off = base + g * CHUNK
        pltpu.sync_copy(idx_hbm.at[pl.ds(off, CHUNK)], idx_v)
        pltpu.async_copy(table_hbm.at[idx_v], rows_v, sem).wait()
        pltpu.sync_copy(rows_v, out_hbm.at[pl.ds(off, CHUNK)])
    off = base + N_FULL * CHUNK
    pltpu.sync_copy(idx_hbm.at[pl.ds(off, TAIL)], idx_t)
    pltpu.async_copy(table_hbm.at[idx_t], rows_t, sem).wait()
    pltpu.sync_copy(rows_t, out_hbm.at[pl.ds(off, TAIL)])


def kernel(tokens, spatial_shape, W1, b1, W2, b2):
    del spatial_shape
    tokens_t = jnp.transpose(tokens, (0, 2, 1))
    scores, table = pl.pallas_call(
        _score_body,
        grid=(B, ROWGROUPS),
        in_specs=[
            pl.BlockSpec((1, C, TOK_BLOCK), lambda b, g: (b, 0, g)),
            pl.BlockSpec((C, C // 4), lambda b, g: (0, 0)),
            pl.BlockSpec((1, C // 4), lambda b, g: (0, 0)),
            pl.BlockSpec((C // 4, 1), lambda b, g: (0, 0)),
            pl.BlockSpec((1, 1), lambda b, g: (0, 0)),
        ],
        out_specs=[
            pl.BlockSpec((1, 1, 4 * NPW), lambda b, g: (b * ROWGROUPS + g, 0, 0)),
            pl.BlockSpec((TOK_BLOCK // 4, ROW_F32), lambda b, g: (b * ROWGROUPS + g, 0)),
        ],
        out_shape=[
            jax.ShapeDtypeStruct((B * ROWGROUPS, 1, 4 * NPW), jnp.float32),
            jax.ShapeDtypeStruct((TABLE_ROWS, ROW_F32), jnp.float32),
        ],
    )(tokens_t, W1, b1.reshape(1, C // 4), W2, b2.reshape(1, 1))

    rowidx, kept_indices = pl.pallas_call(
        _select_body,
        grid=(B,),
        in_specs=[
            pl.BlockSpec((1, 1, P), lambda b: (b, 0, 0)),
            pl.BlockSpec((1, P, 1), lambda b: (b, 0, 0)),
        ],
        out_specs=[
            pl.BlockSpec((1, KEEP, 4), lambda b: (b, 0, 0)),
            pl.BlockSpec((1, KEEP, 16), lambda b: (b, 0, 0)),
        ],
        out_shape=[
            jax.ShapeDtypeStruct((B, KEEP, 4), jnp.int32),
            jax.ShapeDtypeStruct((B, KEEP, 16), jnp.int32),
        ],
    )(scores.reshape(B, 1, P), scores.reshape(B, P, 1))

    idx_flat = rowidx.reshape(TOTAL_ROWS)

    mesh = plsc.VectorSubcoreMesh(core_axis_name="c", subcore_axis_name="s")
    gathered = pl.kernel(
        _gather_body,
        mesh=mesh,
        out_type=jax.ShapeDtypeStruct((TOTAL_ROWS, ROW_F32), jnp.float32),
        scratch_types=[
            pltpu.VMEM((CHUNK,), jnp.int32),
            pltpu.VMEM((CHUNK, ROW_F32), jnp.float32),
            pltpu.VMEM((TAIL,), jnp.int32),
            pltpu.VMEM((TAIL, ROW_F32), jnp.float32),
            pltpu.SemaphoreType.DMA,
        ],
    )(table, idx_flat)

    pruned_tokens = gathered.reshape(B, KEEP * 16, C)
    return pruned_tokens, kept_indices.reshape(B, KEEP * 16)

# --- scband reference (transcript-rebuilt; emitter-appended) ---
"""Pipeline reference for scband-patch-level-pruner-54271206752568 (READ-ONLY COPY).

The authoritative reference and input builder live on the scoring server;
editing this copy changes nothing except your own understanding.
"""

import jax, jax.numpy as jnp
import numpy as np

B = 16
H = 128
W = 128
C = 96
PATCH = 4
KEEP_RATIO = 0.7
MIN_PATCHES = 10


def setup_inputs(seed: int = 0) -> dict:
    key = jax.random.key(seed)
    k1, k2, k3 = jax.random.split(key, 3)
    tokens = jax.random.normal(k1, (B, H * W, C), dtype=jnp.float32)
    spatial_shape = np.array([H, W], dtype=np.int64)
    W1 = jax.random.normal(k2, (C, C // 4), dtype=jnp.float32) * 0.05
    b1 = jnp.zeros((C // 4,), dtype=jnp.float32)
    W2 = jax.random.normal(k3, (C // 4, 1), dtype=jnp.float32) * 0.05
    b2 = jnp.zeros((1,), dtype=jnp.float32)
    return {"tokens": tokens, "spatial_shape": spatial_shape, "W1": W1, "b1": b1, "W2": W2, "b2": b2}


def _importance(x, W1, b1, W2, b2):
    # LearnableImportancePredictor: 2-layer MLP producing a per-token scalar score
    h = jax.nn.gelu(jnp.dot(x, W1) + b1)
    return (jnp.dot(h, W2) + b2)[..., 0]


def reference(tokens, spatial_shape, W1, b1, W2, b2):
    Hh = H; Ww = W
    Bb, N, Cc = tokens.shape
    ph = min(PATCH, Hh); pw = min(PATCH, Ww)
    nph = (Hh + ph - 1) // ph; npw = (Ww + pw - 1) // pw
    P = nph * npw
    # H=W=128 divisible by patch 4 -> no padding needed
    tokens_2d = tokens.reshape(Bb, Hh, Ww, Cc)
    patches_flat = tokens_2d.reshape(Bb, nph, ph, npw, pw, Cc).transpose(0, 1, 3, 2, 4, 5).reshape(Bb, P, ph * pw, Cc)
    token_imp = _importance(patches_flat.reshape(Bb * P, ph * pw, Cc), W1, b1, W2, b2)
    patch_scores = token_imp.mean(axis=-1).reshape(Bb, P)
    num_keep = min(max(MIN_PATCHES, int(P * KEEP_RATIO)), P)
    _, idx = jax.lax.top_k(patch_scores, num_keep)
    idx = jnp.sort(idx, axis=-1)
    kept = jnp.take_along_axis(patches_flat, idx[:, :, None, None], axis=1)
    pruned_tokens = kept.reshape(Bb, num_keep * ph * pw, Cc)
    py = idx // npw
    px = idx % npw
    offsets = (jnp.arange(ph)[:, None] * spatial_shape[1] + jnp.arange(pw)[None, :]).reshape(-1)
    base = py * ph * spatial_shape[1] + px * pw
    kept_indices = (base[:, :, None] + offsets[None, None, :]).reshape(Bb, num_keep * ph * pw)
    return pruned_tokens, kept_indices

if __name__ == "__main__":
    import jax
    _d = setup_inputs()
    print(jax.jit(kernel)(*tuple(_d.values())))

</pallas_src>

<mosaic_0001>
#map = affine_map<(d0, d1) -> (0, 0)>
#map1 = affine_map<(d0, d1) -> (0)>
module attributes {stable_mosaic.version = 14 : i64} {
  func.func @_gather_body(%arg0: i32, %arg1: i32, %arg2: memref<65536x384xf32, #tpu.memory_space<hbm>>, %arg3: memref<45824xi32, #tpu.memory_space<hbm>>, %arg4: memref<45824x384xf32, #tpu.memory_space<hbm>>, %arg5: memref<128xi32, #tpu.memory_space<vmem>>, %arg6: memref<128x384xf32, #tpu.memory_space<vmem>>, %arg7: memref<24xi32, #tpu.memory_space<vmem>>, %arg8: memref<24x384xf32, #tpu.memory_space<vmem>>, %arg9: memref<!tpu.dma_semaphore, #tpu.memory_space<semaphore_mem>>) attributes {dimension_semantics = [#tpu.dimension_semantics<core_parallel>, #tpu.dimension_semantics<subcore_parallel>], iteration_bounds = array<i64: 2, 16>, scalar_prefetch = 0 : i64, scratch_operands = 5 : i64, tpu.core_type = #tpu.core_type<sc_vector_subcore>, window_params = [{transform_indices = #map}, {transform_indices = #map1}, {transform_indices = #map}]} {
    %mul3A = arith.constant 2 : i32
    %mul3A_0 = arith.muli %arg1, %mul3A : i32
    %add3A = arith.addi %mul3A_0, %arg0 : i32
    %mul3A_1 = arith.constant 1432 : i32
    %mul3A_2 = arith.muli %add3A, %mul3A_1 : i32
    %add3A_3 = arith.constant 0 : i32
    %add3A_4 = arith.addi %mul3A_2, %add3A_3 : i32
    "tpu.region"() ({
      %run_scoped3A = tpu.sem_alloc : memref<!tpu.dma_semaphore, #tpu.memory_space<semaphore_mem>>
      %dma_start3A_97 = tpu.memref_slice %arg3[%add3A_4] : memref<45824xi32, #tpu.memory_space<hbm>> -> memref<128xi32, #tpu.memory_space<hbm>>
      %dma_start3A_98 = tpu.memref_slice %arg3[%add3A_4] : memref<45824xi32, #tpu.memory_space<hbm>> -> memref<128xi32, #tpu.memory_space<hbm>>
      tpu.enqueue_dma source(%dma_start3A_98 : memref<128xi32, #tpu.memory_space<hbm>>) target(%arg5 : memref<128xi32, #tpu.memory_space<vmem>>) target_semaphore(%run_scoped3A : memref<!tpu.dma_semaphore, #tpu.memory_space<semaphore_mem>>)
      %dma_wait3A_99 = tpu.memref_slice %arg3[%add3A_4] : memref<45824xi32, #tpu.memory_space<hbm>> -> memref<128xi32, #tpu.memory_space<hbm>>
      %dma_wait3A_100 = tpu.memref_slice %arg3[%add3A_4] : memref<45824xi32, #tpu.memory_space<hbm>> -> memref<128xi32, #tpu.memory_space<hbm>>
      tpu.wait_dma2 semaphore(%run_scoped3A : memref<!tpu.dma_semaphore, #tpu.memory_space<semaphore_mem>>) src(%dma_wait3A_100 : memref<128xi32, #tpu.memory_space<hbm>>) dst(%arg5 : memref<128xi32, #tpu.memory_space<vmem>>)
      tpu.yield
    }) : () -> ()
    %dma_start3A = arith.constant 0 : i32
    %dma_start3A_5 = arith.constant 0 : i32
    %dma_start3A_6 = tpu.memref_slice %arg2[%dma_start3A, %dma_start3A_5] : memref<65536x384xf32, #tpu.memory_space<hbm>> -> memref<65536x384xf32, #tpu.memory_space<hbm>>
    tpu.enqueue_indirect_dma source(%dma_start3A_6 : memref<65536x384xf32, #tpu.memory_space<hbm>>) target(%arg6 : memref<128x384xf32, #tpu.memory_space<vmem>>) offsets(%arg5 : memref<128xi32, #tpu.memory_space<vmem>>) semaphore(%arg9 : memref<!tpu.dma_semaphore, #tpu.memory_space<semaphore_mem>>)
    %dma_wait3A = arith.constant 0 : i32
    %dma_wait3A_7 = arith.constant 0 : i32
    %dma_wait3A_8 = tpu.memref_slice %arg2[%dma_wait3A, %dma_wait3A_7] : memref<65536x384xf32, #tpu.memory_space<hbm>> -> memref<65536x384xf32, #tpu.memory_space<hbm>>
    tpu.wait_indirect_dma semaphore(%arg9 : memref<!tpu.dma_semaphore, #tpu.memory_space<semaphore_mem>>) src(%dma_wait3A_8 : memref<65536x384xf32, #tpu.memory_space<hbm>>) dst(%arg6 : memref<128x384xf32, #tpu.memory_space<vmem>>)
    "tpu.region"() ({
      %run_scoped3A = tpu.sem_alloc : memref<!tpu.dma_semaphore, #tpu.memory_space<semaphore_mem>>
      %dma_start3A_97 = arith.constant 0 : i32
      %dma_start3A_98 = tpu.memref_slice %arg4[%add3A_4, %dma_start3A_97] : memref<45824x384xf32, #tpu.memory_space<hbm>> -> memref<128x384xf32, #tpu.memory_space<hbm>>
      %dma_start3A_99 = arith.constant 0 : i32
      %dma_start3A_100 = tpu.memref_slice %arg4[%add3A_4, %dma_start3A_99] : memref<45824x384xf32, #tpu.memory_space<hbm>> -> memref<128x384xf32, #tpu.memory_space<hbm>>
      tpu.enqueue_dma source(%arg6 : memref<128x384xf32, #tpu.memory_space<vmem>>) target(%dma_start3A_100 : memref<128x384xf32, #tpu.memory_space<hbm>>) target_semaphore(%run_scoped3A : memref<!tpu.dma_semaphore, #tpu.memory_space<semaphore_mem>>)
      %dma_wait3A_101 = arith.constant 0 : i32
      %dma_wait3A_102 = tpu.memref_slice %arg4[%add3A_4, %dma_wait3A_101] : memref<45824x384xf32, #tpu.memory_space<hbm>> -> memref<128x384xf32, #tpu.memory_space<hbm>>
      %dma_wait3A_103 = arith.constant 0 : i32
      %dma_wait3A_104 = tpu.memref_slice %arg4[%add3A_4, %dma_wait3A_103] : memref<45824x384xf32, #tpu.memory_space<hbm>> -> memref<128x384xf32, #tpu.memory_space<hbm>>
      tpu.wait_dma2 semaphore(%run_scoped3A : memref<!tpu.dma_semaphore, #tpu.memory_space<semaphore_mem>>) src(%arg6 : memref<128x384xf32, #tpu.memory_space<vmem>>) dst(%dma_wait3A_104 : memref<128x384xf32, #tpu.memory_space<hbm>>)
      tpu.yield
    }) : () -> ()
    %add3A_9 = arith.constant 128 : i32
    %add3A_10 = arith.addi %mul3A_2, %add3A_9 : i32
    "tpu.region"() ({
      %run_scoped3A = tpu.sem_alloc : memref<!tpu.dma_semaphore, #tpu.memory_space<semaphore_mem>>
      %dma_start3A_97 = tpu.memref_slice %arg3[%add3A_10] : memref<45824xi32, #tpu.memory_space<hbm>> -> memref<128xi32, #tpu.memory_space<hbm>>
      %dma_start3A_98 = tpu.memref_slice %arg3[%add3A_10] : memref<45824xi32, #tpu.memory_space<hbm>> -> memref<128xi32, #tpu.memory_space<hbm>>
      tpu.enqueue_dma source(%dma_start3A_98 : memref<128xi32, #tpu.memory_space<hbm>>) target(%arg5 : memref<128xi32, #tpu.memory_space<vmem>>) target_semaphore(%run_scoped3A : memref<!tpu.dma_semaphore, #tpu.memory_space<semaphore_mem>>)
      %dma_wait3A_99 = tpu.memref_slice %arg3[%add3A_10] : memref<45824xi32, #tpu.memory_space<hbm>> -> memref<128xi32, #tpu.memory_space<hbm>>
      %dma_wait3A_100 = tpu.memref_slice %arg3[%add3A_10] : memref<45824xi32, #tpu.memory_space<hbm>> -> memref<128xi32, #tpu.memory_space<hbm>>
      tpu.wait_dma2 semaphore(%run_scoped3A : memref<!tpu.dma_semaphore, #tpu.memory_space<semaphore_mem>>) src(%dma_wait3A_100 : memref<128xi32, #tpu.memory_space<hbm>>) dst(%arg5 : memref<128xi32, #tpu.memory_space<vmem>>)
      tpu.yield
    }) : () -> ()
    %dma_start3A_11 = arith.constant 0 : i32
    %dma_start3A_12 = arith.constant 0 : i32
    %dma_start3A_13 = tpu.memref_slice %arg2[%dma_start3A_11, %dma_start3A_12] : memref<65536x384xf32, #tpu.memory_space<hbm>> -> memref<65536x384xf32, #tpu.memory_space<hbm>>
    tpu.enqueue_indirect_dma source(%dma_start3A_13 : memref<65536x384xf32, #tpu.memory_space<hbm>>) target(%arg6 : memref<128x384xf32, #tpu.memory_space<vmem>>) offsets(%arg5 : memref<128xi32, #tpu.memory_space<vmem>>) semaphore(%arg9 : memref<!tpu.dma_semaphore, #tpu.memory_space<semaphore_mem>>)
    %dma_wait3A_14 = arith.constant 0 : i32
    %dma_wait3A_15 = arith.constant 0 : i32
    %dma_wait3A_16 = tpu.memref_slice %arg2[%dma_wait3A_14, %dma_wait3A_15] : memref<65536x384xf32, #tpu.memory_space<hbm>> -> memref<65536x384xf32, #tpu.memory_space<hbm>>
    tpu.wait_indirect_dma semaphore(%arg9 : memref<!tpu.dma_semaphore, #tpu.memory_space<semaphore_mem>>) src(%dma_wait3A_16 : memref<65536x384xf32, #tpu.memory_space<hbm>>) dst(%arg6 : memref<128x384xf32, #tpu.memory_space<vmem>>)
    "tpu.region"() ({
      %run_scoped3A = tpu.sem_alloc : memref<!tpu.dma_semaphore, #tpu.memory_space<semaphore_mem>>
      %dma_start3A_97 = arith.constant 0 : i32
      %dma_start3A_98 = tpu.memref_slice %arg4[%add3A_10, %dma_start3A_97] : memref<45824x384xf32, #tpu.memory_space<hbm>> -> memref<128x384xf32, #tpu.memory_space<hbm>>
      %dma_start3A_99 = arith.constant 0 : i32
      %dma_start3A_100 = tpu.memref_slice %arg4[%add3A_10, %dma_start3A_99] : memref<45824x384xf32, #tpu.memory_space<hbm>> -> memref<128x384xf32, #tpu.memory_space<hbm>>
      tpu.enqueue_dma source(%arg6 : memref<128x384xf32, #tpu.memory_space<vmem>>) target(%dma_start3A_100 : memref<128x384xf32, #tpu.memory_space<hbm>>) target_semaphore(%run_scoped3A : memref<!tpu.dma_semaphore, #tpu.memory_space<semaphore_mem>>)
      %dma_wait3A_101 = arith.constant 0 : i32
      %dma_wait3A_102 = tpu.memref_slice %arg4[%add3A_10, %dma_wait3A_101] : memref<45824x384xf32, #tpu.memory_space<hbm>> -> memref<128x384xf32, #tpu.memory_space<hbm>>
      %dma_wait3A_103 = arith.constant 0 : i32
      %dma_wait3A_104 = tpu.memref_slice %arg4[%add3A_10, %dma_wait3A_103] : memref<45824x384xf32, #tpu.memory_space<hbm>> -> memref<128x384xf32, #tpu.memory_space<hbm>>
      tpu.wait_dma2 semaphore(%run_scoped3A : memref<!tpu.dma_semaphore, #tpu.memory_space<semaphore_mem>>) src(%arg6 : memref<128x384xf32, #tpu.memory_space<vmem>>) dst(%dma_wait3A_104 : memref<128x384xf32, #tpu.memory_space<hbm>>)
      tpu.yield
    }) : () -> ()
    %add3A_17 = arith.constant 256 : i32
    %add3A_18 = arith.addi %mul3A_2, %add3A_17 : i32
    "tpu.region"() ({
      %run_scoped3A = tpu.sem_alloc : memref<!tpu.dma_semaphore, #tpu.memory_space<semaphore_mem>>
      %dma_start3A_97 = tpu.memref_slice %arg3[%add3A_18] : memref<45824xi32, #tpu.memory_space<hbm>> -> memref<128xi32, #tpu.memory_space<hbm>>
      %dma_start3A_98 = tpu.memref_slice %arg3[%add3A_18] : memref<45824xi32, #tpu.memory_space<hbm>> -> memref<128xi32, #tpu.memory_space<hbm>>
      tpu.enqueue_dma source(%dma_start3A_98 : memref<128xi32, #tpu.memory_space<hbm>>) target(%arg5 : memref<128xi32, #tpu.memory_space<vmem>>) target_semaphore(%run_scoped3A : memref<!tpu.dma_semaphore, #tpu.memory_space<semaphore_mem>>)
      %dma_wait3A_99 = tpu.memref_slice %arg3[%add3A_18] : memref<45824xi32, #tpu.memory_space<hbm>> -> memref<128xi32, #tpu.memory_space<hbm>>
      %dma_wait3A_100 = tpu.memref_slice %arg3[%add3A_18] : memref<45824xi32, #tpu.memory_space<hbm>> -> memref<128xi32, #tpu.memory_space<hbm>>
      tpu.wait_dma2 semaphore(%run_scoped3A : memref<!tpu.dma_semaphore, #tpu.memory_space<semaphore_mem>>) src(%dma_wait3A_100 : memref<128xi32, #tpu.memory_space<hbm>>) dst(%arg5 : memref<128xi32, #tpu.memory_space<vmem>>)
      tpu.yield
    }) : () -> ()
    %dma_start3A_19 = arith.constant 0 : i32
    %dma_start3A_20 = arith.constant 0 : i32
    %dma_start3A_21 = tpu.memref_slice %arg2[%dma_start3A_19, %dma_start3A_20] : memref<65536x384xf32, #tpu.memory_space<hbm>> -> memref<65536x384xf32, #tpu.memory_space<hbm>>
    tpu.enqueue_indirect_dma source(%dma_start3A_21 : memref<65536x384xf32, #tpu.memory_space<hbm>>) target(%arg6 : memref<128x384xf32, #tpu.memory_space<vmem>>) offsets(%arg5 : memref<128xi32, #tpu.memory_space<vmem>>) semaphore(%arg9 : memref<!tpu.dma_semaphore, #tpu.memory_space<semaphore_mem>>)
    %dma_wait3A_22 = arith.constant 0 : i32
    %dma_wait3A_23 = arith.constant 0 : i32
    %dma_wait3A_24 = tpu.memref_slice %arg2[%dma_wait3A_22, %dma_wait3A_23] : memref<65536x384xf32, #tpu.memory_space<hbm>> -> memref<65536x384xf32, #tpu.memory_space<hbm>>
    tpu.wait_indirect_dma semaphore(%arg9 : memref<!tpu.dma_semaphore, #tpu.memory_space<semaphore_mem>>) src(%dma_wait3A_24 : memref<65536x384xf32, #tpu.memory_space<hbm>>) dst(%arg6 : memref<128x384xf32, #tpu.memory_space<vmem>>)
    "tpu.region"() ({
      %run_scoped3A = tpu.sem_alloc : memref<!tpu.dma_semaphore, #tpu.memory_space<semaphore_mem>>
      %dma_start3A_97 = arith.constant 0 : i32
      %dma_start3A_98 = tpu.memref_slice %arg4[%add3A_18, %dma_start3A_97] : memref<45824x384xf32, #tpu.memory_space<hbm>> -> memref<128x384xf32, #tpu.memory_space<hbm>>
      %dma_start3A_99 = arith.constant 0 : i32
      %dma_start3A_100 = tpu.memref_slice %arg4[%add3A_18, %dma_start3A_99] : memref<45824x384xf32, #tpu.memory_space<hbm>> -> memref<128x384xf32, #tpu.memory_space<hbm>>
      tpu.enqueue_dma source(%arg6 : memref<128x384xf32, #tpu.memory_space<vmem>>) target(%dma_start3A_100 : memref<128x384xf32, #tpu.memory_space<hbm>>) target_semaphore(%run_scoped3A : memref<!tpu.dma_semaphore, #tpu.memory_space<semaphore_mem>>)
      %dma_wait3A_101 = arith.constant 0 : i32
      %dma_wait3A_102 = tpu.memref_slice %arg4[%add3A_18, %dma_wait3A_101] : memref<45824x384xf32, #tpu.memory_space<hbm>> -> memref<128x384xf32, #tpu.memory_space<hbm>>
      %dma_wait3A_103 = arith.constant 0 : i32
      %dma_wait3A_104 = tpu.memref_slice %arg4[%add3A_18, %dma_wait3A_103] : memref<45824x384xf32, #tpu.memory_space<hbm>> -> memref<128x384xf32, #tpu.memory_space<hbm>>
      tpu.wait_dma2 semaphore(%run_scoped3A : memref<!tpu.dma_semaphore, #tpu.memory_space<semaphore_mem>>) src(%arg6 : memref<128x384xf32, #tpu.memory_space<vmem>>) dst(%dma_wait3A_104 : memref<128x384xf32, #tpu.memory_space<hbm>>)
      tpu.yield
    }) : () -> ()
    %add3A_25 = arith.constant 384 : i32
    %add3A_26 = arith.addi %mul3A_2, %add3A_25 : i32
    "tpu.region"() ({
      %run_scoped3A = tpu.sem_alloc : memref<!tpu.dma_semaphore, #tpu.memory_space<semaphore_mem>>
      %dma_start3A_97 = tpu.memref_slice %arg3[%add3A_26] : memref<45824xi32, #tpu.memory_space<hbm>> -> memref<128xi32, #tpu.memory_space<hbm>>
      %dma_start3A_98 = tpu.memref_slice %arg3[%add3A_26] : memref<45824xi32, #tpu.memory_space<hbm>> -> memref<128xi32, #tpu.memory_space<hbm>>
      tpu.enqueue_dma source(%dma_start3A_98 : memref<128xi32, #tpu.memory_space<hbm>>) target(%arg5 : memref<128xi32, #tpu.memory_space<vmem>>) target_semaphore(%run_scoped3A : memref<!tpu.dma_semaphore, #tpu.memory_space<semaphore_mem>>)
      %dma_wait3A_99 = tpu.memref_slice %arg3[%add3A_26] : memref<45824xi32, #tpu.memory_space<hbm>> -> memref<128xi32, #tpu.memory_space<hbm>>
      %dma_wait3A_100 = tpu.memref_slice %arg3[%add3A_26] : memref<45824xi32, #tpu.memory_space<hbm>> -> memref<128xi32, #tpu.memory_space<hbm>>
      tpu.wait_dma2 semaphore(%run_scoped3A : memref<!tpu.dma_semaphore, #tpu.memory_space<semaphore_mem>>) src(%dma_wait3A_100 : memref<128xi32, #tpu.memory_space<hbm>>) dst(%arg5 : memref<128xi32, #tpu.memory_space<vmem>>)
      tpu.yield
    }) : () -> ()
    %dma_start3A_27 = arith.constant 0 : i32
    %dma_start3A_28 = arith.constant 0 : i32
    %dma_start3A_29 = tpu.memref_slice %arg2[%dma_start3A_27, %dma_start3A_28] : memref<65536x384xf32, #tpu.memory_space<hbm>> -> memref<65536x384xf32, #tpu.memory_space<hbm>>
    tpu.enqueue_indirect_dma source(%dma_start3A_29 : memref<65536x384xf32, #tpu.memory_space<hbm>>) target(%arg6 : memref<128x384xf32, #tpu.memory_space<vmem>>) offsets(%arg5 : memref<128xi32, #tpu.memory_space<vmem>>) semaphore(%arg9 : memref<!tpu.dma_semaphore, #tpu.memory_space<semaphore_mem>>)
    %dma_wait3A_30 = arith.constant 0 : i32
    %dma_wait3A_31 = arith.constant 0 : i32
    %dma_wait3A_32 = tpu.memref_slice %arg2[%dma_wait3A_30, %dma_wait3A_31] : memref<65536x384xf32, #tpu.memory_space<hbm>> -> memref<65536x384xf32, #tpu.memory_space<hbm>>
    tpu.wait_indirect_dma semaphore(%arg9 : memref<!tpu.dma_semaphore, #tpu.memory_space<semaphore_mem>>) src(%dma_wait3A_32 : memref<65536x384xf32, #tpu.memory_space<hbm>>) dst(%arg6 : memref<128x384xf32, #tpu.memory_space<vmem>>)
    "tpu.region"() ({
      %run_scoped3A = tpu.sem_alloc : memref<!tpu.dma_semaphore, #tpu.memory_space<semaphore_mem>>
      %dma_start3A_97 = arith.constant 0 : i32
      %dma_start3A_98 = tpu.memref_slice %arg4[%add3A_26, %dma_start3A_97] : memref<45824x384xf32, #tpu.memory_space<hbm>> -> memref<128x384xf32, #tpu.memory_space<hbm>>
      %dma_start3A_99 = arith.constant 0 : i32
      %dma_start3A_100 = tpu.memref_slice %arg4[%add3A_26, %dma_start3A_99] : memref<45824x384xf32, #tpu.memory_space<hbm>> -> memref<128x384xf32, #tpu.memory_space<hbm>>
      tpu.enqueue_dma source(%arg6 : memref<128x384xf32, #tpu.memory_space<vmem>>) target(%dma_start3A_100 : memref<128x384xf32, #tpu.memory_space<hbm>>) target_semaphore(%run_scoped3A : memref<!tpu.dma_semaphore, #tpu.memory_space<semaphore_mem>>)
      %dma_wait3A_101 = arith.constant 0 : i32
      %dma_wait3A_102 = tpu.memref_slice %arg4[%add3A_26, %dma_wait3A_101] : memref<45824x384xf32, #tpu.memory_space<hbm>> -> memref<128x384xf32, #tpu.memory_space<hbm>>
      %dma_wait3A_103 = arith.constant 0 : i32
      %dma_wait3A_104 = tpu.memref_slice %arg4[%add3A_26, %dma_wait3A_103] : memref<45824x384xf32, #tpu.memory_space<hbm>> -> memref<128x384xf32, #tpu.memory_space<hbm>>
      tpu.wait_dma2 semaphore(%run_scoped3A : memref<!tpu.dma_semaphore, #tpu.memory_space<semaphore_mem>>) src(%arg6 : memref<128x384xf32, #tpu.memory_space<vmem>>) dst(%dma_wait3A_104 : memref<128x384xf32, #tpu.memory_space<hbm>>)
      tpu.yield
    }) : () -> ()
    %add3A_33 = arith.constant 512 : i32
    %add3A_34 = arith.addi %mul3A_2, %add3A_33 : i32
    "tpu.region"() ({
      %run_scoped3A = tpu.sem_alloc : memref<!tpu.dma_semaphore, #tpu.memory_space<semaphore_mem>>
      %dma_start3A_97 = tpu.memref_slice %arg3[%add3A_34] : memref<45824xi32, #tpu.memory_space<hbm>> -> memref<128xi32, #tpu.memory_space<hbm>>
      %dma_start3A_98 = tpu.memref_slice %arg3[%add3A_34] : memref<45824xi32, #tpu.memory_space<hbm>> -> memref<128xi32, #tpu.memory_space<hbm>>
      tpu.enqueue_dma source(%dma_start3A_98 : memref<128xi32, #tpu.memory_space<hbm>>) target(%arg5 : memref<128xi32, #tpu.memory_space<vmem>>) target_semaphore(%run_scoped3A : memref<!tpu.dma_semaphore, #tpu.memory_space<semaphore_mem>>)
      %dma_wait3A_99 = tpu.memref_slice %arg3[%add3A_34] : memref<45824xi32, #tpu.memory_space<hbm>> -> memref<128xi32, #tpu.memory_space<hbm>>
      %dma_wait3A_100 = tpu.memref_slice %arg3[%add3A_34] : memref<45824xi32, #tpu.memory_space<hbm>> -> memref<128xi32, #tpu.memory_space<hbm>>
      tpu.wait_dma2 semaphore(%run_scoped3A : memref<!tpu.dma_semaphore, #tpu.memory_space<semaphore_mem>>) src(%dma_wait3A_100 : memref<128xi32, #tpu.memory_space<hbm>>) dst(%arg5 : memref<128xi32, #tpu.memory_space<vmem>>)
      tpu.yield
    }) : () -> ()
    %dma_start3A_35 = arith.constant 0 : i32
    %dma_start3A_36 = arith.constant 0 : i32
    %dma_start3A_37 = tpu.memref_slice %arg2[%dma_start3A_35, %dma_start3A_36] : memref<65536x384xf32, #tpu.memory_space<hbm>> -> memref<65536x384xf32, #tpu.memory_space<hbm>>
    tpu.enqueue_indirect_dma source(%dma_start3A_37 : memref<65536x384xf32, #tpu.memory_space<hbm>>) target(%arg6 : memref<128x384xf32, #tpu.memory_space<vmem>>) offsets(%arg5 : memref<128xi32, #tpu.memory_space<vmem>>) semaphore(%arg9 : memref<!tpu.dma_semaphore, #tpu.memory_space<semaphore_mem>>)
    %dma_wait3A_38 = arith.constant 0 : i32
    %dma_wait3A_39 = arith.constant 0 : i32
    %dma_wait3A_40 = tpu.memref_slice %arg2[%dma_wait3A_38, %dma_wait3A_39] : memref<65536x384xf32, #tpu.memory_space<hbm>> -> memref<65536x384xf32, #tpu.memory_space<hbm>>
    tpu.wait_indirect_dma semaphore(%arg9 : memref<!tpu.dma_semaphore, #tpu.memory_space<semaphore_mem>>) src(%dma_wait3A_40 : memref<65536x384xf32, #tpu.memory_space<hbm>>) dst(%arg6 : memref<128x384xf32, #tpu.memory_space<vmem>>)
    "tpu.region"() ({
      %run_scoped3A = tpu.sem_alloc : memref<!tpu.dma_semaphore, #tpu.memory_space<semaphore_mem>>
      %dma_start3A_97 = arith.constant 0 : i32
      %dma_start3A_98 = tpu.memref_slice %arg4[%add3A_34, %dma_start3A_97] : memref<45824x384xf32, #tpu.memory_space<hbm>> -> memref<128x384xf32, #tpu.memory_space<hbm>>
      %dma_start3A_99 = arith.constant 0 : i32
      %dma_start3A_100 = tpu.memref_slice %arg4[%add3A_34, %dma_start3A_99] : memref<45824x384xf32, #tpu.memory_space<hbm>> -> memref<128x384xf32, #tpu.memory_space<hbm>>
      tpu.enqueue_dma source(%arg6 : memref<128x384xf32, #tpu.memory_space<vmem>>) target(%dma_start3A_100 : memref<128x384xf32, #tpu.memory_space<hbm>>) target_semaphore(%run_scoped3A : memref<!tpu.dma_semaphore, #tpu.memory_space<semaphore_mem>>)
      %dma_wait3A_101 = arith.constant 0 : i32
      %dma_wait3A_102 = tpu.memref_slice %arg4[%add3A_34, %dma_wait3A_101] : memref<45824x384xf32, #tpu.memory_space<hbm>> -> memref<128x384xf32, #tpu.memory_space<hbm>>
      %dma_wait3A_103 = arith.constant 0 : i32
      %dma_wait3A_104 = tpu.memref_slice %arg4[%add3A_34, %dma_wait3A_103] : memref<45824x384xf32, #tpu.memory_space<hbm>> -> memref<128x384xf32, #tpu.memory_space<hbm>>
      tpu.wait_dma2 semaphore(%run_scoped3A : memref<!tpu.dma_semaphore, #tpu.memory_space<semaphore_mem>>) src(%arg6 : memref<128x384xf32, #tpu.memory_space<vmem>>) dst(%dma_wait3A_104 : memref<128x384xf32, #tpu.memory_space<hbm>>)
      tpu.yield
    }) : () -> ()
    %add3A_41 = arith.constant 640 : i32
    %add3A_42 = arith.addi %mul3A_2, %add3A_41 : i32
    "tpu.region"() ({
      %run_scoped3A = tpu.sem_alloc : memref<!tpu.dma_semaphore, #tpu.memory_space<semaphore_mem>>
      %dma_start3A_97 = tpu.memref_slice %arg3[%add3A_42] : memref<45824xi32, #tpu.memory_space<hbm>> -> memref<128xi32, #tpu.memory_space<hbm>>
      %dma_start3A_98 = tpu.memref_slice %arg3[%add3A_42] : memref<45824xi32, #tpu.memory_space<hbm>> -> memref<128xi32, #tpu.memory_space<hbm>>
      tpu.enqueue_dma source(%dma_start3A_98 : memref<128xi32, #tpu.memory_space<hbm>>) target(%arg5 : memref<128xi32, #tpu.memory_space<vmem>>) target_semaphore(%run_scoped3A : memref<!tpu.dma_semaphore, #tpu.memory_space<semaphore_mem>>)
      %dma_wait3A_99 = tpu.memref_slice %arg3[%add3A_42] : memref<45824xi32, #tpu.memory_space<hbm>> -> memref<128xi32, #tpu.memory_space<hbm>>
      %dma_wait3A_100 = tpu.memref_slice %arg3[%add3A_42] : memref<45824xi32, #tpu.memory_space<hbm>> -> memref<128xi32, #tpu.memory_space<hbm>>
      tpu.wait_dma2 semaphore(%run_scoped3A : memref<!tpu.dma_semaphore, #tpu.memory_space<semaphore_mem>>) src(%dma_wait3A_100 : memref<128xi32, #tpu.memory_space<hbm>>) dst(%arg5 : memref<128xi32, #tpu.memory_space<vmem>>)
      tpu.yield
    }) : () -> ()
    %dma_start3A_43 = arith.constant 0 : i32
    %dma_start3A_44 = arith.constant 0 : i32
    %dma_start3A_45 = tpu.memref_slice %arg2[%dma_start3A_43, %dma_start3A_44] : memref<65536x384xf32, #tpu.memory_space<hbm>> -> memref<65536x384xf32, #tpu.memory_space<hbm>>
    tpu.enqueue_indirect_dma source(%dma_start3A_45 : memref<65536x384xf32, #tpu.memory_space<hbm>>) target(%arg6 : memref<128x384xf32, #tpu.memory_space<vmem>>) offsets(%arg5 : memref<128xi32, #tpu.memory_space<vmem>>) semaphore(%arg9 : memref<!tpu.dma_semaphore, #tpu.memory_space<semaphore_mem>>)
    %dma_wait3A_46 = arith.constant 0 : i32
    %dma_wait3A_47 = arith.constant 0 : i32
    %dma_wait3A_48 = tpu.memref_slice %arg2[%dma_wait3A_46, %dma_wait3A_47] : memref<65536x384xf32, #tpu.memory_space<hbm>> -> memref<65536x384xf32, #tpu.memory_space<hbm>>
    tpu.wait_indirect_dma semaphore(%arg9 : memref<!tpu.dma_semaphore, #tpu.memory_space<semaphore_mem>>) src(%dma_wait3A_48 : memref<65536x384xf32, #tpu.memory_space<hbm>>) dst(%arg6 : memref<128x384xf32, #tpu.memory_space<vmem>>)
    "tpu.region"() ({
      %run_scoped3A = tpu.sem_alloc : memref<!tpu.dma_semaphore, #tpu.memory_space<semaphore_mem>>
      %dma_start3A_97 = arith.constant 0 : i32
      %dma_start3A_98 = tpu.memref_slice %arg4[%add3A_42, %dma_start3A_97] : memref<45824x384xf32, #tpu.memory_space<hbm>> -> memref<128x384xf32, #tpu.memory_space<hbm>>
      %dma_start3A_99 = arith.constant 0 : i32
      %dma_start3A_100 = tpu.memref_slice %arg4[%add3A_42, %dma_start3A_99] : memref<45824x384xf32, #tpu.memory_space<hbm>> -> memref<128x384xf32, #tpu.memory_space<hbm>>
      tpu.enqueue_dma source(%arg6 : memref<128x384xf32, #tpu.memory_space<vmem>>) target(%dma_start3A_100 : memref<128x384xf32, #tpu.memory_space<hbm>>) target_semaphore(%run_scoped3A : memref<!tpu.dma_semaphore, #tpu.memory_space<semaphore_mem>>)
      %dma_wait3A_101 = arith.constant 0 : i32
      %dma_wait3A_102 = tpu.memref_slice %arg4[%add3A_42, %dma_wait3A_101] : memref<45824x384xf32, #tpu.memory_space<hbm>> -> memref<128x384xf32, #tpu.memory_space<hbm>>
      %dma_wait3A_103 = arith.constant 0 : i32
      %dma_wait3A_104 = tpu.memref_slice %arg4[%add3A_42, %dma_wait3A_103] : memref<45824x384xf32, #tpu.memory_space<hbm>> -> memref<128x384xf32, #tpu.memory_space<hbm>>
      tpu.wait_dma2 semaphore(%run_scoped3A : memref<!tpu.dma_semaphore, #tpu.memory_space<semaphore_mem>>) src(%arg6 : memref<128x384xf32, #tpu.memory_space<vmem>>) dst(%dma_wait3A_104 : memref<128x384xf32, #tpu.memory_space<hbm>>)
      tpu.yield
    }) : () -> ()
    %add3A_49 = arith.constant 768 : i32
    %add3A_50 = arith.addi %mul3A_2, %add3A_49 : i32
    "tpu.region"() ({
      %run_scoped3A = tpu.sem_alloc : memref<!tpu.dma_semaphore, #tpu.memory_space<semaphore_mem>>
      %dma_start3A_97 = tpu.memref_slice %arg3[%add3A_50] : memref<45824xi32, #tpu.memory_space<hbm>> -> memref<128xi32, #tpu.memory_space<hbm>>
      %dma_start3A_98 = tpu.memref_slice %arg3[%add3A_50] : memref<45824xi32, #tpu.memory_space<hbm>> -> memref<128xi32, #tpu.memory_space<hbm>>
      tpu.enqueue_dma source(%dma_start3A_98 : memref<128xi32, #tpu.memory_space<hbm>>) target(%arg5 : memref<128xi32, #tpu.memory_space<vmem>>) target_semaphore(%run_scoped3A : memref<!tpu.dma_semaphore, #tpu.memory_space<semaphore_mem>>)
      %dma_wait3A_99 = tpu.memref_slice %arg3[%add3A_50] : memref<45824xi32, #tpu.memory_space<hbm>> -> memref<128xi32, #tpu.memory_space<hbm>>
      %dma_wait3A_100 = tpu.memref_slice %arg3[%add3A_50] : memref<45824xi32, #tpu.memory_space<hbm>> -> memref<128xi32, #tpu.memory_space<hbm>>
      tpu.wait_dma2 semaphore(%run_scoped3A : memref<!tpu.dma_semaphore, #tpu.memory_space<semaphore_mem>>) src(%dma_wait3A_100 : memref<128xi32, #tpu.memory_space<hbm>>) dst(%arg5 : memref<128xi32, #tpu.memory_space<vmem>>)
      tpu.yield
    }) : () -> ()
    %dma_start3A_51 = arith.constant 0 : i32
    %dma_start3A_52 = arith.constant 0 : i32
    %dma_start3A_53 = tpu.memref_slice %arg2[%dma_start3A_51, %dma_start3A_52] : memref<65536x384xf32, #tpu.memory_space<hbm>> -> memref<65536x384xf32, #tpu.memory_space<hbm>>
    tpu.enqueue_indirect_dma source(%dma_start3A_53 : memref<65536x384xf32, #tpu.memory_space<hbm>>) target(%arg6 : memref<128x384xf32, #tpu.memory_space<vmem>>) offsets(%arg5 : memref<128xi32, #tpu.memory_space<vmem>>) semaphore(%arg9 : memref<!tpu.dma_semaphore, #tpu.memory_space<semaphore_mem>>)
    %dma_wait3A_54 = arith.constant 0 : i32
    %dma_wait3A_55 = arith.constant 0 : i32
    %dma_wait3A_56 = tpu.memref_slice %arg2[%dma_wait3A_54, %dma_wait3A_55] : memref<65536x384xf32, #tpu.memory_space<hbm>> -> memref<65536x384xf32, #tpu.memory_space<hbm>>
    tpu.wait_indirect_dma semaphore(%arg9 : memref<!tpu.dma_semaphore, #tpu.memory_space<semaphore_mem>>) src(%dma_wait3A_56 : memref<65536x384xf32, #tpu.memory_space<hbm>>) dst(%arg6 : memref<128x384xf32, #tpu.memory_space<vmem>>)
    "tpu.region"() ({
      %run_scoped3A = tpu.sem_alloc : memref<!tpu.dma_semaphore, #tpu.memory_space<semaphore_mem>>
      %dma_start3A_97 = arith.constant 0 : i32
      %dma_start3A_98 = tpu.memref_slice %arg4[%add3A_50, %dma_start3A_97] : memref<45824x384xf32, #tpu.memory_space<hbm>> -> memref<128x384xf32, #tpu.memory_space<hbm>>
      %dma_start3A_99 = arith.constant 0 : i32
      %dma_start3A_100 = tpu.memref_slice %arg4[%add3A_50, %dma_start3A_99] : memref<45824x384xf32, #tpu.memory_space<hbm>> -> memref<128x384xf32, #tpu.memory_space<hbm>>
      tpu.enqueue_dma source(%arg6 : memref<128x384xf32, #tpu.memory_space<vmem>>) target(%dma_start3A_100 : memref<128x384xf32, #tpu.memory_space<hbm>>) target_semaphore(%run_scoped3A : memref<!tpu.dma_semaphore, #tpu.memory_space<semaphore_mem>>)
      %dma_wait3A_101 = arith.constant 0 : i32
      %dma_wait3A_102 = tpu.memref_slice %arg4[%add3A_50, %dma_wait3A_101] : memref<45824x384xf32, #tpu.memory_space<hbm>> -> memref<128x384xf32, #tpu.memory_space<hbm>>
      %dma_wait3A_103 = arith.constant 0 : i32
      %dma_wait3A_104 = tpu.memref_slice %arg4[%add3A_50, %dma_wait3A_103] : memref<45824x384xf32, #tpu.memory_space<hbm>> -> memref<128x384xf32, #tpu.memory_space<hbm>>
      tpu.wait_dma2 semaphore(%run_scoped3A : memref<!tpu.dma_semaphore, #tpu.memory_space<semaphore_mem>>) src(%arg6 : memref<128x384xf32, #tpu.memory_space<vmem>>) dst(%dma_wait3A_104 : memref<128x384xf32, #tpu.memory_space<hbm>>)
      tpu.yield
    }) : () -> ()
    %add3A_57 = arith.constant 896 : i32
    %add3A_58 = arith.addi %mul3A_2, %add3A_57 : i32
    "tpu.region"() ({
      %run_scoped3A = tpu.sem_alloc : memref<!tpu.dma_semaphore, #tpu.memory_space<semaphore_mem>>
      %dma_start3A_97 = tpu.memref_slice %arg3[%add3A_58] : memref<45824xi32, #tpu.memory_space<hbm>> -> memref<128xi32, #tpu.memory_space<hbm>>
      %dma_start3A_98 = tpu.memref_slice %arg3[%add3A_58] : memref<45824xi32, #tpu.memory_space<hbm>> -> memref<128xi32, #tpu.memory_space<hbm>>
      tpu.enqueue_dma source(%dma_start3A_98 : memref<128xi32, #tpu.memory_space<hbm>>) target(%arg5 : memref<128xi32, #tpu.memory_space<vmem>>) target_semaphore(%run_scoped3A : memref<!tpu.dma_semaphore, #tpu.memory_space<semaphore_mem>>)
      %dma_wait3A_99 = tpu.memref_slice %arg3[%add3A_58] : memref<45824xi32, #tpu.memory_space<hbm>> -> memref<128xi32, #tpu.memory_space<hbm>>
      %dma_wait3A_100 = tpu.memref_slice %arg3[%add3A_58] : memref<45824xi32, #tpu.memory_space<hbm>> -> memref<128xi32, #tpu.memory_space<hbm>>
      tpu.wait_dma2 semaphore(%run_scoped3A : memref<!tpu.dma_semaphore, #tpu.memory_space<semaphore_mem>>) src(%dma_wait3A_100 : memref<128xi32, #tpu.memory_space<hbm>>) dst(%arg5 : memref<128xi32, #tpu.memory_space<vmem>>)
      tpu.yield
    }) : () -> ()
    %dma_start3A_59 = arith.constant 0 : i32
    %dma_start3A_60 = arith.constant 0 : i32
    %dma_start3A_61 = tpu.memref_slice %arg2[%dma_start3A_59, %dma_start3A_60] : memref<65536x384xf32, #tpu.memory_space<hbm>> -> memref<65536x384xf32, #tpu.memory_space<hbm>>
    tpu.enqueue_indirect_dma source(%dma_start3A_61 : memref<65536x384xf32, #tpu.memory_space<hbm>>) target(%arg6 : memref<128x384xf32, #tpu.memory_space<vmem>>) offsets(%arg5 : memref<128xi32, #tpu.memory_space<vmem>>) semaphore(%arg9 : memref<!tpu.dma_semaphore, #tpu.memory_space<semaphore_mem>>)
    %dma_wait3A_62 = arith.constant 0 : i32
    %dma_wait3A_63 = arith.constant 0 : i32
    %dma_wait3A_64 = tpu.memref_slice %arg2[%dma_wait3A_62, %dma_wait3A_63] : memref<65536x384xf32, #tpu.memory_space<hbm>> -> memref<65536x384xf32, #tpu.memory_space<hbm>>
    tpu.wait_indirect_dma semaphore(%arg9 : memref<!tpu.dma_semaphore, #tpu.memory_space<semaphore_mem>>) src(%dma_wait3A_64 : memref<65536x384xf32, #tpu.memory_space<hbm>>) dst(%arg6 : memref<128x384xf32, #tpu.memory_space<vmem>>)
    "tpu.region"() ({
      %run_scoped3A = tpu.sem_alloc : memref<!tpu.dma_semaphore, #tpu.memory_space<semaphore_mem>>
      %dma_start3A_97 = arith.constant 0 : i32
      %dma_start3A_98 = tpu.memref_slice %arg4[%add3A_58, %dma_start3A_97] : memref<45824x384xf32, #tpu.memory_space<hbm>> -> memref<128x384xf32, #tpu.memory_space<hbm>>
      %dma_start3A_99 = arith.constant 0 : i32
      %dma_start3A_100 = tpu.memref_slice %arg4[%add3A_58, %dma_start3A_99] : memref<45824x384xf32, #tpu.memory_space<hbm>> -> memref<128x384xf32, #tpu.memory_space<hbm>>
      tpu.enqueue_dma source(%arg6 : memref<128x384xf32, #tpu.memory_space<vmem>>) target(%dma_start3A_100 : memref<128x384xf32, #tpu.memory_space<hbm>>) target_semaphore(%run_scoped3A : memref<!tpu.dma_semaphore, #tpu.memory_space<semaphore_mem>>)
      %dma_wait3A_101 = arith.constant 0 : i32
      %dma_wait3A_102 = tpu.memref_slice %arg4[%add3A_58, %dma_wait3A_101] : memref<45824x384xf32, #tpu.memory_space<hbm>> -> memref<128x384xf32, #tpu.memory_space<hbm>>
      %dma_wait3A_103 = arith.constant 0 : i32
      %dma_wait3A_104 = tpu.memref_slice %arg4[%add3A_58, %dma_wait3A_103] : memref<45824x384xf32, #tpu.memory_space<hbm>> -> memref<128x384xf32, #tpu.memory_space<hbm>>
      tpu.wait_dma2 semaphore(%run_scoped3A : memref<!tpu.dma_semaphore, #tpu.memory_space<semaphore_mem>>) src(%arg6 : memref<128x384xf32, #tpu.memory_space<vmem>>) dst(%dma_wait3A_104 : memref<128x384xf32, #tpu.memory_space<hbm>>)
      tpu.yield
    }) : () -> ()
    %add3A_65 = arith.constant 1024 : i32
    %add3A_66 = arith.addi %mul3A_2, %add3A_65 : i32
    "tpu.region"() ({
      %run_scoped3A = tpu.sem_alloc : memref<!tpu.dma_semaphore, #tpu.memory_space<semaphore_mem>>
      %dma_start3A_97 = tpu.memref_slice %arg3[%add3A_66] : memref<45824xi32, #tpu.memory_space<hbm>> -> memref<128xi32, #tpu.memory_space<hbm>>
      %dma_start3A_98 = tpu.memref_slice %arg3[%add3A_66] : memref<45824xi32, #tpu.memory_space<hbm>> -> memref<128xi32, #tpu.memory_space<hbm>>
      tpu.enqueue_dma source(%dma_start3A_98 : memref<128xi32, #tpu.memory_space<hbm>>) target(%arg5 : memref<128xi32, #tpu.memory_space<vmem>>) target_semaphore(%run_scoped3A : memref<!tpu.dma_semaphore, #tpu.memory_space<semaphore_mem>>)
      %dma_wait3A_99 = tpu.memref_slice %arg3[%add3A_66] : memref<45824xi32, #tpu.memory_space<hbm>> -> memref<128xi32, #tpu.memory_space<hbm>>
      %dma_wait3A_100 = tpu.memref_slice %arg3[%add3A_66] : memref<45824xi32, #tpu.memory_space<hbm>> -> memref<128xi32, #tpu.memory_space<hbm>>
      tpu.wait_dma2 semaphore(%run_scoped3A : memref<!tpu.dma_semaphore, #tpu.memory_space<semaphore_mem>>) src(%dma_wait3A_100 : memref<128xi32, #tpu.memory_space<hbm>>) dst(%arg5 : memref<128xi32, #tpu.memory_space<vmem>>)
      tpu.yield
    }) : () -> ()
    %dma_start3A_67 = arith.constant 0 : i32
    %dma_start3A_68 = arith.constant 0 : i32
    %dma_start3A_69 = tpu.memref_slice %arg2[%dma_start3A_67, %dma_start3A_68] : memref<65536x384xf32, #tpu.memory_space<hbm>> -> memref<65536x384xf32, #tpu.memory_space<hbm>>
    tpu.enqueue_indirect_dma source(%dma_start3A_69 : memref<65536x384xf32, #tpu.memory_space<hbm>>) target(%arg6 : memref<128x384xf32, #tpu.memory_space<vmem>>) offsets(%arg5 : memref<128xi32, #tpu.memory_space<vmem>>) semaphore(%arg9 : memref<!tpu.dma_semaphore, #tpu.memory_space<semaphore_mem>>)
    %dma_wait3A_70 = arith.constant 0 : i32
    %dma_wait3A_71 = arith.constant 0 : i32
    %dma_wait3A_72 = tpu.memref_slice %arg2[%dma_wait3A_70, %dma_wait3A_71] : memref<65536x384xf32, #tpu.memory_space<hbm>> -> memref<65536x384xf32, #tpu.memory_space<hbm>>
    tpu.wait_indirect_dma semaphore(%arg9 : memref<!tpu.dma_semaphore, #tpu.memory_space<semaphore_mem>>) src(%dma_wait3A_72 : memref<65536x384xf32, #tpu.memory_space<hbm>>) dst(%arg6 : memref<128x384xf32, #tpu.memory_space<vmem>>)
    "tpu.region"() ({
      %run_scoped3A = tpu.sem_alloc : memref<!tpu.dma_semaphore, #tpu.memory_space<semaphore_mem>>
      %dma_start3A_97 = arith.constant 0 : i32
      %dma_start3A_98 = tpu.memref_slice %arg4[%add3A_66, %dma_start3A_97] : memref<45824x384xf32, #tpu.memory_space<hbm>> -> memref<128x384xf32, #tpu.memory_space<hbm>>
      %dma_start3A_99 = arith.constant 0 : i32
      %dma_start3A_100 = tpu.memref_slice %arg4[%add3A_66, %dma_start3A_99] : memref<45824x384xf32, #tpu.memory_space<hbm>> -> memref<128x384xf32, #tpu.memory_space<hbm>>
      tpu.enqueue_dma source(%arg6 : memref<128x384xf32, #tpu.memory_space<vmem>>) target(%dma_start3A_100 : memref<128x384xf32, #tpu.memory_space<hbm>>) target_semaphore(%run_scoped3A : memref<!tpu.dma_semaphore, #tpu.memory_space<semaphore_mem>>)
      %dma_wait3A_101 = arith.constant 0 : i32
      %dma_wait3A_102 = tpu.memref_slice %arg4[%add3A_66, %dma_wait3A_101] : memref<45824x384xf32, #tpu.memory_space<hbm>> -> memref<128x384xf32, #tpu.memory_space<hbm>>
      %dma_wait3A_103 = arith.constant 0 : i32
      %dma_wait3A_104 = tpu.memref_slice %arg4[%add3A_66, %dma_wait3A_103] : memref<45824x384xf32, #tpu.memory_space<hbm>> -> memref<128x384xf32, #tpu.memory_space<hbm>>
      tpu.wait_dma2 semaphore(%run_scoped3A : memref<!tpu.dma_semaphore, #tpu.memory_space<semaphore_mem>>) src(%arg6 : memref<128x384xf32, #tpu.memory_space<vmem>>) dst(%dma_wait3A_104 : memref<128x384xf32, #tpu.memory_space<hbm>>)
      tpu.yield
    }) : () -> ()
    %add3A_73 = arith.constant 1152 : i32
    %add3A_74 = arith.addi %mul3A_2, %add3A_73 : i32
    "tpu.region"() ({
      %run_scoped3A = tpu.sem_alloc : memref<!tpu.dma_semaphore, #tpu.memory_space<semaphore_mem>>
      %dma_start3A_97 = tpu.memref_slice %arg3[%add3A_74] : memref<45824xi32, #tpu.memory_space<hbm>> -> memref<128xi32, #tpu.memory_space<hbm>>
      %dma_start3A_98 = tpu.memref_slice %arg3[%add3A_74] : memref<45824xi32, #tpu.memory_space<hbm>> -> memref<128xi32, #tpu.memory_space<hbm>>
      tpu.enqueue_dma source(%dma_start3A_98 : memref<128xi32, #tpu.memory_space<hbm>>) target(%arg5 : memref<128xi32, #tpu.memory_space<vmem>>) target_semaphore(%run_scoped3A : memref<!tpu.dma_semaphore, #tpu.memory_space<semaphore_mem>>)
      %dma_wait3A_99 = tpu.memref_slice %arg3[%add3A_74] : memref<45824xi32, #tpu.memory_space<hbm>> -> memref<128xi32, #tpu.memory_space<hbm>>
      %dma_wait3A_100 = tpu.memref_slice %arg3[%add3A_74] : memref<45824xi32, #tpu.memory_space<hbm>> -> memref<128xi32, #tpu.memory_space<hbm>>
      tpu.wait_dma2 semaphore(%run_scoped3A : memref<!tpu.dma_semaphore, #tpu.memory_space<semaphore_mem>>) src(%dma_wait3A_100 : memref<128xi32, #tpu.memory_space<hbm>>) dst(%arg5 : memref<128xi32, #tpu.memory_space<vmem>>)
      tpu.yield
    }) : () -> ()
    %dma_start3A_75 = arith.constant 0 : i32
    %dma_start3A_76 = arith.constant 0 : i32
    %dma_start3A_77 = tpu.memref_slice %arg2[%dma_start3A_75, %dma_start3A_76] : memref<65536x384xf32, #tpu.memory_space<hbm>> -> memref<65536x384xf32, #tpu.memory_space<hbm>>
    tpu.enqueue_indirect_dma source(%dma_start3A_77 : memref<65536x384xf32, #tpu.memory_space<hbm>>) target(%arg6 : memref<128x384xf32, #tpu.memory_space<vmem>>) offsets(%arg5 : memref<128xi32, #tpu.memory_space<vmem>>) semaphore(%arg9 : memref<!tpu.dma_semaphore, #tpu.memory_space<semaphore_mem>>)
    %dma_wait3A_78 = arith.constant 0 : i32
    %dma_wait3A_79 = arith.constant 0 : i32
    %dma_wait3A_80 = tpu.memref_slice %arg2[%dma_wait3A_78, %dma_wait3A_79] : memref<65536x384xf32, #tpu.memory_space<hbm>> -> memref<65536x384xf32, #tpu.memory_space<hbm>>
    tpu.wait_indirect_dma semaphore(%arg9 : memref<!tpu.dma_semaphore, #tpu.memory_space<semaphore_mem>>) src(%dma_wait3A_80 : memref<65536x384xf32, #tpu.memory_space<hbm>>) dst(%arg6 : memref<128x384xf32, #tpu.memory_space<vmem>>)
    "tpu.region"() ({
      %run_scoped3A = tpu.sem_alloc : memref<!tpu.dma_semaphore, #tpu.memory_space<semaphore_mem>>
      %dma_start3A_97 = arith.constant 0 : i32
      %dma_start3A_98 = tpu.memref_slice %arg4[%add3A_74, %dma_start3A_97] : memref<45824x384xf32, #tpu.memory_space<hbm>> -> memref<128x384xf32, #tpu.memory_space<hbm>>
      %dma_start3A_99 = arith.constant 0 : i32
      %dma_start3A_100 = tpu.memref_slice %arg4[%add3A_74, %dma_start3A_99] : memref<45824x384xf32, #tpu.memory_space<hbm>> -> memref<128x384xf32, #tpu.memory_space<hbm>>
      tpu.enqueue_dma source(%arg6 : memref<128x384xf32, #tpu.memory_space<vmem>>) target(%dma_start3A_100 : memref<128x384xf32, #tpu.memory_space<hbm>>) target_semaphore(%run_scoped3A : memref<!tpu.dma_semaphore, #tpu.memory_space<semaphore_mem>>)
      %dma_wait3A_101 = arith.constant 0 : i32
      %dma_wait3A_102 = tpu.memref_slice %arg4[%add3A_74, %dma_wait3A_101] : memref<45824x384xf32, #tpu.memory_space<hbm>> -> memref<128x384xf32, #tpu.memory_space<hbm>>
      %dma_wait3A_103 = arith.constant 0 : i32
      %dma_wait3A_104 = tpu.memref_slice %arg4[%add3A_74, %dma_wait3A_103] : memref<45824x384xf32, #tpu.memory_space<hbm>> -> memref<128x384xf32, #tpu.memory_space<hbm>>
      tpu.wait_dma2 semaphore(%run_scoped3A : memref<!tpu.dma_semaphore, #tpu.memory_space<semaphore_mem>>) src(%arg6 : memref<128x384xf32, #tpu.memory_space<vmem>>) dst(%dma_wait3A_104 : memref<128x384xf32, #tpu.memory_space<hbm>>)
      tpu.yield
    }) : () -> ()
    %add3A_81 = arith.constant 1280 : i32
    %add3A_82 = arith.addi %mul3A_2, %add3A_81 : i32
    "tpu.region"() ({
      %run_scoped3A = tpu.sem_alloc : memref<!tpu.dma_semaphore, #tpu.memory_space<semaphore_mem>>
      %dma_start3A_97 = tpu.memref_slice %arg3[%add3A_82] : memref<45824xi32, #tpu.memory_space<hbm>> -> memref<128xi32, #tpu.memory_space<hbm>>
      %dma_start3A_98 = tpu.memref_slice %arg3[%add3A_82] : memref<45824xi32, #tpu.memory_space<hbm>> -> memref<128xi32, #tpu.memory_space<hbm>>
      tpu.enqueue_dma source(%dma_start3A_98 : memref<128xi32, #tpu.memory_space<hbm>>) target(%arg5 : memref<128xi32, #tpu.memory_space<vmem>>) target_semaphore(%run_scoped3A : memref<!tpu.dma_semaphore, #tpu.memory_space<semaphore_mem>>)
      %dma_wait3A_99 = tpu.memref_slice %arg3[%add3A_82] : memref<45824xi32, #tpu.memory_space<hbm>> -> memref<128xi32, #tpu.memory_space<hbm>>
      %dma_wait3A_100 = tpu.memref_slice %arg3[%add3A_82] : memref<45824xi32, #tpu.memory_space<hbm>> -> memref<128xi32, #tpu.memory_space<hbm>>
      tpu.wait_dma2 semaphore(%run_scoped3A : memref<!tpu.dma_semaphore, #tpu.memory_space<semaphore_mem>>) src(%dma_wait3A_100 : memref<128xi32, #tpu.memory_space<hbm>>) dst(%arg5 : memref<128xi32, #tpu.memory_space<vmem>>)
      tpu.yield
    }) : () -> ()
    %dma_start3A_83 = arith.constant 0 : i32
    %dma_start3A_84 = arith.constant 0 : i32
    %dma_start3A_85 = tpu.memref_slice %arg2[%dma_start3A_83, %dma_start3A_84] : memref<65536x384xf32, #tpu.memory_space<hbm>> -> memref<65536x384xf32, #tpu.memory_space<hbm>>
    tpu.enqueue_indirect_dma source(%dma_start3A_85 : memref<65536x384xf32, #tpu.memory_space<hbm>>) target(%arg6 : memref<128x384xf32, #tpu.memory_space<vmem>>) offsets(%arg5 : memref<128xi32, #tpu.memory_space<vmem>>) semaphore(%arg9 : memref<!tpu.dma_semaphore, #tpu.memory_space<semaphore_mem>>)
    %dma_wait3A_86 = arith.constant 0 : i32
    %dma_wait3A_87 = arith.constant 0 : i32
    %dma_wait3A_88 = tpu.memref_slice %arg2[%dma_wait3A_86, %dma_wait3A_87] : memref<65536x384xf32, #tpu.memory_space<hbm>> -> memref<65536x384xf32, #tpu.memory_space<hbm>>
    tpu.wait_indirect_dma semaphore(%arg9 : memref<!tpu.dma_semaphore, #tpu.memory_space<semaphore_mem>>) src(%dma_wait3A_88 : memref<65536x384xf32, #tpu.memory_space<hbm>>) dst(%arg6 : memref<128x384xf32, #tpu.memory_space<vmem>>)
    "tpu.region"() ({
      %run_scoped3A = tpu.sem_alloc : memref<!tpu.dma_semaphore, #tpu.memory_space<semaphore_mem>>
      %dma_start3A_97 = arith.constant 0 : i32
      %dma_start3A_98 = tpu.memref_slice %arg4[%add3A_82, %dma_start3A_97] : memref<45824x384xf32, #tpu.memory_space<hbm>> -> memref<128x384xf32, #tpu.memory_space<hbm>>
      %dma_start3A_99 = arith.constant 0 : i32
      %dma_start3A_100 = tpu.memref_slice %arg4[%add3A_82, %dma_start3A_99] : memref<45824x384xf32, #tpu.memory_space<hbm>> -> memref<128x384xf32, #tpu.memory_space<hbm>>
      tpu.enqueue_dma source(%arg6 : memref<128x384xf32, #tpu.memory_space<vmem>>) target(%dma_start3A_100 : memref<128x384xf32, #tpu.memory_space<hbm>>) target_semaphore(%run_scoped3A : memref<!tpu.dma_semaphore, #tpu.memory_space<semaphore_mem>>)
      %dma_wait3A_101 = arith.constant 0 : i32
      %dma_wait3A_102 = tpu.memref_slice %arg4[%add3A_82, %dma_wait3A_101] : memref<45824x384xf32, #tpu.memory_space<hbm>> -> memref<128x384xf32, #tpu.memory_space<hbm>>
      %dma_wait3A_103 = arith.constant 0 : i32
      %dma_wait3A_104 = tpu.memref_slice %arg4[%add3A_82, %dma_wait3A_103] : memref<45824x384xf32, #tpu.memory_space<hbm>> -> memref<128x384xf32, #tpu.memory_space<hbm>>
      tpu.wait_dma2 semaphore(%run_scoped3A : memref<!tpu.dma_semaphore, #tpu.memory_space<semaphore_mem>>) src(%arg6 : memref<128x384xf32, #tpu.memory_space<vmem>>) dst(%dma_wait3A_104 : memref<128x384xf32, #tpu.memory_space<hbm>>)
      tpu.yield
    }) : () -> ()
    %add3A_89 = arith.constant 1408 : i32
    %add3A_90 = arith.addi %mul3A_2, %add3A_89 : i32
    "tpu.region"() ({
      %run_scoped3A = tpu.sem_alloc : memref<!tpu.dma_semaphore, #tpu.memory_space<semaphore_mem>>
      %dma_start3A_97 = tpu.memref_slice %arg3[%add3A_90] : memref<45824xi32, #tpu.memory_space<hbm>> -> memref<24xi32, #tpu.memory_space<hbm>>
      %dma_start3A_98 = tpu.memref_slice %arg3[%add3A_90] : memref<45824xi32, #tpu.memory_space<hbm>> -> memref<24xi32, #tpu.memory_space<hbm>>
      tpu.enqueue_dma source(%dma_start3A_98 : memref<24xi32, #tpu.memory_space<hbm>>) target(%arg7 : memref<24xi32, #tpu.memory_space<vmem>>) target_semaphore(%run_scoped3A : memref<!tpu.dma_semaphore, #tpu.memory_space<semaphore_mem>>)
      %dma_wait3A_99 = tpu.memref_slice %arg3[%add3A_90] : memref<45824xi32, #tpu.memory_space<hbm>> -> memref<24xi32, #tpu.memory_space<hbm>>
      %dma_wait3A_100 = tpu.memref_slice %arg3[%add3A_90] : memref<45824xi32, #tpu.memory_space<hbm>> -> memref<24xi32, #tpu.memory_space<hbm>>
      tpu.wait_dma2 semaphore(%run_scoped3A : memref<!tpu.dma_semaphore, #tpu.memory_space<semaphore_mem>>) src(%dma_wait3A_100 : memref<24xi32, #tpu.memory_space<hbm>>) dst(%arg7 : memref<24xi32, #tpu.memory_space<vmem>>)
      tpu.yield
    }) : () -> ()
    %dma_start3A_91 = arith.constant 0 : i32
    %dma_start3A_92 = arith.constant 0 : i32
    %dma_start3A_93 = tpu.memref_slice %arg2[%dma_start3A_91, %dma_start3A_92] : memref<65536x384xf32, #tpu.memory_space<hbm>> -> memref<65536x384xf32, #tpu.memory_space<hbm>>
    tpu.enqueue_indirect_dma source(%dma_start3A_93 : memref<65536x384xf32, #tpu.memory_space<hbm>>) target(%arg8 : memref<24x384xf32, #tpu.memory_space<vmem>>) offsets(%arg7 : memref<24xi32, #tpu.memory_space<vmem>>) semaphore(%arg9 : memref<!tpu.dma_semaphore, #tpu.memory_space<semaphore_mem>>)
    %dma_wait3A_94 = arith.constant 0 : i32
    %dma_wait3A_95 = arith.constant 0 : i32
    %dma_wait3A_96 = tpu.memref_slice %arg2[%dma_wait3A_94, %dma_wait3A_95] : memref<65536x384xf32, #tpu.memory_space<hbm>> -> memref<65536x384xf32, #tpu.memory_space<hbm>>
    tpu.wait_indirect_dma semaphore(%arg9 : memref<!tpu.dma_semaphore, #tpu.memory_space<semaphore_mem>>) src(%dma_wait3A_96 : memref<65536x384xf32, #tpu.memory_space<hbm>>) dst(%arg8 : memref<24x384xf32, #tpu.memory_space<vmem>>)
    "tpu.region"() ({
      %run_scoped3A = tpu.sem_alloc : memref<!tpu.dma_semaphore, #tpu.memory_space<semaphore_mem>>
      %dma_start3A_97 = arith.constant 0 : i32
      %dma_start3A_98 = tpu.memref_slice %arg4[%add3A_90, %dma_start3A_97] : memref<45824x384xf32, #tpu.memory_space<hbm>> -> memref<24x384xf32, #tpu.memory_space<hbm>>
      %dma_start3A_99 = arith.constant 0 : i32
      %dma_start3A_100 = tpu.memref_slice %arg4[%add3A_90, %dma_start3A_99] : memref<45824x384xf32, #tpu.memory_space<hbm>> -> memref<24x384xf32, #tpu.memory_space<hbm>>
      tpu.enqueue_dma source(%arg8 : memref<24x384xf32, #tpu.memory_space<vmem>>) target(%dma_start3A_100 : memref<24x384xf32, #tpu.memory_space<hbm>>) target_semaphore(%run_scoped3A : memref<!tpu.dma_semaphore, #tpu.memory_space<semaphore_mem>>)
      %dma_wait3A_101 = arith.constant 0 : i32
      %dma_wait3A_102 = tpu.memref_slice %arg4[%add3A_90, %dma_wait3A_101] : memref<45824x384xf32, #tpu.memory_space<hbm>> -> memref<24x384xf32, #tpu.memory_space<hbm>>
      %dma_wait3A_103 = arith.constant 0 : i32
      %dma_wait3A_104 = tpu.memref_slice %arg4[%add3A_90, %dma_wait3A_103] : memref<45824x384xf32, #tpu.memory_space<hbm>> -> memref<24x384xf32, #tpu.memory_space<hbm>>
      tpu.wait_dma2 semaphore(%run_scoped3A : memref<!tpu.dma_semaphore, #tpu.memory_space<semaphore_mem>>) src(%arg8 : memref<24x384xf32, #tpu.memory_space<vmem>>) dst(%dma_wait3A_104 : memref<24x384xf32, #tpu.memory_space<hbm>>)
      tpu.yield
    }) : () -> ()
    return
  }
}

module attributes {stable_mosaic.version = 14 : i64} {
  func.func @_score_body(%arg0: i32, %arg1: i32, %arg2: memref<1x96x2048xf32, #tpu.memory_space<vmem>>, %arg3: memref<96x24xf32, #tpu.memory_space<vmem>>, %arg4: memref<1x24xf32, #tpu.memory_space<vmem>>, %arg5: memref<24x1xf32, #tpu.memory_space<vmem>>, %arg6: memref<1x1xf32, #tpu.memory_space<vmem>>, %arg7: memref<1x1x128xf32, #tpu.memory_space<vmem>>, %arg8: memref<512x384xf32, #tpu.memory_space<vmem>>) attributes {dimension_semantics = [#tpu.dimension_semantics<arbitrary>, #tpu.dimension_semantics<arbitrary>], iteration_bounds = array<i64: 16, 8>, scalar_prefetch = 0 : i64, scratch_operands = 0 : i64, tpu.core_type = #tpu.core_type<tc>, window_params = [{transform_indices = @transform_0, window_bounds = array<i64: 1, 96, 2048>}, {pipeline_mode = #tpu.pipeline_mode<synchronous>, transform_indices = @transform_1, window_bounds = array<i64: 96, 24>}, {pipeline_mode = #tpu.pipeline_mode<synchronous>, transform_indices = @transform_2, window_bounds = array<i64: 1, 24>}, {pipeline_mode = #tpu.pipeline_mode<synchronous>, transform_indices = @transform_3, window_bounds = array<i64: 24, 1>}, {pipeline_mode = #tpu.pipeline_mode<synchronous>, transform_indices = @transform_4, window_bounds = array<i64: 1, 1>}, {transform_indices = @transform_5, window_bounds = array<i64: 1, 1, 128>}, {transform_indices = @transform_6, window_bounds = array<i64: 512, 384>}]} {
    %get3A = arith.constant 0 : index
    %get3A_0 = arith.constant 0 : index
    %get3A_1 = arith.constant 0 : index
    %get3A_2 = vector.load %arg2[%get3A, %get3A_0, %get3A_1] : memref<1x96x2048xf32, #tpu.memory_space<vmem>>, vector<1x96x2048xf32>
    %get3A_3 = vector.shape_cast %get3A_2 : vector<1x96x2048xf32> to vector<96x2048xf32>
    %transpose3A = tpu.transpose %get3A_3, [1, 0] : vector<96x2048xf32> -> vector<2048x96xf32>
    %reshape3A = vector.shape_cast %transpose3A : vector<2048x96xf32> to vector<512x4x96xf32>
    %slice3A = vector.extract_strided_slice %reshape3A {offsets = [0, 0, 0], sizes = [512, 1, 96], strides = [1, 1, 1]} : vector<512x4x96xf32> to vector<512x1x96xf32>
    %squeeze3A = vector.shape_cast %slice3A : vector<512x1x96xf32> to vector<512x96xf32>
    %slice3A_4 = vector.extract_strided_slice %reshape3A {offsets = [0, 1, 0], sizes = [512, 1, 96], strides = [1, 1, 1]} : vector<512x4x96xf32> to vector<512x1x96xf32>
    %squeeze3A_5 = vector.shape_cast %slice3A_4 : vector<512x1x96xf32> to vector<512x96xf32>
    %slice3A_6 = vector.extract_strided_slice %reshape3A {offsets = [0, 2, 0], sizes = [512, 1, 96], strides = [1, 1, 1]} : vector<512x4x96xf32> to vector<512x1x96xf32>
    %squeeze3A_7 = vector.shape_cast %slice3A_6 : vector<512x1x96xf32> to vector<512x96xf32>
    %slice3A_8 = vector.extract_strided_slice %reshape3A {offsets = [0, 3, 0], sizes = [512, 1, 96], strides = [1, 1, 1]} : vector<512x4x96xf32> to vector<512x1x96xf32>
    %squeeze3A_9 = vector.shape_cast %slice3A_8 : vector<512x1x96xf32> to vector<512x96xf32>
    %concatenate3A = tpu.concatenate %squeeze3A, %squeeze3A_5, %squeeze3A_7, %squeeze3A_9 in 1 : vector<512x96xf32>, vector<512x96xf32>, vector<512x96xf32>, vector<512x96xf32> -> vector<512x384xf32>
    %swap3A = arith.constant 0 : index
    %swap3A_10 = arith.constant 0 : index
    %swap3A_11 = vector.load %arg8[%swap3A, %swap3A_10] : memref<512x384xf32, #tpu.memory_space<vmem>>, vector<512x384xf32>
    tpu.vector_store %arg8[%swap3A, %swap3A_10], %concatenate3A {strides = array<i32>} : memref<512x384xf32, #tpu.memory_space<vmem>>, vector<512x384xf32>,
    %get3A_12 = arith.constant 0 : index
    %get3A_13 = arith.constant 0 : index
    %get3A_14 = vector.load %arg3[%get3A_12, %get3A_13] : memref<96x24xf32, #tpu.memory_space<vmem>>, vector<96x24xf32>
    %dot_general3A = arith.constant dense<0.000000e+00> : vector<2048x24xf32>
    %dot_general3A_15 = tpu.matmul %transpose3A, %get3A_14, %dot_general3A {dimension_numbers = #tpu.dot_dimension_numbers<[1], [0], [0], [1], [0, 0, 1, 1], [], []>, transpose_lhs_hint = false} : vector<2048x96xf32>, vector<96x24xf32>, vector<2048x24xf32> -> vector<2048x24xf32>
    %get3A_16 = arith.constant 0 : index
    %get3A_17 = arith.constant 0 : index
    %get3A_18 = vector.load %arg4[%get3A_16, %get3A_17] : memref<1x24xf32, #tpu.memory_space<vmem>>, vector<1x24xf32>
    %add3A = vector.broadcast %get3A_18 : vector<1x24xf32> to vector<2048x24xf32>
    %add3A_19 = arith.addf %dot_general3A_15, %add3A : vector<2048x24xf32>
    %integer_pow3A = arith.mulf %add3A_19, %add3A_19 : vector<2048x24xf32>
    %integer_pow3A_20 = arith.mulf %add3A_19, %integer_pow3A : vector<2048x24xf32>
    %mul3A = arith.constant 4.471500e-02 : f32
    %mul3A_21 = vector.broadcast %mul3A : f32 to vector<2048x24xf32>
    %mul3A_22 = arith.mulf %mul3A_21, %integer_pow3A_20 : vector<2048x24xf32>
    %add3A_23 = arith.addf %add3A_19, %mul3A_22 : vector<2048x24xf32>
    %mul3A_24 = arith.constant 0.797884583 : f32
    %mul3A_25 = vector.broadcast %mul3A_24 : f32 to vector<2048x24xf32>
    %mul3A_26 = arith.mulf %mul3A_25, %add3A_23 : vector<2048x24xf32>
    %tanh3A = math.tanh %mul3A_26 : vector<2048x24xf32>
    %add3A_27 = arith.constant 1.000000e+00 : f32
    %add3A_28 = vector.broadcast %add3A_27 : f32 to vector<2048x24xf32>
    %add3A_29 = arith.addf %add3A_28, %tanh3A : vector<2048x24xf32>
    %mul3A_30 = arith.constant 5.000000e-01 : f32
    %mul3A_31 = vector.broadcast %mul3A_30 : f32 to vector<2048x24xf32>
    %mul3A_32 = arith.mulf %mul3A_31, %add3A_29 : vector<2048x24xf32>
    %mul3A_33 = arith.mulf %add3A_19, %mul3A_32 : vector<2048x24xf32>
    %get3A_34 = arith.constant 0 : index
    %get3A_35 = arith.constant 0 : index
    %get3A_36 = vector.load %arg5[%get3A_34, %get3A_35] : memref<24x1xf32, #tpu.memory_space<vmem>>, vector<24x1xf32>
    %dot_general3A_37 = arith.constant dense<0.000000e+00> : vector<2048x1xf32>
    %dot_general3A_38 = tpu.matmul %mul3A_33, %get3A_36, %dot_general3A_37 {dimension_numbers = #tpu.dot_dimension_numbers<[1], [0], [0], [1], [0, 0, 1, 1], [], []>, transpose_lhs_hint = false} : vector<2048x24xf32>, vector<24x1xf32>, vector<2048x1xf32> -> vector<2048x1xf32>
    %squeeze3A_39 = vector.shape_cast %dot_general3A_38 : vector<2048x1xf32> to vector<2048xf32>
    %get3A_40 = arith.constant 0 : index
    %get3A_41 = arith.constant 0 : index
    %get3A_42 = vector.load %arg6[%get3A_40, %get3A_41] : memref<1x1xf32, #tpu.memory_space<vmem>>, vector<1x1xf32>
    %get3A_43 = vector.extract %get3A_42[0, 0] : f32 from vector<1x1xf32>
    %add3A_44 = vector.broadcast %get3A_43 : f32 to vector<2048xf32>
    %add3A_45 = arith.addf %squeeze3A_39, %add3A_44 : vector<2048xf32>
    %reshape3A_46 = vector.shape_cast %add3A_45 : vector<2048xf32> to vector<4x4x32x4xf32>
    %reduce_sum3A = arith.constant dense<0.000000e+00> : vector<4x32xf32>
    %reduce_sum3A_47 = vector.multi_reduction <add>, %reshape3A_46, %reduce_sum3A [1, 3] : vector<4x4x32x4xf32> to vector<4x32xf32>
    %mul3A_48 = arith.constant 6.250000e-02 : f32
    %mul3A_49 = vector.broadcast %mul3A_48 : f32 to vector<4x32xf32>
    %mul3A_50 = arith.mulf %reduce_sum3A_47, %mul3A_49 : vector<4x32xf32>
    %reshape3A_51 = vector.shape_cast %mul3A_50 : vector<4x32xf32> to vector<128xf32>
    %swap3A_52 = arith.constant 0 : index
    %swap3A_53 = arith.constant 0 : index
    %swap3A_54 = arith.constant 0 : index
    %swap3A_55 = vector.load %arg7[%swap3A_52, %swap3A_53, %swap3A_54] : memref<1x1x128xf32, #tpu.memory_space<vmem>>, vector<1x1x128xf32>
    %swap3A_56 = vector.shape_cast %swap3A_55 : vector<1x1x128xf32> to vector<128xf32>
    %swap3A_57 = vector.shape_cast %reshape3A_51 : vector<128xf32> to vector<1x1x128xf32>
    tpu.vector_store %arg7[%swap3A_52, %swap3A_53, %swap3A_54], %swap3A_57 {strides = array<i32>} : memref<1x1x128xf32, #tpu.memory_space<vmem>>, vector<1x1x128xf32>,
    return
  }
  func.func @transform_0(%arg0: i32, %arg1: i32) -> (i32, i32, i32) {
    %c0_i32 = arith.constant 0 : i32
    %c0_i32_0 = arith.constant 0 : i32
    return %arg0, %c0_i32, %arg1 : i32, i32, i32
  }
  func.func @transform_1(%arg0: i32, %arg1: i32) -> (i32, i32) {
    %c0_i32 = arith.constant 0 : i32
    %c0_i32_0 = arith.constant 0 : i32
    %c0_i32_1 = arith.constant 0 : i32
    return %c0_i32, %c0_i32_0 : i32, i32
  }
  func.func @transform_2(%arg0: i32, %arg1: i32) -> (i32, i32) {
    %c0_i32 = arith.constant 0 : i32
    %c0_i32_0 = arith.constant 0 : i32
    %c0_i32_1 = arith.constant 0 : i32
    return %c0_i32, %c0_i32_0 : i32, i32
  }
  func.func @transform_3(%arg0: i32, %arg1: i32) -> (i32, i32) {
    %c0_i32 = arith.constant 0 : i32
    %c0_i32_0 = arith.constant 0 : i32
    %c0_i32_1 = arith.constant 0 : i32
    return %c0_i32, %c0_i32_0 : i32, i32
  }
  func.func @transform_4(%arg0: i32, %arg1: i32) -> (i32, i32) {
    %c0_i32 = arith.constant 0 : i32
    %c0_i32_0 = arith.constant 0 : i32
    %c0_i32_1 = arith.constant 0 : i32
    return %c0_i32, %c0_i32_0 : i32, i32
  }
  func.func @transform_5(%arg0: i32, %arg1: i32) -> (i32, i32, i32) {
    %mul3A = arith.constant 8 : i32
    %mul3A_0 = arith.muli %arg0, %mul3A : i32
    %add3A = arith.addi %mul3A_0, %arg1 : i32
    %c0_i32 = arith.constant 0 : i32
    %c0_i32_1 = arith.constant 0 : i32
    %c0_i32_2 = arith.constant 0 : i32
    return %add3A, %c0_i32, %c0_i32_1 : i32, i32, i32
  }
  func.func @transform_6(%arg0: i32, %arg1: i32) -> (i32, i32) {
    %mul3A = arith.constant 8 : i32
    %mul3A_0 = arith.muli %arg0, %mul3A : i32
    %add3A = arith.addi %mul3A_0, %arg1 : i32
    %c0_i32 = arith.constant 0 : i32
    %c0_i32_1 = arith.constant 0 : i32
    return %add3A, %c0_i32 : i32, i32
  }
}

module attributes {stable_mosaic.version = 14 : i64} {
  func.func @_select_body(%arg0: i32, %arg1: memref<1x1x1024xf32, #tpu.memory_space<vmem>>, %arg2: memref<1x1024x1xf32, #tpu.memory_space<vmem>>, %arg3: memref<1x716x4xi32, #tpu.memory_space<vmem>>, %arg4: memref<1x716x16xi32, #tpu.memory_space<vmem>>) attributes {dimension_semantics = [#tpu.dimension_semantics<arbitrary>], iteration_bounds = array<i64: 16>, scalar_prefetch = 0 : i64, scratch_operands = 0 : i64, tpu.core_type = #tpu.core_type<tc>, window_params = [{transform_indices = @transform_0, window_bounds = array<i64: 1, 1, 1024>}, {transform_indices = @transform_1, window_bounds = array<i64: 1, 1024, 1>}, {transform_indices = @transform_2, window_bounds = array<i64: 1, 716, 4>}, {transform_indices = @transform_3, window_bounds = array<i64: 1, 716, 16>}]} {
    %get3A = arith.constant 0 : index
    %get3A_0 = arith.constant 0 : index
    %get3A_1 = arith.constant 0 : index
    %get3A_2 = vector.load %arg1[%get3A, %get3A_0, %get3A_1] : memref<1x1x1024xf32, #tpu.memory_space<vmem>>, vector<1x1x1024xf32>
    %get3A_3 = vector.shape_cast %get3A_2 : vector<1x1x1024xf32> to vector<1x1024xf32>
    %get3A_4 = arith.constant 0 : index
    %get3A_5 = arith.constant 0 : index
    %get3A_6 = arith.constant 0 : index
    %get3A_7 = vector.load %arg2[%get3A_4, %get3A_5, %get3A_6] : memref<1x1024x1xf32, #tpu.memory_space<vmem>>, vector<1x1024x1xf32>
    %get3A_8 = vector.shape_cast %get3A_7 : vector<1x1024x1xf32> to vector<1024x1xf32>
    %iota3A = tpu.iota {dimensions = array<i32: 0>} : vector<1024x1024xi32>
    %iota3A_9 = tpu.iota {dimensions = array<i32: 1>} : vector<1024x1024xi32>
    %gt3A = vector.broadcast %get3A_3 : vector<1x1024xf32> to vector<1024x1024xf32>
    %gt3A_10 = vector.broadcast %get3A_8 : vector<1024x1xf32> to vector<1024x1024xf32>
    %gt3A_11 = arith.cmpf ogt, %gt3A, %gt3A_10 : vector<1024x1024xf32>
    %eq3A = vector.broadcast %get3A_3 : vector<1x1024xf32> to vector<1024x1024xf32>
    %eq3A_12 = vector.broadcast %get3A_8 : vector<1024x1xf32> to vector<1024x1024xf32>
    %eq3A_13 = arith.cmpf oeq, %eq3A, %eq3A_12 : vector<1024x1024xf32>
    %lt3A = arith.cmpi slt, %iota3A_9, %iota3A : vector<1024x1024xi32>
    %and3A = arith.andi %eq3A_13, %lt3A : vector<1024x1024xi1>
    %or3A = arith.ori %gt3A_11, %and3A : vector<1024x1024xi1>
    %gt3A_14 = vector.broadcast %get3A_8 : vector<1024x1xf32> to vector<1024x1024xf32>
    %gt3A_15 = vector.broadcast %get3A_3 : vector<1x1024xf32> to vector<1024x1024xf32>
    %gt3A_16 = arith.cmpf ogt, %gt3A_14, %gt3A_15 : vector<1024x1024xf32>
    %eq3A_17 = vector.broadcast %get3A_8 : vector<1024x1xf32> to vector<1024x1024xf32>
    %eq3A_18 = vector.broadcast %get3A_3 : vector<1x1024xf32> to vector<1024x1024xf32>
    %eq3A_19 = arith.cmpf oeq, %eq3A_17, %eq3A_18 : vector<1024x1024xf32>
    %lt3A_20 = arith.cmpi slt, %iota3A, %iota3A_9 : vector<1024x1024xi32>
    %and3A_21 = arith.andi %eq3A_19, %lt3A_20 : vector<1024x1024xi1>
    %or3A_22 = arith.ori %gt3A_16, %and3A_21 : vector<1024x1024xi1>
    %convert_element_type3A = arith.extui %or3A : vector<1024x1024xi1> to vector<1024x1024xi32>
    %reduce_sum3A = arith.constant dense<0> : vector<1024xi32>
    %reduce_sum3A_23 = vector.multi_reduction <add>, %convert_element_type3A, %reduce_sum3A [1] : vector<1024x1024xi32> to vector<1024xi32>
    %broadcast_in_dim3A = vector.shape_cast %reduce_sum3A_23 : vector<1024xi32> to vector<1024x1xi32>
    %convert_element_type3A_24 = arith.extui %or3A_22 : vector<1024x1024xi1> to vector<1024x1024xi32>
    %reduce_sum3A_25 = arith.constant dense<0> : vector<1024xi32>
    %reduce_sum3A_26 = vector.multi_reduction <add>, %convert_element_type3A_24, %reduce_sum3A_25 [0] : vector<1024x1024xi32> to vector<1024xi32>
    %broadcast_in_dim3A_27 = vector.shape_cast %reduce_sum3A_26 : vector<1024xi32> to vector<1x1024xi32>
    %lt3A_28 = arith.constant 716 : i32
    %lt3A_29 = vector.broadcast %lt3A_28 : i32 to vector<1024x1xi32>
    %lt3A_30 = arith.cmpi slt, %broadcast_in_dim3A, %lt3A_29 : vector<1024x1xi32>
    %lt3A_31 = arith.constant 716 : i32
    %lt3A_32 = vector.broadcast %lt3A_31 : i32 to vector<1x1024xi32>
    %lt3A_33 = arith.cmpi slt, %broadcast_in_dim3A_27, %lt3A_32 : vector<1x1024xi32>
    %le3A = arith.cmpi sle, %iota3A, %iota3A_9 : vector<1024x1024xi32>
    %and3A_34 = vector.broadcast %lt3A_30 : vector<1024x1xi1> to vector<1024x1024xi1>
    %and3A_35 = arith.andi %and3A_34, %le3A : vector<1024x1024xi1>
    %convert_element_type3A_36 = arith.extui %and3A_35 : vector<1024x1024xi1> to vector<1024x1024xi32>
    %reduce_sum3A_37 = arith.constant dense<0> : vector<1024xi32>
    %reduce_sum3A_38 = vector.multi_reduction <add>, %convert_element_type3A_36, %reduce_sum3A_37 [0] : vector<1024x1024xi32> to vector<1024xi32>
    %broadcast_in_dim3A_39 = vector.shape_cast %reduce_sum3A_38 : vector<1024xi32> to vector<1x1024xi32>
    %sub3A = arith.constant 1 : i32
    %sub3A_40 = vector.broadcast %sub3A : i32 to vector<1x1024xi32>
    %sub3A_41 = arith.subi %broadcast_in_dim3A_39, %sub3A_40 : vector<1x1024xi32>
    %jit3A = arith.constant -1 : i32
    %broadcast_in_dim3A_42 = vector.broadcast %jit3A : i32 to vector<1x1024xi32>
    %select_n3A = arith.select %lt3A_33, %sub3A_41, %broadcast_in_dim3A_42 : vector<1x1024xi1>, vector<1x1024xi32>
    %iota3A_43 = tpu.iota {dimensions = array<i32: 0>} : vector<716x1024xi32>
    %iota3A_44 = tpu.iota {dimensions = array<i32: 1>} : vector<716x1024xi32>
    %eq3A_45 = vector.broadcast %select_n3A : vector<1x1024xi32> to vector<716x1024xi32>
    %eq3A_46 = arith.cmpi eq, %eq3A_45, %iota3A_43 : vector<716x1024xi32>
    %jit3A_47 = arith.constant 0 : i32
    %broadcast_in_dim3A_48 = vector.broadcast %jit3A_47 : i32 to vector<716x1024xi32>
    %select_n3A_49 = arith.select %eq3A_46, %iota3A_44, %broadcast_in_dim3A_48 : vector<716x1024xi1>, vector<716x1024xi32>
    %reduce_sum3A_50 = arith.constant dense<0> : vector<716xi32>
    %reduce_sum3A_51 = vector.multi_reduction <add>, %select_n3A_49, %reduce_sum3A_50 [1] : vector<716x1024xi32> to vector<716xi32>
    %broadcast_in_dim3A_52 = vector.shape_cast %reduce_sum3A_51 : vector<716xi32> to vector<716x1xi32>
    %jit3A_53 = arith.constant 32 : i32
    %div3A = vector.broadcast %jit3A_53 : i32 to vector<716x1xi32>
    %div3A_54 = arith.divsi %broadcast_in_dim3A_52, %div3A : vector<716x1xi32>
    %sign3A = arith.constant 0 : i32
    %sign3A_55 = vector.broadcast %sign3A : i32 to vector<716x1xi32>
    %sign3A_56 = arith.cmpi sgt, %broadcast_in_dim3A_52, %sign3A_55 : vector<716x1xi32>
    %sign3A_57 = arith.extui %sign3A_56 : vector<716x1xi1> to vector<716x1xi32>
    %sign3A_58 = arith.constant 0 : i32
    %sign3A_59 = vector.broadcast %sign3A_58 : i32 to vector<716x1xi32>
    %sign3A_60 = arith.cmpi slt, %broadcast_in_dim3A_52, %sign3A_59 : vector<716x1xi32>
    %sign3A_61 = arith.extui %sign3A_60 : vector<716x1xi1> to vector<716x1xi32>
    %sign3A_62 = arith.subi %sign3A_57, %sign3A_61 : vector<716x1xi32>
    %sign3A_63 = arith.constant 0 : i32
    %sign3A_64 = arith.cmpi sgt, %jit3A_53, %sign3A_63 : i32
    %sign3A_65 = arith.extui %sign3A_64 : i1 to i32
    %sign3A_66 = arith.constant 0 : i32
    %sign3A_67 = arith.cmpi slt, %jit3A_53, %sign3A_66 : i32
    %sign3A_68 = arith.extui %sign3A_67 : i1 to i32
    %sign3A_69 = arith.subi %sign3A_65, %sign3A_68 : i32
    %ne3A = vector.broadcast %sign3A_69 : i32 to vector<716x1xi32>
    %ne3A_70 = arith.cmpi ne, %sign3A_62, %ne3A : vector<716x1xi32>
    %rem3A = vector.broadcast %jit3A_53 : i32 to vector<716x1xi32>
    %rem3A_71 = arith.remsi %broadcast_in_dim3A_52, %rem3A : vector<716x1xi32>
    %ne3A_72 = arith.constant 0 : i32
    %ne3A_73 = vector.broadcast %ne3A_72 : i32 to vector<716x1xi32>
    %ne3A_74 = arith.cmpi ne, %rem3A_71, %ne3A_73 : vector<716x1xi32>
    %and3A_75 = arith.andi %ne3A_70, %ne3A_74 : vector<716x1xi1>
    %sub3A_76 = arith.constant 1 : i32
    %sub3A_77 = vector.broadcast %sub3A_76 : i32 to vector<716x1xi32>
    %sub3A_78 = arith.subi %div3A_54, %sub3A_77 : vector<716x1xi32>
    %select_n3A_79 = arith.select %and3A_75, %sub3A_78, %div3A_54 : vector<716x1xi1>, vector<716x1xi32>
    %mul3A = arith.constant 32 : i32
    %mul3A_80 = vector.broadcast %mul3A : i32 to vector<716x1xi32>
    %mul3A_81 = arith.muli %select_n3A_79, %mul3A_80 : vector<716x1xi32>
    %sub3A_82 = arith.subi %broadcast_in_dim3A_52, %mul3A_81 : vector<716x1xi32>
    %iota3A_83 = tpu.iota {dimensions = array<i32: 1>} : vector<716x4xi32>
    %mul3A_84 = arith.constant 4096 : i32
    %mul3A_85 = arith.muli %arg0, %mul3A_84 : i32
    %mul3A_86 = arith.constant 128 : i32
    %mul3A_87 = vector.broadcast %mul3A_86 : i32 to vector<716x1xi32>
    %mul3A_88 = arith.muli %select_n3A_79, %mul3A_87 : vector<716x1xi32>
    %add3A = arith.addi %mul3A_88, %sub3A_82 : vector<716x1xi32>
    %add3A_89 = vector.broadcast %mul3A_85 : i32 to vector<716x1xi32>
    %add3A_90 = arith.addi %add3A_89, %add3A : vector<716x1xi32>
    %mul3A_91 = arith.constant 32 : i32
    %mul3A_92 = vector.broadcast %mul3A_91 : i32 to vector<716x4xi32>
    %mul3A_93 = arith.muli %iota3A_83, %mul3A_92 : vector<716x4xi32>
    %add3A_94 = vector.broadcast %add3A_90 : vector<716x1xi32> to vector<716x4xi32>
    %add3A_95 = arith.addi %add3A_94, %mul3A_93 : vector<716x4xi32>
    %swap3A = arith.constant 0 : index
    %swap3A_96 = arith.constant 0 : index
    %swap3A_97 = arith.constant 0 : index
    %swap3A_98 = vector.load %arg3[%swap3A, %swap3A_96, %swap3A_97] : memref<1x716x4xi32, #tpu.memory_space<vmem>>, vector<1x716x4xi32>
    %swap3A_99 = vector.shape_cast %swap3A_98 : vector<1x716x4xi32> to vector<716x4xi32>
    %swap3A_100 = vector.shape_cast %add3A_95 : vector<716x4xi32> to vector<1x716x4xi32>
    tpu.vector_store %arg3[%swap3A, %swap3A_96, %swap3A_97], %swap3A_100 {strides = array<i32>} : memref<1x716x4xi32, #tpu.memory_space<vmem>>, vector<1x716x4xi32>,
    %iota3A_101 = tpu.iota {dimensions = array<i32: 1>} : vector<716x16xi32>
    %jit3A_102 = arith.constant 4 : i32
    %div3A_103 = vector.broadcast %jit3A_102 : i32 to vector<716x16xi32>
    %div3A_104 = arith.divsi %iota3A_101, %div3A_103 : vector<716x16xi32>
    %sign3A_105 = arith.constant 0 : i32
    %sign3A_106 = vector.broadcast %sign3A_105 : i32 to vector<716x16xi32>
    %sign3A_107 = arith.cmpi sgt, %iota3A_101, %sign3A_106 : vector<716x16xi32>
    %sign3A_108 = arith.extui %sign3A_107 : vector<716x16xi1> to vector<716x16xi32>
    %sign3A_109 = arith.constant 0 : i32
    %sign3A_110 = vector.broadcast %sign3A_109 : i32 to vector<716x16xi32>
    %sign3A_111 = arith.cmpi slt, %iota3A_101, %sign3A_110 : vector<716x16xi32>
    %sign3A_112 = arith.extui %sign3A_111 : vector<716x16xi1> to vector<716x16xi32>
    %sign3A_113 = arith.subi %sign3A_108, %sign3A_112 : vector<716x16xi32>
    %sign3A_114 = arith.constant 0 : i32
    %sign3A_115 = arith.cmpi sgt, %jit3A_102, %sign3A_114 : i32
    %sign3A_116 = arith.extui %sign3A_115 : i1 to i32
    %sign3A_117 = arith.constant 0 : i32
    %sign3A_118 = arith.cmpi slt, %jit3A_102, %sign3A_117 : i32
    %sign3A_119 = arith.extui %sign3A_118 : i1 to i32
    %sign3A_120 = arith.subi %sign3A_116, %sign3A_119 : i32
    %ne3A_121 = vector.broadcast %sign3A_120 : i32 to vector<716x16xi32>
    %ne3A_122 = arith.cmpi ne, %sign3A_113, %ne3A_121 : vector<716x16xi32>
    %rem3A_123 = vector.broadcast %jit3A_102 : i32 to vector<716x16xi32>
    %rem3A_124 = arith.remsi %iota3A_101, %rem3A_123 : vector<716x16xi32>
    %ne3A_125 = arith.constant 0 : i32
    %ne3A_126 = vector.broadcast %ne3A_125 : i32 to vector<716x16xi32>
    %ne3A_127 = arith.cmpi ne, %rem3A_124, %ne3A_126 : vector<716x16xi32>
    %and3A_128 = arith.andi %ne3A_122, %ne3A_127 : vector<716x16xi1>
    %sub3A_129 = arith.constant 1 : i32
    %sub3A_130 = vector.broadcast %sub3A_129 : i32 to vector<716x16xi32>
    %sub3A_131 = arith.subi %div3A_104, %sub3A_130 : vector<716x16xi32>
    %select_n3A_132 = arith.select %and3A_128, %sub3A_131, %div3A_104 : vector<716x16xi1>, vector<716x16xi32>
    %mul3A_133 = arith.constant 128 : i32
    %mul3A_134 = vector.broadcast %mul3A_133 : i32 to vector<716x16xi32>
    %mul3A_135 = arith.muli %select_n3A_132, %mul3A_134 : vector<716x16xi32>
    %jit3A_136 = arith.constant 4 : i32
    %eq3A_137 = arith.constant 0 : i32
    %eq3A_138 = arith.cmpi eq, %jit3A_136, %eq3A_137 : i32
    %jit3A_139 = arith.constant 1 : i32
    %select_n3A_140 = arith.select %eq3A_138, %jit3A_139, %jit3A_136 : i32
    %rem3A_141 = vector.broadcast %select_n3A_140 : i32 to vector<716x16xi32>
    %rem3A_142 = arith.remsi %iota3A_101, %rem3A_141 : vector<716x16xi32>
    %ne3A_143 = arith.constant 0 : i32
    %ne3A_144 = vector.broadcast %ne3A_143 : i32 to vector<716x16xi32>
    %ne3A_145 = arith.cmpi ne, %rem3A_142, %ne3A_144 : vector<716x16xi32>
    %lt3A_146 = arith.constant 0 : i32
    %lt3A_147 = vector.broadcast %lt3A_146 : i32 to vector<716x16xi32>
    %lt3A_148 = arith.cmpi slt, %rem3A_142, %lt3A_147 : vector<716x16xi32>
    %lt3A_149 = arith.constant 0 : i32
    %lt3A_150 = arith.cmpi slt, %select_n3A_140, %lt3A_149 : i32
    %ne3A_151 = vector.broadcast %lt3A_150 : i1 to vector<716x16xi1>
    %ne3A_152 = vector.broadcast %ne3A_151 : vector<716x16xi1> to vector<716x16xi1>
    %ne3A_153 = arith.xori %lt3A_148, %ne3A_152 : vector<716x16xi1>
    %and3A_154 = arith.andi %ne3A_153, %ne3A_145 : vector<716x16xi1>
    %add3A_155 = vector.broadcast %select_n3A_140 : i32 to vector<716x16xi32>
    %add3A_156 = arith.addi %rem3A_142, %add3A_155 : vector<716x16xi32>
    %select_n3A_157 = arith.select %and3A_154, %add3A_156, %rem3A_142 : vector<716x16xi1>, vector<716x16xi32>
    %add3A_158 = arith.addi %mul3A_135, %select_n3A_157 : vector<716x16xi32>
    %mul3A_159 = arith.constant 512 : i32
    %mul3A_160 = vector.broadcast %mul3A_159 : i32 to vector<716x1xi32>
    %mul3A_161 = arith.muli %select_n3A_79, %mul3A_160 : vector<716x1xi32>
    %mul3A_162 = arith.constant 4 : i32
    %mul3A_163 = vector.broadcast %mul3A_162 : i32 to vector<716x1xi32>
    %mul3A_164 = arith.muli %sub3A_82, %mul3A_163 : vector<716x1xi32>
    %add3A_165 = arith.addi %mul3A_161, %mul3A_164 : vector<716x1xi32>
    %add3A_166 = vector.broadcast %add3A_165 : vector<716x1xi32> to vector<716x16xi32>
    %add3A_167 = arith.addi %add3A_166, %add3A_158 : vector<716x16xi32>
    %swap3A_168 = arith.constant 0 : index
    %swap3A_169 = arith.constant 0 : index
    %swap3A_170 = arith.constant 0 : index
    %swap3A_171 = vector.load %arg4[%swap3A_168, %swap3A_169, %swap3A_170] : memref<1x716x16xi32, #tpu.memory_space<vmem>>, vector<1x716x16xi32>
    %swap3A_172 = vector.shape_cast %swap3A_171 : vector<1x716x16xi32> to vector<716x16xi32>
    %swap3A_173 = vector.shape_cast %add3A_167 : vector<716x16xi32> to vector<1x716x16xi32>
    tpu.vector_store %arg4[%swap3A_168, %swap3A_169, %swap3A_170], %swap3A_173 {strides = array<i32>} : memref<1x716x16xi32, #tpu.memory_space<vmem>>, vector<1x716x16xi32>,
    return
  }
  func.func @transform_0(%arg0: i32) -> (i32, i32, i32) {
    %c0_i32 = arith.constant 0 : i32
    %c0_i32_0 = arith.constant 0 : i32
    %c0_i32_1 = arith.constant 0 : i32
    return %arg0, %c0_i32, %c0_i32_0 : i32, i32, i32
  }
  func.func @transform_1(%arg0: i32) -> (i32, i32, i32) {
    %c0_i32 = arith.constant 0 : i32
    %c0_i32_0 = arith.constant 0 : i32
    %c0_i32_1 = arith.constant 0 : i32
    return %arg0, %c0_i32, %c0_i32_0 : i32, i32, i32
  }
  func.func @transform_2(%arg0: i32) -> (i32, i32, i32) {
    %c0_i32 = arith.constant 0 : i32
    %c0_i32_0 = arith.constant 0 : i32
    %c0_i32_1 = arith.constant 0 : i32
    return %arg0, %c0_i32, %c0_i32_0 : i32, i32, i32
  }
  func.func @transform_3(%arg0: i32) -> (i32, i32, i32) {
    %c0_i32 = arith.constant 0 : i32
    %c0_i32_0 = arith.constant 0 : i32
    %c0_i32_1 = arith.constant 0 : i32
    return %arg0, %c0_i32, %c0_i32_0 : i32, i32, i32
  }
}

</mosaic_0001>

<sc_bundles>
// kernel: kernel.5.cloned.1.call-start
scs
__scs_entry_jumppad:
0x0: {  	(pc) =	sbr.rel $0x88, $3  }
0x1: {  	(tag) =	ssettag $0x0;
	lr =	simm.s32 $0x1  }
0x2: {  	[smem:$0x3F9C] =	sst lr;
	_ =	strace $0xD0000000  }
0x3: {  	_ = 	snop  }
0x4: {  	_ = 	snop  }
0x5: {  	_ = 	snop  }
0x6: {  	_ = 	snop  }
0x7: {  	_ = 	snop  }
__scs_overlays_trampoline_lowered:
0x8: {  	[smem:$0x3FAB] =	sst s0  }
0x9: {  	[smem:$0x3FAC] =	sst s1  }
0xa: {  	[smem:$0x3FAD] =	sst s2  }
0xb: {  	[smem:$0x3FAE] =	sst s3  }
0xc: {  	[smem:$0x3FAF] =	sst s4  }
0xd: {  	[smem:$0x3FB0] =	sst s5  }
0xe: {  	[smem:$0x3FB1] =	sst s6  }
0xf: {  	[smem:$0x3FB2] =	sst s7  }
0x10: {  	[smem:$0x3FB3] =	sst s8  }
0x11: {  	[smem:$0x3FB4] =	sst s9;
	s0 =	simm.s32 @!p0 $0x0  }
0x12: {  	s1 =	sld [smem:$0x3F9A];
	s0 =	simm.s32 @p0 $0x1  }
0x13: {  	[smem:$0x3FB5] =	sst s0;
	s0 =	simm.s32 @!p1 $0x0  }
0x14: {  	s2 =	sld [smem:$0x3F99];
	s0 =	simm.s32 @p1 $0x1  }
0x15: {  	[smem:$0x3FB6] =	sst s0;
	s0 =	simm.s32 @!p2 $0x0  }
0x16: {  	s3 =	sld [smem:$0x3FDB];
	s0 =	simm.s32 @p2 $0x1  }
0x17: {  	s4 =	simm.s32 $0x1BF5;
	[smem:$0x3FB8] =	sst s0  }
0x18: {  	s0 =	sld [smem:$0x3F9B];
	_ =	swait.ge [sflag:s4], $0x0  }
0x19: {  	s7 =	sld [smem:$0x3F9C]  }
0x1a: {  	s8 =	sadd.s32 $0xFFFFE003, lr  }
0x1b: {  	s9 =	sadd.s32 $0xFFFFFEF7, lr;
	s5 =	simm.s32 $0xFFFFFFFF;
	p2 =	slt.u32 s8, $0xFFFFF086  }
0x1c: {  	p1 =	slt.u32 s9, $0xF7A;
	s5 =	simm.s32 @!p2 $0x0  }
0x1d: {  	s5 =	simm.s32 @p1 $0x1;
	p0 =	seq.s32 s7, s2  }
0x1e: {  	s7 =	smul.u32 @!p0 $0xF7A, s2;
	p2 =	seq.s32 @!p0 s5, $0x0  }
0x1f: {  	s9 =	smul.u32 $0xF7A, s1;
	s8 =	simm.s32 @!p0 $0x1BF5;
	p2 =	por !p2, p0  }
0x20: {  	[sflag:s8] =	ssyncset.s32 @!p0 $0xFFFFF086;
	s6 =	sadd.s32 @!p0 s3, s7;
	s7 =	simm.s32 @!p0 $0x108  }
0x21: {  	s3 =	sadd.s32 s3, s9;
	s6 =	sadd.s32 @!p0 $0x88, s6;
	s7 =	simm.s32 @p2 $0x1082  }
0x22: {  	[simem:s7], [sflag:s8] =	dma.local @!p0 [hbm:s6], $0xF7A  }
0x23: {  	s9 =	sor.u32 $0xD0000000, s2;
	s6 =	simm.s32 $0x108;
	_ =	swait.ge @!p0 [sflag:s8], $0x0  }
0x24: {  	s3 =	sadd.s32 $0x88, s3;
	s6 =	simm.s32 @!p1 $0x1082;
	[sflag:s4] =	ssyncset.s32 $0xFFFFF086  }
0x25: {  	[simem:s6], [sflag:s4] =	dma.local [hbm:s3], $0xF7A  }
0x26: {  	[smem:$0x3F9C] =	sst s1;
	(tag) =	ssettag s2;
	_ =	strace s9  }
0x27: {  	s1 =	sld [smem:$0x3FAC]  }
0x28: {  	s2 =	sld [smem:$0x3FAD]  }
0x29: {  	s4 =	sld [smem:$0x3FAF]  }
0x2a: {  	p0 =	seq.s32 s5, $0x0;
	s5 =	sld [smem:$0x3FB0]  }
0x2b: {  	s6 =	sld [smem:$0x3FB1]  }
0x2c: {  	s7 =	sld [smem:$0x3FB2]  }
0x2d: {  	s3 =	simm.s32 $0x108;
	s8 =	sld [smem:$0x3FB3]  }
0x2e: {  	s3 =	simm.s32 @!p0 $0x1082;
	s9 =	sld [smem:$0x3FB4]  }
0x2f: {  	lr =	sadd.s32 s0, s3;
	s0 =	sld [smem:$0x3FAB]  }
0x30: {  	s3 =	sld [smem:$0x3FAE]  }
0x31: {  	[smem:$0x3FB7] =	sst s10  }
0x32: {  	s10 =	sld [smem:$0x3FB5];
	_ =	sdelay $0x3  }
0x33: {  	p0 =	seq.s32 s10, $0x1;
	s10 =	sld [smem:$0x3FB7];
	_ =	sdelay $0x3  }
0x34: {  	[smem:$0x3FB7] =	sst s10  }
0x35: {  	s10 =	sld [smem:$0x3FB6];
	_ =	sdelay $0x3  }
0x36: {  	p1 =	seq.s32 s10, $0x1;
	s10 =	sld [smem:$0x3FB7];
	_ =	sdelay $0x3  }
0x37: {  	[smem:$0x3FB7] =	sst s10  }
0x38: {  	s10 =	sld [smem:$0x3FB8]  }
0x39: {  	_ = 	snop;
	(pc) =	sbr.ind lr, $3  }
0x3a: {  	_ = 	snop  }
0x3b: {  	_ = 	snop  }
0x3c: {  	p2 =	seq.s32 s10, $0x1;
	s10 =	sld [smem:$0x3FB7]  }
0x3d: {  	_ =	shalt  }
0x3e: {  	_ =	shalt  }
0x3f: {  	_ =	shalt  }
0x40: {  	_ =	shalt  }
0x41: {  	_ =	shalt  }
0x42: {  	_ =	shalt  }
0x43: {  	_ =	shalt  }
0x44: {  	_ =	shalt  }
0x45: {  	_ =	shalt  }
0x46: {  	_ =	shalt  }
0x47: {  	_ =	shalt  }
0x48: {  	_ =	shalt  }
0x49: {  	_ =	shalt  }
0x4a: {  	_ =	shalt  }
0x4b: {  	_ =	shalt  }
0x4c: {  	_ =	shalt  }
0x4d: {  	_ =	shalt  }
0x4e: {  	_ =	shalt  }
0x4f: {  	_ =	shalt  }
0x50: {  	_ =	shalt  }
0x51: {  	_ =	shalt  }
0x52: {  	_ =	shalt  }
0x53: {  	_ =	shalt  }
0x54: {  	_ =	shalt  }
0x55: {  	_ =	shalt  }
0x56: {  	_ =	shalt  }
0x57: {  	_ =	shalt  }
0x58: {  	_ =	shalt  }
0x59: {  	_ =	shalt  }
0x5a: {  	_ =	shalt  }
0x5b: {  	_ =	shalt  }
0x5c: {  	_ =	shalt  }
0x5d: {  	_ =	shalt  }
0x5e: {  	_ =	shalt  }
0x5f: {  	_ =	shalt  }
0x60: {  	_ =	shalt  }
0x61: {  	_ =	shalt  }
0x62: {  	_ =	shalt  }
0x63: {  	_ =	shalt  }
0x64: {  	_ =	shalt  }
0x65: {  	_ =	shalt  }
0x66: {  	_ =	shalt  }
0x67: {  	_ =	shalt  }
0x68: {  	_ =	shalt  }
0x69: {  	_ =	shalt  }
0x6a: {  	_ =	shalt  }
0x6b: {  	_ =	shalt  }
0x6c: {  	_ =	shalt  }
0x6d: {  	_ =	shalt  }
0x6e: {  	_ =	shalt  }
0x6f: {  	_ =	shalt  }
0x70: {  	_ =	shalt  }
0x71: {  	_ =	shalt  }
0x72: {  	_ =	shalt  }
0x73: {  	_ =	shalt  }
0x74: {  	_ =	shalt  }
0x75: {  	_ =	shalt  }
0x76: {  	_ =	shalt  }
0x77: {  	_ =	shalt  }
0x78: {  	_ =	shalt  }
0x79: {  	_ =	shalt  }
0x7a: {  	_ =	shalt  }
0x7b: {  	_ =	shalt  }
0x7c: {  	_ =	shalt  }
0x7d: {  	_ =	shalt  }
0x7e: {  	_ =	shalt  }
0x7f: {  	_ =	shalt  }
0x80: {  	_ =	shalt  }
0x81: {  	_ =	shalt  }
0x82: {  	_ =	shalt  }
0x83: {  	_ =	shalt  }
0x84: {  	_ =	shalt  }
0x85: {  	_ =	shalt  }
0x86: {  	_ =	shalt  }
0x87: {  	_ =	shalt  }
.Lfunc_end0:
.L_simem_size_0:
called_computation.1_lowered:
.L_overlay_start_0:
0x88: {  	s2 =	sld [smem:$0x3FD9]  }
0x89: {  	s3 =	sld [smem:$0x3FFE];
	_ =	sdelay $0x1  }
0x8a: {  	s1 =	srdreg.scid  }
0x8b: {  	s0 =	sand.u32 $0x1, s1  }
0x8c: {  	s14 =	sshll.u32 s0, $0xA;
	s2 =	sadd.s32 s3, s2  }
0x8d: {  	s2 =	sadd.s32 s2, s14  }
0x8e: {  	[smem:$0x3FC3] =	sst s2  }
0x8f: {  	_ = 	snop  }
0x90: {  	s2 =	sld [smem:$0x3FD0];
	_ =	sdelay $0x2  }
0x91: {  	s15 =	simm.s32 $0xA;
	s4 =	simm.s32 $0x10  }
0x92: {  	[smem:s4], [sflag:s15] =	dma.local [hbm:s2], $0x1  }
0x93: {  	_ =	swait.eq [sflag:s15], $0x1  }
0x94: {  	[sflag:s15] =	ssyncset.done $0x0  }
0x95: {  	s16 =	sld [smem:$0x10];
	[sflag:s15] =	ssyncadd.s32 $0xFFFFFFFF  }
0x96: {  	s17 =	sld [smem:$0x11];
	(tm) =	ssettm $0x1  }
0x97: {  	s18 =	sld [smem:$0x3FFB];
	_ =	sdelay $0x3  }
0x98: {  	_ =	strace s18  }
0x99: {  	s4 =	sld [smem:$0x3FFC];
	_ =	sdelay $0x3  }
0x9a: {  	_ =	strace s4  }
0x9b: {  	s4 =	sld [smem:$0x3FFD];
	_ =	sdelay $0x3  }
0x9c: {  	_ =	strace s4  }
0x9d: {  	_ =	strace $0x8FFFFFFF  }
0x9e: {  	s19 =	sld [smem:$0x3FDB];
	_ =	sdelay $0x1  }
0x9f: {  	s5 =	simm.s32 $_scs_section_size  }
0xa0: {  	s6 =	simm.s32 $_size__tile_overlayer_lowered;
	s7 =	simm.s32 $_tile_overlayer_lowered  }
0xa1: {  	s22 =	simm.s32 $0x1BFF;
	s21 =	sshll.u32 s7, $0x1;
	s4 =	sadd.s32 s5, s19  }
0xa2: {  	s8 =	simm.s32 $0x0;
	s20 =	sshll.u32 s6, $0x1;
	s6 =	sadd.s32 s21, s4  }
0xa3: {  	[timem:s8], [sflag:s22] =	dma.local [hbm:s6], s20  }
0xa4: {  	_ =	swait.ge [sflag:s22], s20  }
0xa5: {  	s5 =	ssub.s32 $0x0, s20;
	[sflag:s22] =	ssyncset.done $0x0  }
0xa6: {  	[sflag:s22] =	ssyncadd.s32 s5;
	_ =	sdelay $0x1  }
0xa7: {  	s23 =	simm.s32 $0x1B8B  }
0xa8: {  	_ =	swait.ge [sflag:s23], $0x1  }
0xa9: {  	[sflag:s23] =	ssyncset.done $0x0  }
0xaa: {  	s25 =	simm.s32 $0x1B8E;
	s24 =	sld [smem:$0x3FFE];
	[sflag:s23] =	ssyncadd.s32 $0xFFFFFFFF  }
0xab: {  	s26 =	simm.s32 $execute0_lowered;
	[smem:$0x3FD2] =	sst s25  }
0xac: {  	s6 =	sshll.u32 s26, $0x1;
	_ =	strace $0x80000046;
	[dreg:$0x1] =	wrdreg $0xFFFFFFFF  }
0xad: {  	s28 =	simm.s32 $_size_execute0_lowered;
	s4 =	sadd.s32 s4, s6;
	[dreg:$0x0] =	wrdreg $0x0  }
0xae: {  	s6 =	sshll.u32 s28, $0x1;
	[dreg:$0x2] =	wrdreg s4  }
0xaf: {  	[dreg:$0x3] =	wrdreg s6  }
0xb0: {  	[dreg:$0x4] =	wrdreg $0xC0  }
0xb1: {  	_ =	task [dreg:s8], $0x5FFFF  }
0xb2: {  	[dreg:$0x1] =	wrdreg $0xFFFFFFFF  }
0xb3: {  	[dreg:$0x0] =	wrdreg $0x60  }
0xb4: {  	[dreg:$0x2] =	wrdreg s24  }
0xb5: {  	[dreg:$0x3] =	wrdreg s17  }
0xb6: {  	[dreg:$0x4] =	wrdreg s16  }
0xb7: {  	[dreg:$0x5] =	wrdreg $0x9  }
0xb8: {  	_ =	task.clear_ibuf [dreg:s8], $0x6FFFF;
	_ =	strace $0x90000046  }
0xb9: {  	s29 =	simm.s32 $0x9;
	_ =	strace $0x80000048  }
0xba: {  	_ =	swait.ge [sflag:s29], $0x1  }
0xbb: {  	[sflag:s29] =	ssyncadd.s32 $0xFFFFFFFF  }
0xbc: {  	_ =	strace $0x90000048  }
0xbd: {  	_ =	sfence  }
0xbe: {  	s30 =	sld [smem:$0x0];
	_ =	sdelay $0x2  }
0xbf: {  	s31 =	sshll.u32 s1, $0xD;
	s1 =	sshrl.u32 s1, $0x2  }
0xc0: {  	s3 =	sand.u32 $0x4000, s31;
	s1 =	sadd.s32 s1, s30  }
0xc1: {  	s0 =	sor.u32 s3, s0;
	s1 =	sshll.u32 s1, $0x11  }
0xc2: {  	s0 =	sor.u32 s1, s0  }
0xc3: {  	s0 =	sadd.s32 $0x8F2B, s0  }
0xc4: {  	[sflag:s0] =	ssyncadd.remote.s32 $0x1  }
0xc5: {  	_ =	sfence.sel $0xFFFF  }
0xc6: {  	[dreg:$0x0] =	wrdreg $0xFFFFFFFF;
	(pc) =	sbr.abs _section_cstart, $3  }
0xc7: {  	[dreg:$0x1] =	wrdreg $0xFFFFFFFF  }
0xc8: {  	_ =	task.clear_ibuf [dreg:s8], $0x2FFFF;
	_ =	strace $0x9FFFFFFF  }
0xc9: {  	(tm) =	ssettm $0x7FFFFFFF  }
tec
execute0_lowered:
.L_overlay_start_1:
0x0: {  	(tag) =	ssettag $0x1  }
0x1: {  	s0 =	srdreg.scid;
	s1 =	stileid.u32  }
0x2: {  	s3 =	rddreg [dreg:$0x0];
	s0 =	sand.u32 $0x1, s0;
	s1 =	sshll.u32 s1, $0x1  }
0x3: {  	s4 =	rddreg [dreg:$0x1];
	s1 =	sor.u32 s0, s1  }
0x4: {  	s5 =	rddreg [dreg:$0x2];
	s2 =	simm.s32 $0x0;
	s1 =	smul.u32 $0x598, s1  }
0x5: {  	s24 =	simm.s32 $0xC080;
	s26 =	simm.s32 $0xC900;
	[smem:$0x7FF] =	sst s2  }
0x6: {  	_ =	strace $0x80000047;
	[dreg:$0x1a] =	wrdreg s24;
	s1 =	sshrl.u32 s1, $0x3  }
0x7: {  	[dreg:$0x1b] =	wrdreg s26;
	s4 =	sadd.s32 s4, s1  }
0x8: {  	s6 =	smul.u32 $0x180, s1;
	s1 =	sadd.s32 $0x10, s4;
	[smem:$0x7FC] =	sst s4  }
0x9: {  	s29 =	sadd.s32 $0x20, s4;
	[dreg:$0x4] =	wrdreg s1  }
0xa: {  	s31 =	sadd.s32 $0x30, s4;
	[dreg:$0x6] =	wrdreg s29  }
0xb: {  	s7 =	sadd.s32 $0x40, s4;
	[dreg:$0x8] =	wrdreg s31  }
0xc: {  	s9 =	sadd.s32 $0x50, s4;
	[dreg:$0xa] =	wrdreg s7  }
0xd: {  	s11 =	sadd.s32 $0x60, s4;
	[dreg:$0xc] =	wrdreg s9  }
0xe: {  	s13 =	sadd.s32 $0x70, s4;
	[dreg:$0xe] =	wrdreg s11  }
0xf: {  	s15 =	sadd.s32 $0x80, s4;
	[dreg:$0x10] =	wrdreg s13  }
0x10: {  	s17 =	sadd.s32 $0x90, s4;
	[dreg:$0x12] =	wrdreg s15  }
0x11: {  	s19 =	sadd.s32 $0xA0, s4;
	[dreg:$0x14] =	wrdreg s17  }
0x12: {  	s21 =	sadd.s32 $0xB0, s4;
	[dreg:$0x16] =	wrdreg s19  }
0x13: {  	s6 =	sadd.s32 s5, s6;
	[dreg:$0x18] =	wrdreg s21  }
0x14: {  	s29 =	simm.s32 $0xD500;
	[smem:$0x7FD] =	sst s6  }
0x15: {  	s31 =	simm.s32 $0xE100;
	[dreg:$0x1d] =	wrdreg s29  }
0x16: {  	s28 =	sadd.s32 $0x1800, s6;
	[dreg:$0x1f] =	wrdreg s31  }
0x17: {  	s30 =	sadd.s32 $0x3000, s6;
	[dreg:$0x5] =	wrdreg s28  }
0x18: {  	s5 =	sadd.s32 $0x4800, s6;
	[dreg:$0x7] =	wrdreg s30  }
0x19: {  	s8 =	sadd.s32 $0x6000, s6;
	[dreg:$0x9] =	wrdreg s5  }
0x1a: {  	s10 =	sadd.s32 $0x7800, s6;
	[dreg:$0xb] =	wrdreg s8  }
0x1b: {  	s12 =	sadd.s32 $0x9000, s6;
	[dreg:$0xd] =	wrdreg s10  }
0x1c: {  	s25 =	simm.s32 $0x80;
	s14 =	sadd.s32 $0xA800, s6;
	[dreg:$0xf] =	wrdreg s12  }
0x1d: {  	s0 =	ssub.s32 $0x2, s0;
	s16 =	sadd.s32 $0xC000, s6;
	[dreg:$0x11] =	wrdreg s14  }
0x1e: {  	s22 =	sshrl.u32 s0, $0x1;
	s18 =	sadd.s32 $0xD800, s6;
	[dreg:$0x13] =	wrdreg s16  }
0x1f: {  	s0 =	ssub.s32 s0, s22;
	s20 =	sadd.s32 $0xF000, s6;
	[dreg:$0x15] =	wrdreg s18  }
0x20: {  	s1 =	smax.u32 s0, $0x1;
	s23 =	sadd.s32 $0x10800, s6;
	[dreg:$0x17] =	wrdreg s20  }
0x21: {  	v2 =	vlaneseq.u32;
	s6 =	sadd.s32 $0xF00, s3;
	[dreg:$0x19] =	wrdreg s23;
	s28 =	simm.s32 $0xCD00  }
0x22: {  	vm0 =	vmmov $0xffff;
	vm1 =	vmmov $0xff;
	v1 =	vshrl.u32 v2, $0x3;
	s5 =	sadd.s32 $0xE00, s3;
	s30 =	simm.s32 $0xD900;
	[dreg:$0x1c] =	wrdreg s28  }
0x23: {  	v0 =	vand.u32 $0x7, v2;
	v2 =	vor.u32 $0x8, v2;
	v1 =	vmul.u32 $0x8, v1;
	s8 =	simm.s32 $0x2;
	s16 =	simm.s32 $0x1;
	[dreg:$0x1e] =	wrdreg s30  }
.LBB2_1:
0x24: {  	s17 =	sld [smem:$0x7FC];
	_ =	sdelay $0x1  }
0x25: {  	[smem:$0x7FB] =	sst s1  }
0x26: {  	[tilespmem:s2], [sflag:$0x2] =	stream.linear.gather [hbm4b:s17+s2], $0x80, $0x38;
	[tilespmem:$0xE500] =	vst v63  }
0x27: {  	_ =	swait.ge [sflag:s8], $0x80  }
0x28: {  	[sflag:s8] =	ssyncset.done $0x0  }
0x29: {  	[sflag:s8] =	ssyncadd.s32 $0xFFFFFF80  }
0x2a: {  	v3 =	vld [tilespmem:$0x0];
	_ =	sdelay $0x4  }
0x2b: {  	v4 =	vshrl.u32 v3, $0x3  }
0x2c: {  	v4 =	vmul.u32 $0x18, v4  }
0x2d: {  	v3 =	vand.u32 $0x7, v3  }
0x2e: {  	v3 =	vor.u32 v3, v4  }
0x2f: {  	v4 =	vperm.xlane v3, v0;
	_ =	sdelay $0x1  }
0x30: {  	v4 =	vadd.s32 v1, v4;
	_ =	sdelay $0x1  }
0x31: {  	v3 =	vperm.xlane v3, v2;
	_ =	sdelay $0x1  }
0x32: {  	v3 =	vadd.s32 v1, v3  }
0x33: {  	[tilespmem:s25], [sflag:$0x1] =	stream.indirect_vreg.gather [hbm4b:s5+s2], $0x80, v4, vm0, $0xb8;
	[tilespmem:$0xE500] =	vst v63  }
0x34: {  	s0 =	simm.s32 $0x880  }
0x35: {  	[tilespmem:s0], [sflag:$0x1] =	stream.indirect_vreg.gather [hbm4b:s6+s2], $0x80, v4, vm1, $0xb8;
	[tilespmem:$0xE500] =	vst v63  }
0x36: {  	s23 =	simm.s32 $0xC80  }
0x37: {  	[tilespmem:s23], [sflag:$0x1] =	stream.indirect_vreg.gather [hbm4b:s5+s2], $0x80, v3, vm0, $0xb8;
	[tilespmem:$0xE500] =	vst v63  }
0x38: {  	s24 =	simm.s32 $0x1480  }
0x39: {  	[tilespmem:s24], [sflag:$0x1] =	stream.indirect_vreg.gather [hbm4b:s6+s2], $0x80, v3, vm1, $0xb8;
	[tilespmem:$0xE500] =	vst v63  }
0x3a: {  	v3 =	vld [tilespmem:$0x10];
	_ =	sdelay $0x4  }
0x3b: {  	v31 =	vshrl.u32 v3, $0x3  }
0x3c: {  	v4 =	vmul.u32 $0x18, v31  }
0x3d: {  	v3 =	vand.u32 $0x7, v3  }
0x3e: {  	v3 =	vor.u32 v3, v4  }
0x3f: {  	v4 =	vperm.xlane v3, v0;
	_ =	sdelay $0x1  }
0x40: {  	v4 =	vadd.s32 v1, v4;
	_ =	sdelay $0x1  }
0x41: {  	v3 =	vperm.xlane v3, v2;
	_ =	sdelay $0x1  }
0x42: {  	s26 =	simm.s32 $0x1880;
	v3 =	vadd.s32 v1, v3  }
0x43: {  	[tilespmem:s26], [sflag:$0x1] =	stream.indirect_vreg.gather [hbm4b:s5+s2], $0x80, v4, vm0, $0xb8;
	[tilespmem:$0xE500] =	vst v63  }
0x44: {  	s28 =	simm.s32 $0x2080  }
0x45: {  	[tilespmem:s28], [sflag:$0x1] =	stream.indirect_vreg.gather [hbm4b:s6+s2], $0x80, v4, vm1, $0xb8;
	[tilespmem:$0xE500] =	vst v63  }
0x46: {  	s29 =	simm.s32 $0x2480  }
0x47: {  	[tilespmem:s29], [sflag:$0x1] =	stream.indirect_vreg.gather [hbm4b:s5+s2], $0x80, v3, vm0, $0xb8;
	[tilespmem:$0xE500] =	vst v63  }
0x48: {  	s30 =	simm.s32 $0x2C80  }
0x49: {  	[tilespmem:s30], [sflag:$0x1] =	stream.indirect_vreg.gather [hbm4b:s6+s2], $0x80, v3, vm1, $0xb8;
	[tilespmem:$0xE500] =	vst v63  }
0x4a: {  	v3 =	vld [tilespmem:$0x20];
	_ =	sdelay $0x4  }
0x4b: {  	v32 =	vshrl.u32 v3, $0x3  }
0x4c: {  	v4 =	vmul.u32 $0x18, v32  }
0x4d: {  	v3 =	vand.u32 $0x7, v3  }
0x4e: {  	v3 =	vor.u32 v3, v4  }
0x4f: {  	v4 =	vperm.xlane v3, v0;
	_ =	sdelay $0x1  }
0x50: {  	v4 =	vadd.s32 v1, v4;
	_ =	sdelay $0x1  }
0x51: {  	v3 =	vperm.xlane v3, v2;
	_ =	sdelay $0x1  }
0x52: {  	s31 =	simm.s32 $0x3080;
	v3 =	vadd.s32 v1, v3  }
0x53: {  	[tilespmem:s31], [sflag:$0x1] =	stream.indirect_vreg.gather [hbm4b:s5+s2], $0x80, v4, vm0, $0xb8;
	[tilespmem:$0xE500] =	vst v63  }
0x54: {  	s7 =	simm.s32 $0x3880  }
0x55: {  	[tilespmem:s7], [sflag:$0x1] =	stream.indirect_vreg.gather [hbm4b:s6+s2], $0x80, v4, vm1, $0xb8;
	[tilespmem:$0xE500] =	vst v63  }
0x56: {  	s9 =	simm.s32 $0x3C80  }
0x57: {  	[tilespmem:s9], [sflag:$0x1] =	stream.indirect_vreg.gather [hbm4b:s5+s2], $0x80, v3, vm0, $0xb8;
	[tilespmem:$0xE500] =	vst v63  }
0x58: {  	s12 =	simm.s32 $0x4480  }
0x59: {  	[tilespmem:s12], [sflag:$0x1] =	stream.indirect_vreg.gather [hbm4b:s6+s2], $0x80, v3, vm1, $0xb8;
	[tilespmem:$0xE500] =	vst v63  }
0x5a: {  	v3 =	vld [tilespmem:$0x30];
	_ =	sdelay $0x4  }
0x5b: {  	v33 =	vshrl.u32 v3, $0x3  }
0x5c: {  	v4 =	vmul.u32 $0x18, v33  }
0x5d: {  	v3 =	vand.u32 $0x7, v3  }
0x5e: {  	v3 =	vor.u32 v3, v4  }
0x5f: {  	v4 =	vperm.xlane v3, v0;
	_ =	sdelay $0x1  }
0x60: {  	v4 =	vadd.s32 v1, v4;
	_ =	sdelay $0x1  }
0x61: {  	v3 =	vperm.xlane v3, v2;
	_ =	sdelay $0x1  }
0x62: {  	s13 =	simm.s32 $0x4880;
	v3 =	vadd.s32 v1, v3  }
0x63: {  	[tilespmem:s13], [sflag:$0x1] =	stream.indirect_vreg.gather [hbm4b:s5+s2], $0x80, v4, vm0, $0xb8;
	[tilespmem:$0xE500] =	vst v63  }
0x64: {  	s14 =	simm.s32 $0x5080  }
0x65: {  	[tilespmem:s14], [sflag:$0x1] =	stream.indirect_vreg.gather [hbm4b:s6+s2], $0x80, v4, vm1, $0xb8;
	[tilespmem:$0xE500] =	vst v63  }
0x66: {  	s15 =	simm.s32 $0x5480  }
0x67: {  	[tilespmem:s15], [sflag:$0x1] =	stream.indirect_vreg.gather [hbm4b:s5+s2], $0x80, v3, vm0, $0xb8;
	[tilespmem:$0xE500] =	vst v63  }
0x68: {  	s17 =	simm.s32 $0x5C80  }
0x69: {  	[tilespmem:s17], [sflag:$0x1] =	stream.indirect_vreg.gather [hbm4b:s6+s2], $0x80, v3, vm1, $0xb8;
	[tilespmem:$0xE500] =	vst v63  }
0x6a: {  	v3 =	vld [tilespmem:$0x40];
	_ =	sdelay $0x4  }
0x6b: {  	v34 =	vshrl.u32 v3, $0x3  }
0x6c: {  	v4 =	vmul.u32 $0x18, v34  }
0x6d: {  	v3 =	vand.u32 $0x7, v3  }
0x6e: {  	v3 =	vor.u32 v3, v4  }
0x6f: {  	v4 =	vperm.xlane v3, v0;
	_ =	sdelay $0x1  }
0x70: {  	v4 =	vadd.s32 v1, v4;
	_ =	sdelay $0x1  }
0x71: {  	v3 =	vperm.xlane v3, v2;
	_ =	sdelay $0x1  }
0x72: {  	s18 =	simm.s32 $0x6080;
	v3 =	vadd.s32 v1, v3  }
0x73: {  	[tilespmem:s18], [sflag:$0x1] =	stream.indirect_vreg.gather [hbm4b:s5+s2], $0x80, v4, vm0, $0xb8;
	[tilespmem:$0xE500] =	vst v63  }
0x74: {  	s19 =	simm.s32 $0x6880  }
0x75: {  	[tilespmem:s19], [sflag:$0x1] =	stream.indirect_vreg.gather [hbm4b:s6+s2], $0x80, v4, vm1, $0xb8;
	[tilespmem:$0xE500] =	vst v63  }
0x76: {  	s20 =	simm.s32 $0x6C80  }
0x77: {  	[tilespmem:s20], [sflag:$0x1] =	stream.indirect_vreg.gather [hbm4b:s5+s2], $0x80, v3, vm0, $0xb8;
	[tilespmem:$0xE500] =	vst v63  }
0x78: {  	s21 =	simm.s32 $0x7480  }
0x79: {  	[tilespmem:s21], [sflag:$0x1] =	stream.indirect_vreg.gather [hbm4b:s6+s2], $0x80, v3, vm1, $0xb8;
	[tilespmem:$0xE500] =	vst v63  }
0x7a: {  	v3 =	vld [tilespmem:$0x50];
	_ =	sdelay $0x4  }
0x7b: {  	v35 =	vshrl.u32 v3, $0x3  }
0x7c: {  	v4 =	vmul.u32 $0x18, v35  }
0x7d: {  	v3 =	vand.u32 $0x7, v3  }
0x7e: {  	v3 =	vor.u32 v3, v4  }
0x7f: {  	v4 =	vperm.xlane v3, v0;
	_ =	sdelay $0x1  }
0x80: {  	v4 =	vadd.s32 v1, v4;
	_ =	sdelay $0x1  }
0x81: {  	v3 =	vperm.xlane v3, v2;
	_ =	sdelay $0x1  }
0x82: {  	s22 =	simm.s32 $0x7880;
	v3 =	vadd.s32 v1, v3  }
0x83: {  	[tilespmem:s22], [sflag:$0x1] =	stream.indirect_vreg.gather [hbm4b:s5+s2], $0x80, v4, vm0, $0xb8;
	[tilespmem:$0xE500] =	vst v63  }
0x84: {  	s24 =	simm.s32 $0x8080  }
0x85: {  	[tilespmem:s24], [sflag:$0x1] =	stream.indirect_vreg.gather [hbm4b:s6+s2], $0x80, v4, vm1, $0xb8;
	[tilespmem:$0xE500] =	vst v63  }
0x86: {  	s26 =	simm.s32 $0x8480  }
0x87: {  	[tilespmem:s26], [sflag:$0x1] =	stream.indirect_vreg.gather [hbm4b:s5+s2], $0x80, v3, vm0, $0xb8;
	[tilespmem:$0xE500] =	vst v63  }
0x88: {  	s28 =	simm.s32 $0x8C80  }
0x89: {  	[tilespmem:s28], [sflag:$0x1] =	stream.indirect_vreg.gather [hbm4b:s6+s2], $0x80, v3, vm1, $0xb8;
	[tilespmem:$0xE500] =	vst v63  }
0x8a: {  	v3 =	vld [tilespmem:$0x60];
	_ =	sdelay $0x4  }
0x8b: {  	v36 =	vshrl.u32 v3, $0x3  }
0x8c: {  	v4 =	vmul.u32 $0x18, v36  }
0x8d: {  	v3 =	vand.u32 $0x7, v3  }
0x8e: {  	v3 =	vor.u32 v3, v4  }
0x8f: {  	v4 =	vperm.xlane v3, v0;
	_ =	sdelay $0x1  }
0x90: {  	v4 =	vadd.s32 v1, v4;
	_ =	sdelay $0x1  }
0x91: {  	v3 =	vperm.xlane v3, v2;
	_ =	sdelay $0x1  }
0x92: {  	s29 =	simm.s32 $0x9080;
	v3 =	vadd.s32 v1, v3  }
0x93: {  	[tilespmem:s29], [sflag:$0x1] =	stream.indirect_vreg.gather [hbm4b:s5+s2], $0x80, v4, vm0, $0xb8;
	[tilespmem:$0xE500] =	vst v63  }
0x94: {  	s30 =	simm.s32 $0x9880  }
0x95: {  	[tilespmem:s30], [sflag:$0x1] =	stream.indirect_vreg.gather [hbm4b:s6+s2], $0x80, v4, vm1, $0xb8;
	[tilespmem:$0xE500] =	vst v63  }
0x96: {  	s0 =	simm.s32 $0x9C80  }
0x97: {  	[tilespmem:s0], [sflag:$0x1] =	stream.indirect_vreg.gather [hbm4b:s5+s2], $0x80, v3, vm0, $0xb8;
	[tilespmem:$0xE500] =	vst v63  }
0x98: {  	s12 =	simm.s32 $0xA480  }
0x99: {  	[tilespmem:s12], [sflag:$0x1] =	stream.indirect_vreg.gather [hbm4b:s6+s2], $0x80, v3, vm1, $0xb8;
	[tilespmem:$0xE500] =	vst v63  }
0x9a: {  	v3 =	vld [tilespmem:$0x70];
	_ =	sdelay $0x4  }
0x9b: {  	v37 =	vshrl.u32 v3, $0x3  }
0x9c: {  	v4 =	vmul.u32 $0x18, v37  }
0x9d: {  	v3 =	vand.u32 $0x7, v3  }
0x9e: {  	v3 =	vor.u32 v3, v4  }
0x9f: {  	v4 =	vperm.xlane v3, v0;
	_ =	sdelay $0x1  }
0xa0: {  	v4 =	vadd.s32 v1, v4;
	_ =	sdelay $0x1  }
0xa1: {  	v3 =	vperm.xlane v3, v2;
	_ =	sdelay $0x1  }
0xa2: {  	s13 =	simm.s32 $0xA880;
	v3 =	vadd.s32 v1, v3  }
0xa3: {  	[tilespmem:s13], [sflag:$0x1] =	stream.indirect_vreg.gather [hbm4b:s5+s2], $0x80, v4, vm0, $0xb8;
	[tilespmem:$0xE500] =	vst v63  }
0xa4: {  	s14 =	simm.s32 $0xB080  }
0xa5: {  	[tilespmem:s14], [sflag:$0x1] =	stream.indirect_vreg.gather [hbm4b:s6+s2], $0x80, v4, vm1, $0xb8;
	[tilespmem:$0xE500] =	vst v63  }
0xa6: {  	s15 =	simm.s32 $0xB480  }
0xa7: {  	[tilespmem:s15], [sflag:$0x1] =	stream.indirect_vreg.gather [hbm4b:s5+s2], $0x80, v3, vm0, $0xb8;
	[tilespmem:$0xE500] =	vst v63  }
0xa8: {  	s18 =	simm.s32 $0xBC80  }
0xa9: {  	[tilespmem:s18], [sflag:$0x1] =	stream.indirect_vreg.gather [hbm4b:s6+s2], $0x80, v3, vm1, $0xb8;
	[tilespmem:$0xE500] =	vst v63  }
0xaa: {  	_ =	swait.ge [sflag:s16], $0xC000  }
0xab: {  	s19 =	sld [smem:$0x7FD]  }
0xac: {  	[sflag:s16] =	ssyncset.done $0x0  }
0xad: {  	[sflag:s16] =	ssyncadd.s32 $0xFFFF4000  }
0xae: {  	[hbm4b:s19+s2] =	stream.linear.scatter [tilespmem:s25], [sflag:$0x2], $0xC000, $0x38;
	[tilespmem:$0xE500] =	vst v63  }
0xaf: {  	_ =	swait.ge [sflag:s8], $0xC000  }
0xb0: {  	[sflag:s8] =	ssyncset.done $0x0  }
0xb1: {  	s20 =	rddreg [dreg:$0x4];
	[sflag:s8] =	ssyncadd.s32 $0xFFFF4000  }
0xb2: {  	[tilespmem:s2], [sflag:$0x2] =	stream.linear.gather [hbm4b:s20+s2], $0x80, $0x38;
	[tilespmem:$0xE500] =	vst v63  }
0xb3: {  	_ =	swait.ge [sflag:s8], $0x80  }
0xb4: {  	[sflag:s8] =	ssyncset.done $0x0  }
0xb5: {  	[sflag:s8] =	ssyncadd.s32 $0xFFFFFF80  }
0xb6: {  	v3 =	vld [tilespmem:$0x0];
	_ =	sdelay $0x4  }
0xb7: {  	v38 =	vshrl.u32 v3, $0x3  }
0xb8: {  	v4 =	vmul.u32 $0x18, v38  }
0xb9: {  	v3 =	vand.u32 $0x7, v3  }
0xba: {  	v3 =	vor.u32 v3, v4  }
0xbb: {  	v4 =	vperm.xlane v3, v0;
	_ =	sdelay $0x1  }
0xbc: {  	v4 =	vadd.s32 v1, v4;
	_ =	sdelay $0x1  }
0xbd: {  	v3 =	vperm.xlane v3, v2;
	_ =	sdelay $0x1  }
0xbe: {  	v3 =	vadd.s32 v1, v3  }
0xbf: {  	[tilespmem:s25], [sflag:$0x1] =	stream.indirect_vreg.gather [hbm4b:s5+s2], $0x80, v4, vm0, $0xb8;
	[tilespmem:$0xE500] =	vst v63  }
0xc0: {  	s3 =	simm.s32 $0x880  }
0xc1: {  	[tilespmem:s3], [sflag:$0x1] =	stream.indirect_vreg.gather [hbm4b:s6+s2], $0x80, v4, vm1, $0xb8;
	[tilespmem:$0xE500] =	vst v63  }
0xc2: {  	s1 =	simm.s32 $0xC80  }
0xc3: {  	[tilespmem:s1], [sflag:$0x1] =	stream.indirect_vreg.gather [hbm4b:s5+s2], $0x80, v3, vm0, $0xb8;
	[tilespmem:$0xE500] =	vst v63  }
0xc4: {  	s11 =	simm.s32 $0x1480  }
0xc5: {  	[tilespmem:s11], [sflag:$0x1] =	stream.indirect_vreg.gather [hbm4b:s6+s2], $0x80, v3, vm1, $0xb8;
	[tilespmem:$0xE500] =	vst v63  }
0xc6: {  	v3 =	vld [tilespmem:$0x10];
	_ =	sdelay $0x4  }
0xc7: {  	v39 =	vshrl.u32 v3, $0x3  }
0xc8: {  	v4 =	vmul.u32 $0x18, v39  }
0xc9: {  	v3 =	vand.u32 $0x7, v3  }
0xca: {  	v3 =	vor.u32 v3, v4  }
0xcb: {  	v4 =	vperm.xlane v3, v0;
	_ =	sdelay $0x1  }
0xcc: {  	v4 =	vadd.s32 v1, v4;
	_ =	sdelay $0x1  }
0xcd: {  	v3 =	vperm.xlane v3, v2;
	_ =	sdelay $0x1  }
0xce: {  	s4 =	simm.s32 $0x1880;
	v3 =	vadd.s32 v1, v3  }
0xcf: {  	[tilespmem:s4], [sflag:$0x1] =	stream.indirect_vreg.gather [hbm4b:s5+s2], $0x80, v4, vm0, $0xb8;
	[tilespmem:$0xE500] =	vst v63  }
0xd0: {  	s10 =	simm.s32 $0x2080  }
0xd1: {  	[tilespmem:s10], [sflag:$0x1] =	stream.indirect_vreg.gather [hbm4b:s6+s2], $0x80, v4, vm1, $0xb8;
	[tilespmem:$0xE500] =	vst v63  }
0xd2: {  	s23 =	simm.s32 $0x2480  }
0xd3: {  	[tilespmem:s23], [sflag:$0x1] =	stream.indirect_vreg.gather [hbm4b:s5+s2], $0x80, v3, vm0, $0xb8;
	[tilespmem:$0xE500] =	vst v63  }
0xd4: {  	s19 =	simm.s32 $0x2C80  }
0xd5: {  	[tilespmem:s19], [sflag:$0x1] =	stream.indirect_vreg.gather [hbm4b:s6+s2], $0x80, v3, vm1, $0xb8;
	[tilespmem:$0xE500] =	vst v63  }
0xd6: {  	v3 =	vld [tilespmem:$0x20];
	_ =	sdelay $0x4  }
0xd7: {  	v40 =	vshrl.u32 v3, $0x3  }
0xd8: {  	v4 =	vmul.u32 $0x18, v40  }
0xd9: {  	v3 =	vand.u32 $0x7, v3  }
0xda: {  	v3 =	vor.u32 v3, v4  }
0xdb: {  	v4 =	vperm.xlane v3, v0;
	_ =	sdelay $0x1  }
0xdc: {  	v4 =	vadd.s32 v1, v4;
	_ =	sdelay $0x1  }
0xdd: {  	v3 =	vperm.xlane v3, v2;
	_ =	sdelay $0x1  }
0xde: {  	s12 =	simm.s32 $0x3080;
	v3 =	vadd.s32 v1, v3  }
0xdf: {  	[tilespmem:s12], [sflag:$0x1] =	stream.indirect_vreg.gather [hbm4b:s5+s2], $0x80, v4, vm0, $0xb8;
	[tilespmem:$0xE500] =	vst v63  }
0xe0: {  	s13 =	simm.s32 $0x3880  }
0xe1: {  	[tilespmem:s13], [sflag:$0x1] =	stream.indirect_vreg.gather [hbm4b:s6+s2], $0x80, v4, vm1, $0xb8;
	[tilespmem:$0xE500] =	vst v63  }
0xe2: {  	s14 =	simm.s32 $0x3C80  }
0xe3: {  	[tilespmem:s14], [sflag:$0x1] =	stream.indirect_vreg.gather [hbm4b:s5+s2], $0x80, v3, vm0, $0xb8;
	[tilespmem:$0xE500] =	vst v63  }
0xe4: {  	s15 =	simm.s32 $0x4480  }
0xe5: {  	[tilespmem:s15], [sflag:$0x1] =	stream.indirect_vreg.gather [hbm4b:s6+s2], $0x80, v3, vm1, $0xb8;
	[tilespmem:$0xE500] =	vst v63  }
0xe6: {  	v3 =	vld [tilespmem:$0x30];
	_ =	sdelay $0x4  }
0xe7: {  	v41 =	vshrl.u32 v3, $0x3  }
0xe8: {  	v4 =	vmul.u32 $0x18, v41  }
0xe9: {  	v3 =	vand.u32 $0x7, v3  }
0xea: {  	v3 =	vor.u32 v3, v4  }
0xeb: {  	v4 =	vperm.xlane v3, v0;
	_ =	sdelay $0x1  }
0xec: {  	v4 =	vadd.s32 v1, v4;
	_ =	sdelay $0x1  }
0xed: {  	v3 =	vperm.xlane v3, v2;
	_ =	sdelay $0x1  }
0xee: {  	s18 =	simm.s32 $0x4880;
	v3 =	vadd.s32 v1, v3  }
0xef: {  	[tilespmem:s18], [sflag:$0x1] =	stream.indirect_vreg.gather [hbm4b:s5+s2], $0x80, v4, vm0, $0xb8;
	[tilespmem:$0xE500] =	vst v63  }
0xf0: {  	s20 =	simm.s32 $0x5080  }
0xf1: {  	[tilespmem:s20], [sflag:$0x1] =	stream.indirect_vreg.gather [hbm4b:s6+s2], $0x80, v4, vm1, $0xb8;
	[tilespmem:$0xE500] =	vst v63  }
0xf2: {  	s0 =	simm.s32 $0x5480  }
0xf3: {  	[tilespmem:s0], [sflag:$0x1] =	stream.indirect_vreg.gather [hbm4b:s5+s2], $0x80, v3, vm0, $0xb8;
	[tilespmem:$0xE500] =	vst v63  }
0xf4: {  	s7 =	simm.s32 $0x5C80  }
0xf5: {  	[tilespmem:s7], [sflag:$0x1] =	stream.indirect_vreg.gather [hbm4b:s6+s2], $0x80, v3, vm1, $0xb8;
	[tilespmem:$0xE500] =	vst v63  }
0xf6: {  	v3 =	vld [tilespmem:$0x40];
	_ =	sdelay $0x4  }
0xf7: {  	v42 =	vshrl.u32 v3, $0x3  }
0xf8: {  	v4 =	vmul.u32 $0x18, v42  }
0xf9: {  	v3 =	vand.u32 $0x7, v3  }
0xfa: {  	v3 =	vor.u32 v3, v4  }
0xfb: {  	v4 =	vperm.xlane v3, v0;
	_ =	sdelay $0x1  }
0xfc: {  	v4 =	vadd.s32 v1, v4;
	_ =	sdelay $0x1  }
0xfd: {  	v3 =	vperm.xlane v3, v2;
	_ =	sdelay $0x1  }
0xfe: {  	s1 =	simm.s32 $0x6080;
	v3 =	vadd.s32 v1, v3  }
0xff: {  	[tilespmem:s1], [sflag:$0x1] =	stream.indirect_vreg.gather [hbm4b:s5+s2], $0x80, v4, vm0, $0xb8;
	[tilespmem:$0xE500] =	vst v63  }
0x100: {  	s3 =	simm.s32 $0x6880  }
0x101: {  	[tilespmem:s3], [sflag:$0x1] =	stream.indirect_vreg.gather [hbm4b:s6+s2], $0x80, v4, vm1, $0xb8;
	[tilespmem:$0xE500] =	vst v63  }
0x102: {  	s4 =	simm.s32 $0x6C80  }
0x103: {  	[tilespmem:s4], [sflag:$0x1] =	stream.indirect_vreg.gather [hbm4b:s5+s2], $0x80, v3, vm0, $0xb8;
	[tilespmem:$0xE500] =	vst v63  }
0x104: {  	s9 =	simm.s32 $0x7480  }
0x105: {  	[tilespmem:s9], [sflag:$0x1] =	stream.indirect_vreg.gather [hbm4b:s6+s2], $0x80, v3, vm1, $0xb8;
	[tilespmem:$0xE500] =	vst v63  }
0x106: {  	v3 =	vld [tilespmem:$0x50];
	_ =	sdelay $0x4  }
0x107: {  	v43 =	vshrl.u32 v3, $0x3  }
0x108: {  	v4 =	vmul.u32 $0x18, v43  }
0x109: {  	v3 =	vand.u32 $0x7, v3  }
0x10a: {  	v3 =	vor.u32 v3, v4  }
0x10b: {  	v4 =	vperm.xlane v3, v0;
	_ =	sdelay $0x1  }
0x10c: {  	v4 =	vadd.s32 v1, v4;
	_ =	sdelay $0x1  }
0x10d: {  	v3 =	vperm.xlane v3, v2;
	_ =	sdelay $0x1  }
0x10e: {  	s7 =	simm.s32 $0x7880;
	v3 =	vadd.s32 v1, v3  }
0x10f: {  	[tilespmem:s7], [sflag:$0x1] =	stream.indirect_vreg.gather [hbm4b:s5+s2], $0x80, v4, vm0, $0xb8;
	[tilespmem:$0xE500] =	vst v63  }
0x110: {  	s9 =	simm.s32 $0x8080  }
0x111: {  	[tilespmem:s9], [sflag:$0x1] =	stream.indirect_vreg.gather [hbm4b:s6+s2], $0x80, v4, vm1, $0xb8;
	[tilespmem:$0xE500] =	vst v63  }
0x112: {  	s10 =	simm.s32 $0x8480  }
0x113: {  	[tilespmem:s10], [sflag:$0x1] =	stream.indirect_vreg.gather [hbm4b:s5+s2], $0x80, v3, vm0, $0xb8;
	[tilespmem:$0xE500] =	vst v63  }
0x114: {  	s11 =	simm.s32 $0x8C80  }
0x115: {  	[tilespmem:s11], [sflag:$0x1] =	stream.indirect_vreg.gather [hbm4b:s6+s2], $0x80, v3, vm1, $0xb8;
	[tilespmem:$0xE500] =	vst v63  }
0x116: {  	v3 =	vld [tilespmem:$0x60];
	_ =	sdelay $0x4  }
0x117: {  	v44 =	vshrl.u32 v3, $0x3  }
0x118: {  	v4 =	vmul.u32 $0x18, v44  }
0x119: {  	v3 =	vand.u32 $0x7, v3  }
0x11a: {  	v3 =	vor.u32 v3, v4  }
0x11b: {  	v4 =	vperm.xlane v3, v0;
	_ =	sdelay $0x1  }
0x11c: {  	v4 =	vadd.s32 v1, v4;
	_ =	sdelay $0x1  }
0x11d: {  	v3 =	vperm.xlane v3, v2;
	_ =	sdelay $0x1  }
0x11e: {  	s31 =	simm.s32 $0x9080;
	v3 =	vadd.s32 v1, v3  }
0x11f: {  	[tilespmem:s31], [sflag:$0x1] =	stream.indirect_vreg.gather [hbm4b:s5+s2], $0x80, v4, vm0, $0xb8;
	[tilespmem:$0xE500] =	vst v63  }
0x120: {  	s29 =	simm.s32 $0x9880  }
0x121: {  	[tilespmem:s29], [sflag:$0x1] =	stream.indirect_vreg.gather [hbm4b:s6+s2], $0x80, v4, vm1, $0xb8;
	[tilespmem:$0xE500] =	vst v63  }
0x122: {  	s28 =	simm.s32 $0x9C80  }
0x123: {  	[tilespmem:s28], [sflag:$0x1] =	stream.indirect_vreg.gather [hbm4b:s5+s2], $0x80, v3, vm0, $0xb8;
	[tilespmem:$0xE500] =	vst v63  }
0x124: {  	s22 =	simm.s32 $0xA480  }
0x125: {  	[tilespmem:s22], [sflag:$0x1] =	stream.indirect_vreg.gather [hbm4b:s6+s2], $0x80, v3, vm1, $0xb8;
	[tilespmem:$0xE500] =	vst v63  }
0x126: {  	v3 =	vld [tilespmem:$0x70];
	_ =	sdelay $0x4  }
0x127: {  	v45 =	vshrl.u32 v3, $0x3  }
0x128: {  	v4 =	vmul.u32 $0x18, v45  }
0x129: {  	v3 =	vand.u32 $0x7, v3  }
0x12a: {  	v3 =	vor.u32 v3, v4  }
0x12b: {  	v4 =	vperm.xlane v3, v0;
	_ =	sdelay $0x1  }
0x12c: {  	v4 =	vadd.s32 v1, v4;
	_ =	sdelay $0x1  }
0x12d: {  	v3 =	vperm.xlane v3, v2;
	_ =	sdelay $0x1  }
0x12e: {  	s30 =	simm.s32 $0xA880;
	v3 =	vadd.s32 v1, v3  }
0x12f: {  	[tilespmem:s30], [sflag:$0x1] =	stream.indirect_vreg.gather [hbm4b:s5+s2], $0x80, v4, vm0, $0xb8;
	[tilespmem:$0xE500] =	vst v63  }
0x130: {  	s24 =	simm.s32 $0xB080  }
0x131: {  	[tilespmem:s24], [sflag:$0x1] =	stream.indirect_vreg.gather [hbm4b:s6+s2], $0x80, v4, vm1, $0xb8;
	[tilespmem:$0xE500] =	vst v63  }
0x132: {  	s26 =	simm.s32 $0xB480  }
0x133: {  	[tilespmem:s26], [sflag:$0x1] =	stream.indirect_vreg.gather [hbm4b:s5+s2], $0x80, v3, vm0, $0xb8;
	[tilespmem:$0xE500] =	vst v63  }
0x134: {  	s21 =	simm.s32 $0xBC80  }
0x135: {  	[tilespmem:s21], [sflag:$0x1] =	stream.indirect_vreg.gather [hbm4b:s6+s2], $0x80, v3, vm1, $0xb8;
	[tilespmem:$0xE500] =	vst v63  }
0x136: {  	_ =	swait.ge [sflag:s16], $0xC000  }
0x137: {  	[sflag:s16] =	ssyncset.done $0x0  }
0x138: {  	s31 =	rddreg [dreg:$0x5];
	[sflag:s16] =	ssyncadd.s32 $0xFFFF4000  }
0x139: {  	[hbm4b:s31+s2] =	stream.linear.scatter [tilespmem:s25], [sflag:$0x2], $0xC000, $0x38;
	[tilespmem:$0xE500] =	vst v63  }
0x13a: {  	_ =	swait.ge [sflag:s8], $0xC000  }
0x13b: {  	[sflag:s8] =	ssyncset.done $0x0  }
0x13c: {  	s26 =	rddreg [dreg:$0x6];
	[sflag:s8] =	ssyncadd.s32 $0xFFFF4000  }
0x13d: {  	[tilespmem:s2], [sflag:$0x2] =	stream.linear.gather [hbm4b:s26+s2], $0x80, $0x38;
	[tilespmem:$0xE500] =	vst v63  }
0x13e: {  	_ =	swait.ge [sflag:s8], $0x80  }
0x13f: {  	[sflag:s8] =	ssyncset.done $0x0  }
0x140: {  	[sflag:s8] =	ssyncadd.s32 $0xFFFFFF80  }
0x141: {  	v3 =	vld [tilespmem:$0x0];
	_ =	sdelay $0x4  }
0x142: {  	v46 =	vshrl.u32 v3, $0x3  }
0x143: {  	v4 =	vmul.u32 $0x18, v46  }
0x144: {  	v3 =	vand.u32 $0x7, v3  }
0x145: {  	v3 =	vor.u32 v3, v4  }
0x146: {  	v4 =	vperm.xlane v3, v0;
	_ =	sdelay $0x1  }
0x147: {  	v4 =	vadd.s32 v1, v4;
	_ =	sdelay $0x1  }
0x148: {  	v3 =	vperm.xlane v3, v2;
	_ =	sdelay $0x1  }
0x149: {  	v3 =	vadd.s32 v1, v3  }
0x14a: {  	[tilespmem:s25], [sflag:$0x1] =	stream.indirect_vreg.gather [hbm4b:s5+s2], $0x80, v4, vm0, $0xb8;
	[tilespmem:$0xE500] =	vst v63  }
0x14b: {  	s31 =	simm.s32 $0x880  }
0x14c: {  	[tilespmem:s31], [sflag:$0x1] =	stream.indirect_vreg.gather [hbm4b:s6+s2], $0x80, v4, vm1, $0xb8;
	[tilespmem:$0xE500] =	vst v63  }
0x14d: {  	s26 =	simm.s32 $0xC80  }
0x14e: {  	[tilespmem:s26], [sflag:$0x1] =	stream.indirect_vreg.gather [hbm4b:s5+s2], $0x80, v3, vm0, $0xb8;
	[tilespmem:$0xE500] =	vst v63  }
0x14f: {  	s31 =	simm.s32 $0x1480  }
0x150: {  	[tilespmem:s31], [sflag:$0x1] =	stream.indirect_vreg.gather [hbm4b:s6+s2], $0x80, v3, vm1, $0xb8;
	[tilespmem:$0xE500] =	vst v63  }
0x151: {  	v3 =	vld [tilespmem:$0x10];
	_ =	sdelay $0x4  }
0x152: {  	v47 =	vshrl.u32 v3, $0x3  }
0x153: {  	v4 =	vmul.u32 $0x18, v47  }
0x154: {  	v3 =	vand.u32 $0x7, v3  }
0x155: {  	v3 =	vor.u32 v3, v4  }
0x156: {  	v4 =	vperm.xlane v3, v0;
	_ =	sdelay $0x1  }
0x157: {  	v4 =	vadd.s32 v1, v4;
	_ =	sdelay $0x1  }
0x158: {  	v3 =	vperm.xlane v3, v2;
	_ =	sdelay $0x1  }
0x159: {  	s31 =	simm.s32 $0x1880;
	v3 =	vadd.s32 v1, v3  }
0x15a: {  	[tilespmem:s31], [sflag:$0x1] =	stream.indirect_vreg.gather [hbm4b:s5+s2], $0x80, v4, vm0, $0xb8;
	[tilespmem:$0xE500] =	vst v63  }
0x15b: {  	s31 =	simm.s32 $0x2080  }
0x15c: {  	[tilespmem:s31], [sflag:$0x1] =	stream.indirect_vreg.gather [hbm4b:s6+s2], $0x80, v4, vm1, $0xb8;
	[tilespmem:$0xE500] =	vst v63  }
0x15d: {  	s31 =	simm.s32 $0x2480  }
0x15e: {  	[tilespmem:s31], [sflag:$0x1] =	stream.indirect_vreg.gather [hbm4b:s5+s2], $0x80, v3, vm0, $0xb8;
	[tilespmem:$0xE500] =	vst v63  }
0x15f: {  	_ = 	snop  }
0x160: {  	[tilespmem:s19], [sflag:$0x1] =	stream.indirect_vreg.gather [hbm4b:s6+s2], $0x80, v3, vm1, $0xb8;
	[tilespmem:$0xE500] =	vst v63  }
0x161: {  	v3 =	vld [tilespmem:$0x20];
	_ =	sdelay $0x4  }
0x162: {  	v48 =	vshrl.u32 v3, $0x3  }
0x163: {  	v4 =	vmul.u32 $0x18, v48  }
0x164: {  	v3 =	vand.u32 $0x7, v3  }
0x165: {  	v3 =	vor.u32 v3, v4  }
0x166: {  	v4 =	vperm.xlane v3, v0;
	_ =	sdelay $0x1  }
0x167: {  	v4 =	vadd.s32 v1, v4;
	_ =	sdelay $0x1  }
0x168: {  	v3 =	vperm.xlane v3, v2;
	_ =	sdelay $0x1  }
0x169: {  	v3 =	vadd.s32 v1, v3  }
0x16a: {  	[tilespmem:s12], [sflag:$0x1] =	stream.indirect_vreg.gather [hbm4b:s5+s2], $0x80, v4, vm0, $0xb8;
	[tilespmem:$0xE500] =	vst v63  }
0x16b: {  	_ = 	snop  }
0x16c: {  	[tilespmem:s13], [sflag:$0x1] =	stream.indirect_vreg.gather [hbm4b:s6+s2], $0x80, v4, vm1, $0xb8;
	[tilespmem:$0xE500] =	vst v63  }
0x16d: {  	_ = 	snop  }
0x16e: {  	[tilespmem:s14], [sflag:$0x1] =	stream.indirect_vreg.gather [hbm4b:s5+s2], $0x80, v3, vm0, $0xb8;
	[tilespmem:$0xE500] =	vst v63  }
0x16f: {  	_ = 	snop  }
0x170: {  	[tilespmem:s15], [sflag:$0x1] =	stream.indirect_vreg.gather [hbm4b:s6+s2], $0x80, v3, vm1, $0xb8;
	[tilespmem:$0xE500] =	vst v63  }
0x171: {  	v3 =	vld [tilespmem:$0x30];
	_ =	sdelay $0x4  }
0x172: {  	v49 =	vshrl.u32 v3, $0x3  }
0x173: {  	v4 =	vmul.u32 $0x18, v49  }
0x174: {  	v3 =	vand.u32 $0x7, v3  }
0x175: {  	v3 =	vor.u32 v3, v4  }
0x176: {  	v4 =	vperm.xlane v3, v0;
	_ =	sdelay $0x1  }
0x177: {  	v4 =	vadd.s32 v1, v4;
	_ =	sdelay $0x1  }
0x178: {  	v3 =	vperm.xlane v3, v2;
	_ =	sdelay $0x1  }
0x179: {  	v3 =	vadd.s32 v1, v3  }
0x17a: {  	[tilespmem:s18], [sflag:$0x1] =	stream.indirect_vreg.gather [hbm4b:s5+s2], $0x80, v4, vm0, $0xb8;
	[tilespmem:$0xE500] =	vst v63  }
0x17b: {  	_ = 	snop  }
0x17c: {  	[tilespmem:s20], [sflag:$0x1] =	stream.indirect_vreg.gather [hbm4b:s6+s2], $0x80, v4, vm1, $0xb8;
	[tilespmem:$0xE500] =	vst v63  }
0x17d: {  	_ = 	snop  }
0x17e: {  	[tilespmem:s0], [sflag:$0x1] =	stream.indirect_vreg.gather [hbm4b:s5+s2], $0x80, v3, vm0, $0xb8;
	[tilespmem:$0xE500] =	vst v63  }
0x17f: {  	s15 =	simm.s32 $0x5C80  }
0x180: {  	[tilespmem:s15], [sflag:$0x1] =	stream.indirect_vreg.gather [hbm4b:s6+s2], $0x80, v3, vm1, $0xb8;
	[tilespmem:$0xE500] =	vst v63  }
0x181: {  	v3 =	vld [tilespmem:$0x40];
	_ =	sdelay $0x4  }
0x182: {  	v50 =	vshrl.u32 v3, $0x3  }
0x183: {  	v4 =	vmul.u32 $0x18, v50  }
0x184: {  	v3 =	vand.u32 $0x7, v3  }
0x185: {  	v3 =	vor.u32 v3, v4  }
0x186: {  	v4 =	vperm.xlane v3, v0;
	_ =	sdelay $0x1  }
0x187: {  	v4 =	vadd.s32 v1, v4;
	_ =	sdelay $0x1  }
0x188: {  	v3 =	vperm.xlane v3, v2;
	_ =	sdelay $0x1  }
0x189: {  	v3 =	vadd.s32 v1, v3  }
0x18a: {  	[tilespmem:s1], [sflag:$0x1] =	stream.indirect_vreg.gather [hbm4b:s5+s2], $0x80, v4, vm0, $0xb8;
	[tilespmem:$0xE500] =	vst v63  }
0x18b: {  	_ = 	snop  }
0x18c: {  	[tilespmem:s3], [sflag:$0x1] =	stream.indirect_vreg.gather [hbm4b:s6+s2], $0x80, v4, vm1, $0xb8;
	[tilespmem:$0xE500] =	vst v63  }
0x18d: {  	_ = 	snop  }
0x18e: {  	[tilespmem:s4], [sflag:$0x1] =	stream.indirect_vreg.gather [hbm4b:s5+s2], $0x80, v3, vm0, $0xb8;
	[tilespmem:$0xE500] =	vst v63  }
0x18f: {  	s17 =	simm.s32 $0x7480  }
0x190: {  	[tilespmem:s17], [sflag:$0x1] =	stream.indirect_vreg.gather [hbm4b:s6+s2], $0x80, v3, vm1, $0xb8;
	[tilespmem:$0xE500] =	vst v63  }
0x191: {  	v3 =	vld [tilespmem:$0x50];
	_ =	sdelay $0x4  }
0x192: {  	v51 =	vshrl.u32 v3, $0x3  }
0x193: {  	v4 =	vmul.u32 $0x18, v51  }
0x194: {  	v3 =	vand.u32 $0x7, v3  }
0x195: {  	v3 =	vor.u32 v3, v4  }
0x196: {  	v4 =	vperm.xlane v3, v0;
	_ =	sdelay $0x1  }
0x197: {  	v4 =	vadd.s32 v1, v4;
	_ =	sdelay $0x1  }
0x198: {  	v3 =	vperm.xlane v3, v2;
	_ =	sdelay $0x1  }
0x199: {  	v3 =	vadd.s32 v1, v3  }
0x19a: {  	[tilespmem:s7], [sflag:$0x1] =	stream.indirect_vreg.gather [hbm4b:s5+s2], $0x80, v4, vm0, $0xb8;
	[tilespmem:$0xE500] =	vst v63  }
0x19b: {  	_ = 	snop  }
0x19c: {  	[tilespmem:s9], [sflag:$0x1] =	stream.indirect_vreg.gather [hbm4b:s6+s2], $0x80, v4, vm1, $0xb8;
	[tilespmem:$0xE500] =	vst v63  }
0x19d: {  	_ = 	snop  }
0x19e: {  	[tilespmem:s10], [sflag:$0x1] =	stream.indirect_vreg.gather [hbm4b:s5+s2], $0x80, v3, vm0, $0xb8;
	[tilespmem:$0xE500] =	vst v63  }
0x19f: {  	_ = 	snop  }
0x1a0: {  	[tilespmem:s11], [sflag:$0x1] =	stream.indirect_vreg.gather [hbm4b:s6+s2], $0x80, v3, vm1, $0xb8;
	[tilespmem:$0xE500] =	vst v63  }
0x1a1: {  	v3 =	vld [tilespmem:$0x60];
	_ =	sdelay $0x4  }
0x1a2: {  	v52 =	vshrl.u32 v3, $0x3  }
0x1a3: {  	v4 =	vmul.u32 $0x18, v52  }
0x1a4: {  	v3 =	vand.u32 $0x7, v3  }
0x1a5: {  	v3 =	vor.u32 v3, v4  }
0x1a6: {  	v4 =	vperm.xlane v3, v0;
	_ =	sdelay $0x1  }
0x1a7: {  	v4 =	vadd.s32 v1, v4;
	_ =	sdelay $0x1  }
0x1a8: {  	v3 =	vperm.xlane v3, v2;
	_ =	sdelay $0x1  }
0x1a9: {  	s20 =	simm.s32 $0x9080;
	v3 =	vadd.s32 v1, v3  }
0x1aa: {  	[tilespmem:s20], [sflag:$0x1] =	stream.indirect_vreg.gather [hbm4b:s5+s2], $0x80, v4, vm0, $0xb8;
	[tilespmem:$0xE500] =	vst v63  }
0x1ab: {  	s23 =	simm.s32 $0x9880  }
0x1ac: {  	[tilespmem:s23], [sflag:$0x1] =	stream.indirect_vreg.gather [hbm4b:s6+s2], $0x80, v4, vm1, $0xb8;
	[tilespmem:$0xE500] =	vst v63  }
0x1ad: {  	s29 =	simm.s32 $0x9C80  }
0x1ae: {  	[tilespmem:s29], [sflag:$0x1] =	stream.indirect_vreg.gather [hbm4b:s5+s2], $0x80, v3, vm0, $0xb8;
	[tilespmem:$0xE500] =	vst v63  }
0x1af: {  	s22 =	simm.s32 $0xA480  }
0x1b0: {  	[tilespmem:s22], [sflag:$0x1] =	stream.indirect_vreg.gather [hbm4b:s6+s2], $0x80, v3, vm1, $0xb8;
	[tilespmem:$0xE500] =	vst v63  }
0x1b1: {  	v3 =	vld [tilespmem:$0x70];
	_ =	sdelay $0x4  }
0x1b2: {  	v53 =	vshrl.u32 v3, $0x3  }
0x1b3: {  	v4 =	vmul.u32 $0x18, v53  }
0x1b4: {  	v3 =	vand.u32 $0x7, v3  }
0x1b5: {  	v3 =	vor.u32 v3, v4  }
0x1b6: {  	v4 =	vperm.xlane v3, v0;
	_ =	sdelay $0x1  }
0x1b7: {  	v4 =	vadd.s32 v1, v4;
	_ =	sdelay $0x1  }
0x1b8: {  	v3 =	vperm.xlane v3, v2;
	_ =	sdelay $0x1  }
0x1b9: {  	s28 =	simm.s32 $0xA880;
	v3 =	vadd.s32 v1, v3  }
0x1ba: {  	[tilespmem:s28], [sflag:$0x1] =	stream.indirect_vreg.gather [hbm4b:s5+s2], $0x80, v4, vm0, $0xb8;
	[tilespmem:$0xE500] =	vst v63  }
0x1bb: {  	s30 =	simm.s32 $0xB080  }
0x1bc: {  	[tilespmem:s30], [sflag:$0x1] =	stream.indirect_vreg.gather [hbm4b:s6+s2], $0x80, v4, vm1, $0xb8;
	[tilespmem:$0xE500] =	vst v63  }
0x1bd: {  	s24 =	simm.s32 $0xB480  }
0x1be: {  	[tilespmem:s24], [sflag:$0x1] =	stream.indirect_vreg.gather [hbm4b:s5+s2], $0x80, v3, vm0, $0xb8;
	[tilespmem:$0xE500] =	vst v63  }
0x1bf: {  	s21 =	simm.s32 $0xBC80  }
0x1c0: {  	[tilespmem:s21], [sflag:$0x1] =	stream.indirect_vreg.gather [hbm4b:s6+s2], $0x80, v3, vm1, $0xb8;
	[tilespmem:$0xE500] =	vst v63  }
0x1c1: {  	_ =	swait.ge [sflag:s16], $0xC000  }
0x1c2: {  	[sflag:s16] =	ssyncset.done $0x0  }
0x1c3: {  	s29 =	rddreg [dreg:$0x7];
	[sflag:s16] =	ssyncadd.s32 $0xFFFF4000  }
0x1c4: {  	[hbm4b:s29+s2] =	stream.linear.scatter [tilespmem:s25], [sflag:$0x2], $0xC000, $0x38;
	[tilespmem:$0xE500] =	vst v63  }
0x1c5: {  	_ =	swait.ge [sflag:s8], $0xC000  }
0x1c6: {  	[sflag:s8] =	ssyncset.done $0x0  }
0x1c7: {  	s30 =	rddreg [dreg:$0x8];
	[sflag:s8] =	ssyncadd.s32 $0xFFFF4000  }
0x1c8: {  	[tilespmem:s2], [sflag:$0x2] =	stream.linear.gather [hbm4b:s30+s2], $0x80, $0x38;
	[tilespmem:$0xE500] =	vst v63  }
0x1c9: {  	_ =	swait.ge [sflag:s8], $0x80  }
0x1ca: {  	[sflag:s8] =	ssyncset.done $0x0  }
0x1cb: {  	[sflag:s8] =	ssyncadd.s32 $0xFFFFFF80  }
0x1cc: {  	v3 =	vld [tilespmem:$0x0];
	_ =	sdelay $0x4  }
0x1cd: {  	v54 =	vshrl.u32 v3, $0x3  }
0x1ce: {  	v4 =	vmul.u32 $0x18, v54  }
0x1cf: {  	v3 =	vand.u32 $0x7, v3  }
0x1d0: {  	v3 =	vor.u32 v3, v4  }
0x1d1: {  	v4 =	vperm.xlane v3, v0;
	_ =	sdelay $0x1  }
0x1d2: {  	v4 =	vadd.s32 v1, v4;
	_ =	sdelay $0x1  }
0x1d3: {  	v3 =	vperm.xlane v3, v2;
	_ =	sdelay $0x1  }
0x1d4: {  	v3 =	vadd.s32 v1, v3  }
0x1d5: {  	[tilespmem:s25], [sflag:$0x1] =	stream.indirect_vreg.gather [hbm4b:s5+s2], $0x80, v4, vm0, $0xb8;
	[tilespmem:$0xE500] =	vst v63  }
0x1d6: {  	s24 =	simm.s32 $0x880  }
0x1d7: {  	[tilespmem:s24], [sflag:$0x1] =	stream.indirect_vreg.gather [hbm4b:s6+s2], $0x80, v4, vm1, $0xb8;
	[tilespmem:$0xE500] =	vst v63  }
0x1d8: {  	s26 =	simm.s32 $0xC80  }
0x1d9: {  	[tilespmem:s26], [sflag:$0x1] =	stream.indirect_vreg.gather [hbm4b:s5+s2], $0x80, v3, vm0, $0xb8;
	[tilespmem:$0xE500] =	vst v63  }
0x1da: {  	s28 =	simm.s32 $0x1480  }
0x1db: {  	[tilespmem:s28], [sflag:$0x1] =	stream.indirect_vreg.gather [hbm4b:s6+s2], $0x80, v3, vm1, $0xb8;
	[tilespmem:$0xE500] =	vst v63  }
0x1dc: {  	v3 =	vld [tilespmem:$0x10];
	_ =	sdelay $0x4  }
0x1dd: {  	v55 =	vshrl.u32 v3, $0x3  }
0x1de: {  	v4 =	vmul.u32 $0x18, v55  }
0x1df: {  	v3 =	vand.u32 $0x7, v3  }
0x1e0: {  	v3 =	vor.u32 v3, v4  }
0x1e1: {  	v4 =	vperm.xlane v3, v0;
	_ =	sdelay $0x1  }
0x1e2: {  	v4 =	vadd.s32 v1, v4;
	_ =	sdelay $0x1  }
0x1e3: {  	v3 =	vperm.xlane v3, v2;
	_ =	sdelay $0x1  }
0x1e4: {  	s29 =	simm.s32 $0x1880;
	v3 =	vadd.s32 v1, v3  }
0x1e5: {  	[tilespmem:s29], [sflag:$0x1] =	stream.indirect_vreg.gather [hbm4b:s5+s2], $0x80, v4, vm0, $0xb8;
	[tilespmem:$0xE500] =	vst v63  }
0x1e6: {  	s30 =	simm.s32 $0x2080  }
0x1e7: {  	[tilespmem:s30], [sflag:$0x1] =	stream.indirect_vreg.gather [hbm4b:s6+s2], $0x80, v4, vm1, $0xb8;
	[tilespmem:$0xE500] =	vst v63  }
0x1e8: {  	s26 =	simm.s32 $0x2480  }
0x1e9: {  	[tilespmem:s26], [sflag:$0x1] =	stream.indirect_vreg.gather [hbm4b:s5+s2], $0x80, v3, vm0, $0xb8;
	[tilespmem:$0xE500] =	vst v63  }
0x1ea: {  	s19 =	simm.s32 $0x2C80  }
0x1eb: {  	[tilespmem:s19], [sflag:$0x1] =	stream.indirect_vreg.gather [hbm4b:s6+s2], $0x80, v3, vm1, $0xb8;
	[tilespmem:$0xE500] =	vst v63  }
0x1ec: {  	v3 =	vld [tilespmem:$0x20];
	_ =	sdelay $0x4  }
0x1ed: {  	v56 =	vshrl.u32 v3, $0x3  }
0x1ee: {  	v4 =	vmul.u32 $0x18, v56  }
0x1ef: {  	v3 =	vand.u32 $0x7, v3  }
0x1f0: {  	v3 =	vor.u32 v3, v4  }
0x1f1: {  	v4 =	vperm.xlane v3, v0;
	_ =	sdelay $0x1  }
0x1f2: {  	v4 =	vadd.s32 v1, v4;
	_ =	sdelay $0x1  }
0x1f3: {  	v3 =	vperm.xlane v3, v2;
	_ =	sdelay $0x1  }
0x1f4: {  	s31 =	simm.s32 $0x3080;
	v3 =	vadd.s32 v1, v3  }
0x1f5: {  	[tilespmem:s31], [sflag:$0x1] =	stream.indirect_vreg.gather [hbm4b:s5+s2], $0x80, v4, vm0, $0xb8;
	[tilespmem:$0xE500] =	vst v63  }
0x1f6: {  	s28 =	simm.s32 $0x3880  }
0x1f7: {  	[tilespmem:s28], [sflag:$0x1] =	stream.indirect_vreg.gather [hbm4b:s6+s2], $0x80, v4, vm1, $0xb8;
	[tilespmem:$0xE500] =	vst v63  }
0x1f8: {  	s29 =	simm.s32 $0x3C80  }
0x1f9: {  	[tilespmem:s29], [sflag:$0x1] =	stream.indirect_vreg.gather [hbm4b:s5+s2], $0x80, v3, vm0, $0xb8;
	[tilespmem:$0xE500] =	vst v63  }
0x1fa: {  	s30 =	simm.s32 $0x4480  }
0x1fb: {  	[tilespmem:s30], [sflag:$0x1] =	stream.indirect_vreg.gather [hbm4b:s6+s2], $0x80, v3, vm1, $0xb8;
	[tilespmem:$0xE500] =	vst v63  }
0x1fc: {  	v3 =	vld [tilespmem:$0x30];
	_ =	sdelay $0x4  }
0x1fd: {  	v57 =	vshrl.u32 v3, $0x3  }
0x1fe: {  	v4 =	vmul.u32 $0x18, v57  }
0x1ff: {  	v3 =	vand.u32 $0x7, v3  }
0x200: {  	v3 =	vor.u32 v3, v4  }
0x201: {  	v4 =	vperm.xlane v3, v0;
	_ =	sdelay $0x1  }
0x202: {  	v4 =	vadd.s32 v1, v4;
	_ =	sdelay $0x1  }
0x203: {  	v3 =	vperm.xlane v3, v2;
	_ =	sdelay $0x1  }
0x204: {  	s18 =	simm.s32 $0x4880;
	v3 =	vadd.s32 v1, v3  }
0x205: {  	[tilespmem:s18], [sflag:$0x1] =	stream.indirect_vreg.gather [hbm4b:s5+s2], $0x80, v4, vm0, $0xb8;
	[tilespmem:$0xE500] =	vst v63  }
0x206: {  	s18 =	simm.s32 $0x5080  }
0x207: {  	[tilespmem:s18], [sflag:$0x1] =	stream.indirect_vreg.gather [hbm4b:s6+s2], $0x80, v4, vm1, $0xb8;
	[tilespmem:$0xE500] =	vst v63  }
0x208: {  	s14 =	simm.s32 $0x5480  }
0x209: {  	[tilespmem:s14], [sflag:$0x1] =	stream.indirect_vreg.gather [hbm4b:s5+s2], $0x80, v3, vm0, $0xb8;
	[tilespmem:$0xE500] =	vst v63  }
0x20a: {  	s29 =	simm.s32 $0x5C80  }
0x20b: {  	[tilespmem:s29], [sflag:$0x1] =	stream.indirect_vreg.gather [hbm4b:s6+s2], $0x80, v3, vm1, $0xb8;
	[tilespmem:$0xE500] =	vst v63  }
0x20c: {  	v3 =	vld [tilespmem:$0x40];
	_ =	sdelay $0x4  }
0x20d: {  	v58 =	vshrl.u32 v3, $0x3  }
0x20e: {  	v4 =	vmul.u32 $0x18, v58  }
0x20f: {  	v3 =	vand.u32 $0x7, v3  }
0x210: {  	v3 =	vor.u32 v3, v4  }
0x211: {  	v4 =	vperm.xlane v3, v0;
	_ =	sdelay $0x1  }
0x212: {  	v4 =	vadd.s32 v1, v4;
	_ =	sdelay $0x1  }
0x213: {  	v3 =	vperm.xlane v3, v2;
	_ =	sdelay $0x1  }
0x214: {  	s12 =	simm.s32 $0x6080;
	v3 =	vadd.s32 v1, v3  }
0x215: {  	[tilespmem:s12], [sflag:$0x1] =	stream.indirect_vreg.gather [hbm4b:s5+s2], $0x80, v4, vm0, $0xb8;
	[tilespmem:$0xE500] =	vst v63  }
0x216: {  	s1 =	simm.s32 $0x6880  }
0x217: {  	[tilespmem:s1], [sflag:$0x1] =	stream.indirect_vreg.gather [hbm4b:s6+s2], $0x80, v4, vm1, $0xb8;
	[tilespmem:$0xE500] =	vst v63  }
0x218: {  	s4 =	simm.s32 $0x6C80  }
0x219: {  	[tilespmem:s4], [sflag:$0x1] =	stream.indirect_vreg.gather [hbm4b:s5+s2], $0x80, v3, vm0, $0xb8;
	[tilespmem:$0xE500] =	vst v63  }
0x21a: {  	s17 =	simm.s32 $0x7480  }
0x21b: {  	[tilespmem:s17], [sflag:$0x1] =	stream.indirect_vreg.gather [hbm4b:s6+s2], $0x80, v3, vm1, $0xb8;
	[tilespmem:$0xE500] =	vst v63  }
0x21c: {  	v3 =	vld [tilespmem:$0x50];
	_ =	sdelay $0x4  }
0x21d: {  	v59 =	vshrl.u32 v3, $0x3  }
0x21e: {  	v4 =	vmul.u32 $0x18, v59  }
0x21f: {  	v3 =	vand.u32 $0x7, v3  }
0x220: {  	v3 =	vor.u32 v3, v4  }
0x221: {  	v4 =	vperm.xlane v3, v0;
	_ =	sdelay $0x1  }
0x222: {  	v4 =	vadd.s32 v1, v4;
	_ =	sdelay $0x1  }
0x223: {  	v3 =	vperm.xlane v3, v2;
	_ =	sdelay $0x1  }
0x224: {  	s7 =	simm.s32 $0x7880;
	v3 =	vadd.s32 v1, v3  }
0x225: {  	[tilespmem:s7], [sflag:$0x1] =	stream.indirect_vreg.gather [hbm4b:s5+s2], $0x80, v4, vm0, $0xb8;
	[tilespmem:$0xE500] =	vst v63  }
0x226: {  	s9 =	simm.s32 $0x8080  }
0x227: {  	[tilespmem:s9], [sflag:$0x1] =	stream.indirect_vreg.gather [hbm4b:s6+s2], $0x80, v4, vm1, $0xb8;
	[tilespmem:$0xE500] =	vst v63  }
0x228: {  	s10 =	simm.s32 $0x8480  }
0x229: {  	[tilespmem:s10], [sflag:$0x1] =	stream.indirect_vreg.gather [hbm4b:s5+s2], $0x80, v3, vm0, $0xb8;
	[tilespmem:$0xE500] =	vst v63  }
0x22a: {  	s11 =	simm.s32 $0x8C80  }
0x22b: {  	[tilespmem:s11], [sflag:$0x1] =	stream.indirect_vreg.gather [hbm4b:s6+s2], $0x80, v3, vm1, $0xb8;
	[tilespmem:$0xE500] =	vst v63  }
0x22c: {  	v3 =	vld [tilespmem:$0x60];
	_ =	sdelay $0x4  }
0x22d: {  	v60 =	vshrl.u32 v3, $0x3  }
0x22e: {  	v4 =	vmul.u32 $0x18, v60  }
0x22f: {  	v3 =	vand.u32 $0x7, v3  }
0x230: {  	v3 =	vor.u32 v3, v4  }
0x231: {  	v4 =	vperm.xlane v3, v0;
	_ =	sdelay $0x1  }
0x232: {  	v4 =	vadd.s32 v1, v4;
	_ =	sdelay $0x1  }
0x233: {  	v3 =	vperm.xlane v3, v2;
	_ =	sdelay $0x1  }
0x234: {  	s0 =	simm.s32 $0x9080;
	v3 =	vadd.s32 v1, v3  }
0x235: {  	[tilespmem:s0], [sflag:$0x1] =	stream.indirect_vreg.gather [hbm4b:s5+s2], $0x80, v4, vm0, $0xb8;
	[tilespmem:$0xE500] =	vst v63  }
0x236: {  	s3 =	simm.s32 $0x9880  }
0x237: {  	[tilespmem:s3], [sflag:$0x1] =	stream.indirect_vreg.gather [hbm4b:s6+s2], $0x80, v4, vm1, $0xb8;
	[tilespmem:$0xE500] =	vst v63  }
0x238: {  	s13 =	simm.s32 $0x9C80  }
0x239: {  	[tilespmem:s13], [sflag:$0x1] =	stream.indirect_vreg.gather [hbm4b:s5+s2], $0x80, v3, vm0, $0xb8;
	[tilespmem:$0xE500] =	vst v63  }
0x23a: {  	s23 =	simm.s32 $0xA480  }
0x23b: {  	[tilespmem:s23], [sflag:$0x1] =	stream.indirect_vreg.gather [hbm4b:s6+s2], $0x80, v3, vm1, $0xb8;
	[tilespmem:$0xE500] =	vst v63  }
0x23c: {  	v3 =	vld [tilespmem:$0x70];
	_ =	sdelay $0x4  }
0x23d: {  	v61 =	vshrl.u32 v3, $0x3  }
0x23e: {  	v4 =	vmul.u32 $0x18, v61  }
0x23f: {  	v3 =	vand.u32 $0x7, v3  }
0x240: {  	v3 =	vor.u32 v3, v4  }
0x241: {  	v4 =	vperm.xlane v3, v0;
	_ =	sdelay $0x1  }
0x242: {  	v4 =	vadd.s32 v1, v4;
	_ =	sdelay $0x1  }
0x243: {  	v3 =	vperm.xlane v3, v2;
	_ =	sdelay $0x1  }
0x244: {  	s20 =	simm.s32 $0xA880;
	v3 =	vadd.s32 v1, v3  }
0x245: {  	[tilespmem:s20], [sflag:$0x1] =	stream.indirect_vreg.gather [hbm4b:s5+s2], $0x80, v4, vm0, $0xb8;
	[tilespmem:$0xE500] =	vst v63  }
0x246: {  	s15 =	simm.s32 $0xB080  }
0x247: {  	[tilespmem:s15], [sflag:$0x1] =	stream.indirect_vreg.gather [hbm4b:s6+s2], $0x80, v4, vm1, $0xb8;
	[tilespmem:$0xE500] =	vst v63  }
0x248: {  	s22 =	simm.s32 $0xB480  }
0x249: {  	[tilespmem:s22], [sflag:$0x1] =	stream.indirect_vreg.gather [hbm4b:s5+s2], $0x80, v3, vm0, $0xb8;
	[tilespmem:$0xE500] =	vst v63  }
0x24a: {  	s21 =	simm.s32 $0xBC80  }
0x24b: {  	[tilespmem:s21], [sflag:$0x1] =	stream.indirect_vreg.gather [hbm4b:s6+s2], $0x80, v3, vm1, $0xb8;
	[tilespmem:$0xE500] =	vst v63  }
0x24c: {  	_ =	swait.ge [sflag:s16], $0xC000  }
0x24d: {  	[sflag:s16] =	ssyncset.done $0x0  }
0x24e: {  	s22 =	rddreg [dreg:$0x9];
	[sflag:s16] =	ssyncadd.s32 $0xFFFF4000  }
0x24f: {  	[hbm4b:s22+s2] =	stream.linear.scatter [tilespmem:s25], [sflag:$0x2], $0xC000, $0x38;
	[tilespmem:$0xE500] =	vst v63  }
0x250: {  	_ =	swait.ge [sflag:s8], $0xC000  }
0x251: {  	[sflag:s8] =	ssyncset.done $0x0  }
0x252: {  	s21 =	rddreg [dreg:$0xa];
	[sflag:s8] =	ssyncadd.s32 $0xFFFF4000  }
0x253: {  	[tilespmem:s2], [sflag:$0x2] =	stream.linear.gather [hbm4b:s21+s2], $0x80, $0x38;
	[tilespmem:$0xE500] =	vst v63  }
0x254: {  	_ =	swait.ge [sflag:s8], $0x80  }
0x255: {  	[sflag:s8] =	ssyncset.done $0x0  }
0x256: {  	[sflag:s8] =	ssyncadd.s32 $0xFFFFFF80  }
0x257: {  	v3 =	vld [tilespmem:$0x0];
	_ =	sdelay $0x4  }
0x258: {  	v62 =	vshrl.u32 v3, $0x3  }
0x259: {  	v4 =	vmul.u32 $0x18, v62  }
0x25a: {  	v3 =	vand.u32 $0x7, v3  }
0x25b: {  	v3 =	vor.u32 v3, v4  }
0x25c: {  	v4 =	vperm.xlane v3, v0;
	_ =	sdelay $0x1  }
0x25d: {  	v4 =	vadd.s32 v1, v4;
	_ =	sdelay $0x1  }
0x25e: {  	v3 =	vperm.xlane v3, v2;
	_ =	sdelay $0x1  }
0x25f: {  	v3 =	vadd.s32 v1, v3  }
0x260: {  	[tilespmem:s25], [sflag:$0x1] =	stream.indirect_vreg.gather [hbm4b:s5+s2], $0x80, v4, vm0, $0xb8;
	[tilespmem:$0xE500] =	vst v63  }
0x261: {  	s22 =	simm.s32 $0x880  }
0x262: {  	[tilespmem:s22], [sflag:$0x1] =	stream.indirect_vreg.gather [hbm4b:s6+s2], $0x80, v4, vm1, $0xb8;
	[tilespmem:$0xE500] =	vst v63  }
0x263: {  	s24 =	simm.s32 $0xC80  }
0x264: {  	[tilespmem:s24], [sflag:$0x1] =	stream.indirect_vreg.gather [hbm4b:s5+s2], $0x80, v3, vm0, $0xb8;
	[tilespmem:$0xE500] =	vst v63  }
0x265: {  	s24 =	simm.s32 $0x1480  }
0x266: {  	[tilespmem:s24], [sflag:$0x1] =	stream.indirect_vreg.gather [hbm4b:s6+s2], $0x80, v3, vm1, $0xb8;
	[tilespmem:$0xE500] =	vst v63  }
0x267: {  	v3 =	vld [tilespmem:$0x10];
	_ =	sdelay $0x4  }
0x268: {  	v63 =	vshrl.u32 v3, $0x3  }
0x269: {  	v4 =	vmul.u32 $0x18, v63  }
0x26a: {  	v3 =	vand.u32 $0x7, v3  }
0x26b: {  	v3 =	vor.u32 v3, v4  }
0x26c: {  	v4 =	vperm.xlane v3, v0;
	_ =	sdelay $0x1  }
0x26d: {  	v4 =	vadd.s32 v1, v4;
	_ =	sdelay $0x1  }
0x26e: {  	v3 =	vperm.xlane v3, v2;
	_ =	sdelay $0x1  }
0x26f: {  	s21 =	simm.s32 $0x1880;
	v3 =	vadd.s32 v1, v3  }
0x270: {  	[tilespmem:s21], [sflag:$0x1] =	stream.indirect_vreg.gather [hbm4b:s5+s2], $0x80, v4, vm0, $0xb8;
	[tilespmem:$0xE500] =	vst v63  }
0x271: {  	s24 =	simm.s32 $0x2080  }
0x272: {  	[tilespmem:s24], [sflag:$0x1] =	stream.indirect_vreg.gather [hbm4b:s6+s2], $0x80, v4, vm1, $0xb8;
	[tilespmem:$0xE500] =	vst v63  }
0x273: {  	s21 =	simm.s32 $0x2480  }
0x274: {  	[tilespmem:s21], [sflag:$0x1] =	stream.indirect_vreg.gather [hbm4b:s5+s2], $0x80, v3, vm0, $0xb8;
	[tilespmem:$0xE500] =	vst v63  }
0x275: {  	s24 =	simm.s32 $0x2C80  }
0x276: {  	[tilespmem:s24], [sflag:$0x1] =	stream.indirect_vreg.gather [hbm4b:s6+s2], $0x80, v3, vm1, $0xb8;
	[tilespmem:$0xE500] =	vst v63  }
0x277: {  	v3 =	vld [tilespmem:$0x20];
	_ =	sdelay $0x4  }
0x278: {  	v8 =	vshrl.u32 v3, $0x3  }
0x279: {  	v4 =	vmul.u32 $0x18, v8  }
0x27a: {  	v3 =	vand.u32 $0x7, v3  }
0x27b: {  	v3 =	vor.u32 v3, v4  }
0x27c: {  	v4 =	vperm.xlane v3, v0;
	_ =	sdelay $0x1  }
0x27d: {  	v4 =	vadd.s32 v1, v4;
	_ =	sdelay $0x1  }
0x27e: {  	v3 =	vperm.xlane v3, v2;
	_ =	sdelay $0x1  }
0x27f: {  	s26 =	simm.s32 $0x3080;
	v3 =	vadd.s32 v1, v3  }
0x280: {  	[tilespmem:s26], [sflag:$0x1] =	stream.indirect_vreg.gather [hbm4b:s5+s2], $0x80, v4, vm0, $0xb8;
	[tilespmem:$0xE500] =	vst v63  }
0x281: {  	s31 =	simm.s32 $0x3880  }
0x282: {  	[tilespmem:s31], [sflag:$0x1] =	stream.indirect_vreg.gather [hbm4b:s6+s2], $0x80, v4, vm1, $0xb8;
	[tilespmem:$0xE500] =	vst v63  }
0x283: {  	s19 =	simm.s32 $0x3C80  }
0x284: {  	[tilespmem:s19], [sflag:$0x1] =	stream.indirect_vreg.gather [hbm4b:s5+s2], $0x80, v3, vm0, $0xb8;
	[tilespmem:$0xE500] =	vst v63  }
0x285: {  	s28 =	simm.s32 $0x4480  }
0x286: {  	[tilespmem:s28], [sflag:$0x1] =	stream.indirect_vreg.gather [hbm4b:s6+s2], $0x80, v3, vm1, $0xb8;
	[tilespmem:$0xE500] =	vst v63  }
0x287: {  	v3 =	vld [tilespmem:$0x30];
	_ =	sdelay $0x4  }
0x288: {  	v9 =	vshrl.u32 v3, $0x3  }
0x289: {  	v4 =	vmul.u32 $0x18, v9  }
0x28a: {  	v3 =	vand.u32 $0x7, v3  }
0x28b: {  	v3 =	vor.u32 v3, v4  }
0x28c: {  	v4 =	vperm.xlane v3, v0;
	_ =	sdelay $0x1  }
0x28d: {  	v4 =	vadd.s32 v1, v4;
	_ =	sdelay $0x1  }
0x28e: {  	v3 =	vperm.xlane v3, v2;
	_ =	sdelay $0x1  }
0x28f: {  	s30 =	simm.s32 $0x4880;
	v3 =	vadd.s32 v1, v3  }
0x290: {  	[tilespmem:s30], [sflag:$0x1] =	stream.indirect_vreg.gather [hbm4b:s5+s2], $0x80, v4, vm0, $0xb8;
	[tilespmem:$0xE500] =	vst v63  }
0x291: {  	s28 =	simm.s32 $0x5080  }
0x292: {  	[tilespmem:s28], [sflag:$0x1] =	stream.indirect_vreg.gather [hbm4b:s6+s2], $0x80, v4, vm1, $0xb8;
	[tilespmem:$0xE500] =	vst v63  }
0x293: {  	s18 =	simm.s32 $0x5480  }
0x294: {  	[tilespmem:s18], [sflag:$0x1] =	stream.indirect_vreg.gather [hbm4b:s5+s2], $0x80, v3, vm0, $0xb8;
	[tilespmem:$0xE500] =	vst v63  }
0x295: {  	s28 =	simm.s32 $0x5C80  }
0x296: {  	[tilespmem:s28], [sflag:$0x1] =	stream.indirect_vreg.gather [hbm4b:s6+s2], $0x80, v3, vm1, $0xb8;
	[tilespmem:$0xE500] =	vst v63  }
0x297: {  	v3 =	vld [tilespmem:$0x40];
	_ =	sdelay $0x4  }
0x298: {  	v10 =	vshrl.u32 v3, $0x3  }
0x299: {  	v4 =	vmul.u32 $0x18, v10  }
0x29a: {  	v3 =	vand.u32 $0x7, v3  }
0x29b: {  	v3 =	vor.u32 v3, v4  }
0x29c: {  	v4 =	vperm.xlane v3, v0;
	_ =	sdelay $0x1  }
0x29d: {  	v4 =	vadd.s32 v1, v4;
	_ =	sdelay $0x1  }
0x29e: {  	v3 =	vperm.xlane v3, v2;
	_ =	sdelay $0x1  }
0x29f: {  	s29 =	simm.s32 $0x6080;
	v3 =	vadd.s32 v1, v3  }
0x2a0: {  	[tilespmem:s29], [sflag:$0x1] =	stream.indirect_vreg.gather [hbm4b:s5+s2], $0x80, v4, vm0, $0xb8;
	[tilespmem:$0xE500] =	vst v63  }
0x2a1: {  	s1 =	simm.s32 $0x6880  }
0x2a2: {  	[tilespmem:s1], [sflag:$0x1] =	stream.indirect_vreg.gather [hbm4b:s6+s2], $0x80, v4, vm1, $0xb8;
	[tilespmem:$0xE500] =	vst v63  }
0x2a3: {  	s14 =	simm.s32 $0x6C80  }
0x2a4: {  	[tilespmem:s14], [sflag:$0x1] =	stream.indirect_vreg.gather [hbm4b:s5+s2], $0x80, v3, vm0, $0xb8;
	[tilespmem:$0xE500] =	vst v63  }
0x2a5: {  	s29 =	simm.s32 $0x7480  }
0x2a6: {  	[tilespmem:s29], [sflag:$0x1] =	stream.indirect_vreg.gather [hbm4b:s6+s2], $0x80, v3, vm1, $0xb8;
	[tilespmem:$0xE500] =	vst v63  }
0x2a7: {  	v3 =	vld [tilespmem:$0x50];
	_ =	sdelay $0x4  }
0x2a8: {  	v11 =	vshrl.u32 v3, $0x3  }
0x2a9: {  	v4 =	vmul.u32 $0x18, v11  }
0x2aa: {  	v3 =	vand.u32 $0x7, v3  }
0x2ab: {  	v3 =	vor.u32 v3, v4  }
0x2ac: {  	v4 =	vperm.xlane v3, v0;
	_ =	sdelay $0x1  }
0x2ad: {  	v4 =	vadd.s32 v1, v4;
	_ =	sdelay $0x1  }
0x2ae: {  	v3 =	vperm.xlane v3, v2;
	_ =	sdelay $0x1  }
0x2af: {  	s7 =	simm.s32 $0x7880;
	v3 =	vadd.s32 v1, v3  }
0x2b0: {  	[tilespmem:s7], [sflag:$0x1] =	stream.indirect_vreg.gather [hbm4b:s5+s2], $0x80, v4, vm0, $0xb8;
	[tilespmem:$0xE500] =	vst v63  }
0x2b1: {  	s9 =	simm.s32 $0x8080  }
0x2b2: {  	[tilespmem:s9], [sflag:$0x1] =	stream.indirect_vreg.gather [hbm4b:s6+s2], $0x80, v4, vm1, $0xb8;
	[tilespmem:$0xE500] =	vst v63  }
0x2b3: {  	s10 =	simm.s32 $0x8480  }
0x2b4: {  	[tilespmem:s10], [sflag:$0x1] =	stream.indirect_vreg.gather [hbm4b:s5+s2], $0x80, v3, vm0, $0xb8;
	[tilespmem:$0xE500] =	vst v63  }
0x2b5: {  	s11 =	simm.s32 $0x8C80  }
0x2b6: {  	[tilespmem:s11], [sflag:$0x1] =	stream.indirect_vreg.gather [hbm4b:s6+s2], $0x80, v3, vm1, $0xb8;
	[tilespmem:$0xE500] =	vst v63  }
0x2b7: {  	v3 =	vld [tilespmem:$0x60];
	_ =	sdelay $0x4  }
0x2b8: {  	v12 =	vshrl.u32 v3, $0x3  }
0x2b9: {  	v4 =	vmul.u32 $0x18, v12  }
0x2ba: {  	v3 =	vand.u32 $0x7, v3  }
0x2bb: {  	v3 =	vor.u32 v3, v4  }
0x2bc: {  	v4 =	vperm.xlane v3, v0;
	_ =	sdelay $0x1  }
0x2bd: {  	v4 =	vadd.s32 v1, v4;
	_ =	sdelay $0x1  }
0x2be: {  	v3 =	vperm.xlane v3, v2;
	_ =	sdelay $0x1  }
0x2bf: {  	s0 =	simm.s32 $0x9080;
	v3 =	vadd.s32 v1, v3  }
0x2c0: {  	[tilespmem:s0], [sflag:$0x1] =	stream.indirect_vreg.gather [hbm4b:s5+s2], $0x80, v4, vm0, $0xb8;
	[tilespmem:$0xE500] =	vst v63  }
0x2c1: {  	s3 =	simm.s32 $0x9880  }
0x2c2: {  	[tilespmem:s3], [sflag:$0x1] =	stream.indirect_vreg.gather [hbm4b:s6+s2], $0x80, v4, vm1, $0xb8;
	[tilespmem:$0xE500] =	vst v63  }
0x2c3: {  	s4 =	simm.s32 $0x9C80  }
0x2c4: {  	[tilespmem:s4], [sflag:$0x1] =	stream.indirect_vreg.gather [hbm4b:s5+s2], $0x80, v3, vm0, $0xb8;
	[tilespmem:$0xE500] =	vst v63  }
0x2c5: {  	s23 =	simm.s32 $0xA480  }
0x2c6: {  	[tilespmem:s23], [sflag:$0x1] =	stream.indirect_vreg.gather [hbm4b:s6+s2], $0x80, v3, vm1, $0xb8;
	[tilespmem:$0xE500] =	vst v63  }
0x2c7: {  	v3 =	vld [tilespmem:$0x70];
	_ =	sdelay $0x4  }
0x2c8: {  	v13 =	vshrl.u32 v3, $0x3  }
0x2c9: {  	v4 =	vmul.u32 $0x18, v13  }
0x2ca: {  	v3 =	vand.u32 $0x7, v3  }
0x2cb: {  	v3 =	vor.u32 v3, v4  }
0x2cc: {  	v4 =	vperm.xlane v3, v0;
	_ =	sdelay $0x1  }
0x2cd: {  	v4 =	vadd.s32 v1, v4;
	_ =	sdelay $0x1  }
0x2ce: {  	v3 =	vperm.xlane v3, v2;
	_ =	sdelay $0x1  }
0x2cf: {  	s13 =	simm.s32 $0xA880;
	v3 =	vadd.s32 v1, v3  }
0x2d0: {  	[tilespmem:s13], [sflag:$0x1] =	stream.indirect_vreg.gather [hbm4b:s5+s2], $0x80, v4, vm0, $0xb8;
	[tilespmem:$0xE500] =	vst v63  }
0x2d1: {  	s12 =	simm.s32 $0xB080  }
0x2d2: {  	[tilespmem:s12], [sflag:$0x1] =	stream.indirect_vreg.gather [hbm4b:s6+s2], $0x80, v4, vm1, $0xb8;
	[tilespmem:$0xE500] =	vst v63  }
0x2d3: {  	s15 =	simm.s32 $0xB480  }
0x2d4: {  	[tilespmem:s15], [sflag:$0x1] =	stream.indirect_vreg.gather [hbm4b:s5+s2], $0x80, v3, vm0, $0xb8;
	[tilespmem:$0xE500] =	vst v63  }
0x2d5: {  	s20 =	simm.s32 $0xBC80  }
0x2d6: {  	[tilespmem:s20], [sflag:$0x1] =	stream.indirect_vreg.gather [hbm4b:s6+s2], $0x80, v3, vm1, $0xb8;
	[tilespmem:$0xE500] =	vst v63  }
0x2d7: {  	_ =	swait.ge [sflag:s16], $0xC000  }
0x2d8: {  	[sflag:s16] =	ssyncset.done $0x0  }
0x2d9: {  	s20 =	rddreg [dreg:$0xb];
	[sflag:s16] =	ssyncadd.s32 $0xFFFF4000  }
0x2da: {  	[hbm4b:s20+s2] =	stream.linear.scatter [tilespmem:s25], [sflag:$0x2], $0xC000, $0x38;
	[tilespmem:$0xE500] =	vst v63  }
0x2db: {  	_ =	swait.ge [sflag:s8], $0xC000  }
0x2dc: {  	[sflag:s8] =	ssyncset.done $0x0  }
0x2dd: {  	s20 =	rddreg [dreg:$0xc];
	[sflag:s8] =	ssyncadd.s32 $0xFFFF4000  }
0x2de: {  	[tilespmem:s2], [sflag:$0x2] =	stream.linear.gather [hbm4b:s20+s2], $0x80, $0x38;
	[tilespmem:$0xE500] =	vst v63  }
0x2df: {  	_ =	swait.ge [sflag:s8], $0x80  }
0x2e0: {  	[sflag:s8] =	ssyncset.done $0x0  }
0x2e1: {  	[sflag:s8] =	ssyncadd.s32 $0xFFFFFF80  }
0x2e2: {  	v3 =	vld [tilespmem:$0x0];
	_ =	sdelay $0x4  }
0x2e3: {  	v14 =	vshrl.u32 v3, $0x3  }
0x2e4: {  	v4 =	vmul.u32 $0x18, v14  }
0x2e5: {  	v3 =	vand.u32 $0x7, v3  }
0x2e6: {  	v3 =	vor.u32 v3, v4  }
0x2e7: {  	v4 =	vperm.xlane v3, v0;
	_ =	sdelay $0x1  }
0x2e8: {  	v4 =	vadd.s32 v1, v4;
	_ =	sdelay $0x1  }
0x2e9: {  	v3 =	vperm.xlane v3, v2;
	_ =	sdelay $0x1  }
0x2ea: {  	v3 =	vadd.s32 v1, v3  }
0x2eb: {  	[tilespmem:s25], [sflag:$0x1] =	stream.indirect_vreg.gather [hbm4b:s5+s2], $0x80, v4, vm0, $0xb8;
	[tilespmem:$0xE500] =	vst v63  }
0x2ec: {  	s20 =	simm.s32 $0x880  }
0x2ed: {  	[tilespmem:s20], [sflag:$0x1] =	stream.indirect_vreg.gather [hbm4b:s6+s2], $0x80, v4, vm1, $0xb8;
	[tilespmem:$0xE500] =	vst v63  }
0x2ee: {  	s22 =	simm.s32 $0xC80  }
0x2ef: {  	[tilespmem:s22], [sflag:$0x1] =	stream.indirect_vreg.gather [hbm4b:s5+s2], $0x80, v3, vm0, $0xb8;
	[tilespmem:$0xE500] =	vst v63  }
0x2f0: {  	s22 =	simm.s32 $0x1480  }
0x2f1: {  	[tilespmem:s22], [sflag:$0x1] =	stream.indirect_vreg.gather [hbm4b:s6+s2], $0x80, v3, vm1, $0xb8;
	[tilespmem:$0xE500] =	vst v63  }
0x2f2: {  	v3 =	vld [tilespmem:$0x10];
	_ =	sdelay $0x4  }
0x2f3: {  	v15 =	vshrl.u32 v3, $0x3  }
0x2f4: {  	v4 =	vmul.u32 $0x18, v15  }
0x2f5: {  	v3 =	vand.u32 $0x7, v3  }
0x2f6: {  	v3 =	vor.u32 v3, v4  }
0x2f7: {  	v4 =	vperm.xlane v3, v0;
	_ =	sdelay $0x1  }
0x2f8: {  	v4 =	vadd.s32 v1, v4;
	_ =	sdelay $0x1  }
0x2f9: {  	v3 =	vperm.xlane v3, v2;
	_ =	sdelay $0x1  }
0x2fa: {  	s22 =	simm.s32 $0x1880;
	v3 =	vadd.s32 v1, v3  }
0x2fb: {  	[tilespmem:s22], [sflag:$0x1] =	stream.indirect_vreg.gather [hbm4b:s5+s2], $0x80, v4, vm0, $0xb8;
	[tilespmem:$0xE500] =	vst v63  }
0x2fc: {  	s22 =	simm.s32 $0x2080  }
0x2fd: {  	[tilespmem:s22], [sflag:$0x1] =	stream.indirect_vreg.gather [hbm4b:s6+s2], $0x80, v4, vm1, $0xb8;
	[tilespmem:$0xE500] =	vst v63  }
0x2fe: {  	s22 =	simm.s32 $0x2480  }
0x2ff: {  	[tilespmem:s22], [sflag:$0x1] =	stream.indirect_vreg.gather [hbm4b:s5+s2], $0x80, v3, vm0, $0xb8;
	[tilespmem:$0xE500] =	vst v63  }
0x300: {  	s24 =	simm.s32 $0x2C80  }
0x301: {  	[tilespmem:s24], [sflag:$0x1] =	stream.indirect_vreg.gather [hbm4b:s6+s2], $0x80, v3, vm1, $0xb8;
	[tilespmem:$0xE500] =	vst v63  }
0x302: {  	v3 =	vld [tilespmem:$0x20];
	_ =	sdelay $0x4  }
0x303: {  	v16 =	vshrl.u32 v3, $0x3  }
0x304: {  	v4 =	vmul.u32 $0x18, v16  }
0x305: {  	v3 =	vand.u32 $0x7, v3  }
0x306: {  	v3 =	vor.u32 v3, v4  }
0x307: {  	v4 =	vperm.xlane v3, v0;
	_ =	sdelay $0x1  }
0x308: {  	v4 =	vadd.s32 v1, v4;
	_ =	sdelay $0x1  }
0x309: {  	v3 =	vperm.xlane v3, v2;
	_ =	sdelay $0x1  }
0x30a: {  	s21 =	simm.s32 $0x3080;
	v3 =	vadd.s32 v1, v3  }
0x30b: {  	[tilespmem:s21], [sflag:$0x1] =	stream.indirect_vreg.gather [hbm4b:s5+s2], $0x80, v4, vm0, $0xb8;
	[tilespmem:$0xE500] =	vst v63  }
0x30c: {  	s26 =	simm.s32 $0x3880  }
0x30d: {  	[tilespmem:s26], [sflag:$0x1] =	stream.indirect_vreg.gather [hbm4b:s6+s2], $0x80, v4, vm1, $0xb8;
	[tilespmem:$0xE500] =	vst v63  }
0x30e: {  	s31 =	simm.s32 $0x3C80  }
0x30f: {  	[tilespmem:s31], [sflag:$0x1] =	stream.indirect_vreg.gather [hbm4b:s5+s2], $0x80, v3, vm0, $0xb8;
	[tilespmem:$0xE500] =	vst v63  }
0x310: {  	s19 =	simm.s32 $0x4480  }
0x311: {  	[tilespmem:s19], [sflag:$0x1] =	stream.indirect_vreg.gather [hbm4b:s6+s2], $0x80, v3, vm1, $0xb8;
	[tilespmem:$0xE500] =	vst v63  }
0x312: {  	v3 =	vld [tilespmem:$0x30];
	_ =	sdelay $0x4  }
0x313: {  	v17 =	vshrl.u32 v3, $0x3  }
0x314: {  	v4 =	vmul.u32 $0x18, v17  }
0x315: {  	v3 =	vand.u32 $0x7, v3  }
0x316: {  	v3 =	vor.u32 v3, v4  }
0x317: {  	v4 =	vperm.xlane v3, v0;
	_ =	sdelay $0x1  }
0x318: {  	v4 =	vadd.s32 v1, v4;
	_ =	sdelay $0x1  }
0x319: {  	v3 =	vperm.xlane v3, v2;
	_ =	sdelay $0x1  }
0x31a: {  	s30 =	simm.s32 $0x4880;
	v3 =	vadd.s32 v1, v3  }
0x31b: {  	[tilespmem:s30], [sflag:$0x1] =	stream.indirect_vreg.gather [hbm4b:s5+s2], $0x80, v4, vm0, $0xb8;
	[tilespmem:$0xE500] =	vst v63  }
0x31c: {  	s30 =	simm.s32 $0x5080  }
0x31d: {  	[tilespmem:s30], [sflag:$0x1] =	stream.indirect_vreg.gather [hbm4b:s6+s2], $0x80, v4, vm1, $0xb8;
	[tilespmem:$0xE500] =	vst v63  }
0x31e: {  	s18 =	simm.s32 $0x5480  }
0x31f: {  	[tilespmem:s18], [sflag:$0x1] =	stream.indirect_vreg.gather [hbm4b:s5+s2], $0x80, v3, vm0, $0xb8;
	[tilespmem:$0xE500] =	vst v63  }
0x320: {  	s19 =	simm.s32 $0x5C80  }
0x321: {  	[tilespmem:s19], [sflag:$0x1] =	stream.indirect_vreg.gather [hbm4b:s6+s2], $0x80, v3, vm1, $0xb8;
	[tilespmem:$0xE500] =	vst v63  }
0x322: {  	v3 =	vld [tilespmem:$0x40];
	_ =	sdelay $0x4  }
0x323: {  	v18 =	vshrl.u32 v3, $0x3  }
0x324: {  	v4 =	vmul.u32 $0x18, v18  }
0x325: {  	v3 =	vand.u32 $0x7, v3  }
0x326: {  	v3 =	vor.u32 v3, v4  }
0x327: {  	v4 =	vperm.xlane v3, v0;
	_ =	sdelay $0x1  }
0x328: {  	v4 =	vadd.s32 v1, v4;
	_ =	sdelay $0x1  }
0x329: {  	v3 =	vperm.xlane v3, v2;
	_ =	sdelay $0x1  }
0x32a: {  	s28 =	simm.s32 $0x6080;
	v3 =	vadd.s32 v1, v3  }
0x32b: {  	[tilespmem:s28], [sflag:$0x1] =	stream.indirect_vreg.gather [hbm4b:s5+s2], $0x80, v4, vm0, $0xb8;
	[tilespmem:$0xE500] =	vst v63  }
0x32c: {  	s1 =	simm.s32 $0x6880  }
0x32d: {  	[tilespmem:s1], [sflag:$0x1] =	stream.indirect_vreg.gather [hbm4b:s6+s2], $0x80, v4, vm1, $0xb8;
	[tilespmem:$0xE500] =	vst v63  }
0x32e: {  	s14 =	simm.s32 $0x6C80  }
0x32f: {  	[tilespmem:s14], [sflag:$0x1] =	stream.indirect_vreg.gather [hbm4b:s5+s2], $0x80, v3, vm0, $0xb8;
	[tilespmem:$0xE500] =	vst v63  }
0x330: {  	s28 =	simm.s32 $0x7480  }
0x331: {  	[tilespmem:s28], [sflag:$0x1] =	stream.indirect_vreg.gather [hbm4b:s6+s2], $0x80, v3, vm1, $0xb8;
	[tilespmem:$0xE500] =	vst v63  }
0x332: {  	v3 =	vld [tilespmem:$0x50];
	_ =	sdelay $0x4  }
0x333: {  	v19 =	vshrl.u32 v3, $0x3  }
0x334: {  	v4 =	vmul.u32 $0x18, v19  }
0x335: {  	v3 =	vand.u32 $0x7, v3  }
0x336: {  	v3 =	vor.u32 v3, v4  }
0x337: {  	v4 =	vperm.xlane v3, v0;
	_ =	sdelay $0x1  }
0x338: {  	v4 =	vadd.s32 v1, v4;
	_ =	sdelay $0x1  }
0x339: {  	v3 =	vperm.xlane v3, v2;
	_ =	sdelay $0x1  }
0x33a: {  	s29 =	simm.s32 $0x7880;
	v3 =	vadd.s32 v1, v3  }
0x33b: {  	[tilespmem:s29], [sflag:$0x1] =	stream.indirect_vreg.gather [hbm4b:s5+s2], $0x80, v4, vm0, $0xb8;
	[tilespmem:$0xE500] =	vst v63  }
0x33c: {  	s9 =	simm.s32 $0x8080  }
0x33d: {  	[tilespmem:s9], [sflag:$0x1] =	stream.indirect_vreg.gather [hbm4b:s6+s2], $0x80, v4, vm1, $0xb8;
	[tilespmem:$0xE500] =	vst v63  }
0x33e: {  	s10 =	simm.s32 $0x8480  }
0x33f: {  	[tilespmem:s10], [sflag:$0x1] =	stream.indirect_vreg.gather [hbm4b:s5+s2], $0x80, v3, vm0, $0xb8;
	[tilespmem:$0xE500] =	vst v63  }
0x340: {  	s11 =	simm.s32 $0x8C80  }
0x341: {  	[tilespmem:s11], [sflag:$0x1] =	stream.indirect_vreg.gather [hbm4b:s6+s2], $0x80, v3, vm1, $0xb8;
	[tilespmem:$0xE500] =	vst v63  }
0x342: {  	v3 =	vld [tilespmem:$0x60];
	_ =	sdelay $0x4  }
0x343: {  	v20 =	vshrl.u32 v3, $0x3  }
0x344: {  	v4 =	vmul.u32 $0x18, v20  }
0x345: {  	v3 =	vand.u32 $0x7, v3  }
0x346: {  	v3 =	vor.u32 v3, v4  }
0x347: {  	v4 =	vperm.xlane v3, v0;
	_ =	sdelay $0x1  }
0x348: {  	v4 =	vadd.s32 v1, v4;
	_ =	sdelay $0x1  }
0x349: {  	v3 =	vperm.xlane v3, v2;
	_ =	sdelay $0x1  }
0x34a: {  	s0 =	simm.s32 $0x9080;
	v3 =	vadd.s32 v1, v3  }
0x34b: {  	[tilespmem:s0], [sflag:$0x1] =	stream.indirect_vreg.gather [hbm4b:s5+s2], $0x80, v4, vm0, $0xb8;
	[tilespmem:$0xE500] =	vst v63  }
0x34c: {  	s3 =	simm.s32 $0x9880  }
0x34d: {  	[tilespmem:s3], [sflag:$0x1] =	stream.indirect_vreg.gather [hbm4b:s6+s2], $0x80, v4, vm1, $0xb8;
	[tilespmem:$0xE500] =	vst v63  }
0x34e: {  	s4 =	simm.s32 $0x9C80  }
0x34f: {  	[tilespmem:s4], [sflag:$0x1] =	stream.indirect_vreg.gather [hbm4b:s5+s2], $0x80, v3, vm0, $0xb8;
	[tilespmem:$0xE500] =	vst v63  }
0x350: {  	s23 =	simm.s32 $0xA480  }
0x351: {  	[tilespmem:s23], [sflag:$0x1] =	stream.indirect_vreg.gather [hbm4b:s6+s2], $0x80, v3, vm1, $0xb8;
	[tilespmem:$0xE500] =	vst v63  }
0x352: {  	v3 =	vld [tilespmem:$0x70];
	_ =	sdelay $0x4  }
0x353: {  	v21 =	vshrl.u32 v3, $0x3  }
0x354: {  	v4 =	vmul.u32 $0x18, v21  }
0x355: {  	v3 =	vand.u32 $0x7, v3  }
0x356: {  	v3 =	vor.u32 v3, v4  }
0x357: {  	v4 =	vperm.xlane v3, v0;
	_ =	sdelay $0x1  }
0x358: {  	v4 =	vadd.s32 v1, v4;
	_ =	sdelay $0x1  }
0x359: {  	v3 =	vperm.xlane v3, v2;
	_ =	sdelay $0x1  }
0x35a: {  	s13 =	simm.s32 $0xA880;
	v3 =	vadd.s32 v1, v3  }
0x35b: {  	[tilespmem:s13], [sflag:$0x1] =	stream.indirect_vreg.gather [hbm4b:s5+s2], $0x80, v4, vm0, $0xb8;
	[tilespmem:$0xE500] =	vst v63  }
0x35c: {  	s7 =	simm.s32 $0xB080  }
0x35d: {  	[tilespmem:s7], [sflag:$0x1] =	stream.indirect_vreg.gather [hbm4b:s6+s2], $0x80, v4, vm1, $0xb8;
	[tilespmem:$0xE500] =	vst v63  }
0x35e: {  	s12 =	simm.s32 $0xB480  }
0x35f: {  	[tilespmem:s12], [sflag:$0x1] =	stream.indirect_vreg.gather [hbm4b:s5+s2], $0x80, v3, vm0, $0xb8;
	[tilespmem:$0xE500] =	vst v63  }
0x360: {  	s15 =	simm.s32 $0xBC80  }
0x361: {  	[tilespmem:s15], [sflag:$0x1] =	stream.indirect_vreg.gather [hbm4b:s6+s2], $0x80, v3, vm1, $0xb8;
	[tilespmem:$0xE500] =	vst v63  }
0x362: {  	_ =	swait.ge [sflag:s16], $0xC000  }
0x363: {  	[sflag:s16] =	ssyncset.done $0x0  }
0x364: {  	s29 =	rddreg [dreg:$0xd];
	[sflag:s16] =	ssyncadd.s32 $0xFFFF4000  }
0x365: {  	[hbm4b:s29+s2] =	stream.linear.scatter [tilespmem:s25], [sflag:$0x2], $0xC000, $0x38;
	[tilespmem:$0xE500] =	vst v63  }
0x366: {  	_ =	swait.ge [sflag:s8], $0xC000  }
0x367: {  	[sflag:s8] =	ssyncset.done $0x0  }
0x368: {  	s15 =	rddreg [dreg:$0xe];
	[sflag:s8] =	ssyncadd.s32 $0xFFFF4000  }
0x369: {  	[tilespmem:s2], [sflag:$0x2] =	stream.linear.gather [hbm4b:s15+s2], $0x80, $0x38;
	[tilespmem:$0xE500] =	vst v63  }
0x36a: {  	_ =	swait.ge [sflag:s8], $0x80  }
0x36b: {  	[sflag:s8] =	ssyncset.done $0x0  }
0x36c: {  	[sflag:s8] =	ssyncadd.s32 $0xFFFFFF80  }
0x36d: {  	v3 =	vld [tilespmem:$0x0];
	_ =	sdelay $0x4  }
0x36e: {  	v22 =	vshrl.u32 v3, $0x3  }
0x36f: {  	v4 =	vmul.u32 $0x18, v22  }
0x370: {  	v3 =	vand.u32 $0x7, v3  }
0x371: {  	v3 =	vor.u32 v3, v4  }
0x372: {  	v4 =	vperm.xlane v3, v0;
	_ =	sdelay $0x1  }
0x373: {  	v4 =	vadd.s32 v1, v4;
	_ =	sdelay $0x1  }
0x374: {  	v3 =	vperm.xlane v3, v2;
	_ =	sdelay $0x1  }
0x375: {  	v3 =	vadd.s32 v1, v3  }
0x376: {  	[tilespmem:s25], [sflag:$0x1] =	stream.indirect_vreg.gather [hbm4b:s5+s2], $0x80, v4, vm0, $0xb8;
	[tilespmem:$0xE500] =	vst v63  }
0x377: {  	s17 =	simm.s32 $0x880  }
0x378: {  	[tilespmem:s17], [sflag:$0x1] =	stream.indirect_vreg.gather [hbm4b:s6+s2], $0x80, v4, vm1, $0xb8;
	[tilespmem:$0xE500] =	vst v63  }
0x379: {  	s20 =	simm.s32 $0xC80  }
0x37a: {  	[tilespmem:s20], [sflag:$0x1] =	stream.indirect_vreg.gather [hbm4b:s5+s2], $0x80, v3, vm0, $0xb8;
	[tilespmem:$0xE500] =	vst v63  }
0x37b: {  	s29 =	simm.s32 $0x1480  }
0x37c: {  	[tilespmem:s29], [sflag:$0x1] =	stream.indirect_vreg.gather [hbm4b:s6+s2], $0x80, v3, vm1, $0xb8;
	[tilespmem:$0xE500] =	vst v63  }
0x37d: {  	v3 =	vld [tilespmem:$0x10];
	_ =	sdelay $0x4  }
0x37e: {  	v23 =	vshrl.u32 v3, $0x3  }
0x37f: {  	v4 =	vmul.u32 $0x18, v23  }
0x380: {  	v3 =	vand.u32 $0x7, v3  }
0x381: {  	v3 =	vor.u32 v3, v4  }
0x382: {  	v4 =	vperm.xlane v3, v0;
	_ =	sdelay $0x1  }
0x383: {  	v4 =	vadd.s32 v1, v4;
	_ =	sdelay $0x1  }
0x384: {  	v3 =	vperm.xlane v3, v2;
	_ =	sdelay $0x1  }
0x385: {  	s17 =	simm.s32 $0x1880;
	v3 =	vadd.s32 v1, v3  }
0x386: {  	[tilespmem:s17], [sflag:$0x1] =	stream.indirect_vreg.gather [hbm4b:s5+s2], $0x80, v4, vm0, $0xb8;
	[tilespmem:$0xE500] =	vst v63  }
0x387: {  	s29 =	simm.s32 $0x2080  }
0x388: {  	[tilespmem:s29], [sflag:$0x1] =	stream.indirect_vreg.gather [hbm4b:s6+s2], $0x80, v4, vm1, $0xb8;
	[tilespmem:$0xE500] =	vst v63  }
0x389: {  	s17 =	simm.s32 $0x2480  }
0x38a: {  	[tilespmem:s17], [sflag:$0x1] =	stream.indirect_vreg.gather [hbm4b:s5+s2], $0x80, v3, vm0, $0xb8;
	[tilespmem:$0xE500] =	vst v63  }
0x38b: {  	s22 =	simm.s32 $0x2C80  }
0x38c: {  	[tilespmem:s22], [sflag:$0x1] =	stream.indirect_vreg.gather [hbm4b:s6+s2], $0x80, v3, vm1, $0xb8;
	[tilespmem:$0xE500] =	vst v63  }
0x38d: {  	v3 =	vld [tilespmem:$0x20];
	_ =	sdelay $0x4  }
0x38e: {  	v24 =	vshrl.u32 v3, $0x3  }
0x38f: {  	v4 =	vmul.u32 $0x18, v24  }
0x390: {  	v3 =	vand.u32 $0x7, v3  }
0x391: {  	v3 =	vor.u32 v3, v4  }
0x392: {  	v4 =	vperm.xlane v3, v0;
	_ =	sdelay $0x1  }
0x393: {  	v4 =	vadd.s32 v1, v4;
	_ =	sdelay $0x1  }
0x394: {  	v3 =	vperm.xlane v3, v2;
	_ =	sdelay $0x1  }
0x395: {  	s21 =	simm.s32 $0x3080;
	v3 =	vadd.s32 v1, v3  }
0x396: {  	[tilespmem:s21], [sflag:$0x1] =	stream.indirect_vreg.gather [hbm4b:s5+s2], $0x80, v4, vm0, $0xb8;
	[tilespmem:$0xE500] =	vst v63  }
0x397: {  	s24 =	simm.s32 $0x3880  }
0x398: {  	[tilespmem:s24], [sflag:$0x1] =	stream.indirect_vreg.gather [hbm4b:s6+s2], $0x80, v4, vm1, $0xb8;
	[tilespmem:$0xE500] =	vst v63  }
0x399: {  	s29 =	simm.s32 $0x3C80  }
0x39a: {  	[tilespmem:s29], [sflag:$0x1] =	stream.indirect_vreg.gather [hbm4b:s5+s2], $0x80, v3, vm0, $0xb8;
	[tilespmem:$0xE500] =	vst v63  }
0x39b: {  	s31 =	simm.s32 $0x4480  }
0x39c: {  	[tilespmem:s31], [sflag:$0x1] =	stream.indirect_vreg.gather [hbm4b:s6+s2], $0x80, v3, vm1, $0xb8;
	[tilespmem:$0xE500] =	vst v63  }
0x39d: {  	v3 =	vld [tilespmem:$0x30];
	_ =	sdelay $0x4  }
0x39e: {  	v25 =	vshrl.u32 v3, $0x3  }
0x39f: {  	v4 =	vmul.u32 $0x18, v25  }
0x3a0: {  	v3 =	vand.u32 $0x7, v3  }
0x3a1: {  	v3 =	vor.u32 v3, v4  }
0x3a2: {  	v4 =	vperm.xlane v3, v0;
	_ =	sdelay $0x1  }
0x3a3: {  	v4 =	vadd.s32 v1, v4;
	_ =	sdelay $0x1  }
0x3a4: {  	v3 =	vperm.xlane v3, v2;
	_ =	sdelay $0x1  }
0x3a5: {  	s31 =	simm.s32 $0x4880;
	v3 =	vadd.s32 v1, v3  }
0x3a6: {  	[tilespmem:s31], [sflag:$0x1] =	stream.indirect_vreg.gather [hbm4b:s5+s2], $0x80, v4, vm0, $0xb8;
	[tilespmem:$0xE500] =	vst v63  }
0x3a7: {  	s30 =	simm.s32 $0x5080  }
0x3a8: {  	[tilespmem:s30], [sflag:$0x1] =	stream.indirect_vreg.gather [hbm4b:s6+s2], $0x80, v4, vm1, $0xb8;
	[tilespmem:$0xE500] =	vst v63  }
0x3a9: {  	s26 =	simm.s32 $0x5480  }
0x3aa: {  	[tilespmem:s26], [sflag:$0x1] =	stream.indirect_vreg.gather [hbm4b:s5+s2], $0x80, v3, vm0, $0xb8;
	[tilespmem:$0xE500] =	vst v63  }
0x3ab: {  	s30 =	simm.s32 $0x5C80  }
0x3ac: {  	[tilespmem:s30], [sflag:$0x1] =	stream.indirect_vreg.gather [hbm4b:s6+s2], $0x80, v3, vm1, $0xb8;
	[tilespmem:$0xE500] =	vst v63  }
0x3ad: {  	v3 =	vld [tilespmem:$0x40];
	_ =	sdelay $0x4  }
0x3ae: {  	v26 =	vshrl.u32 v3, $0x3  }
0x3af: {  	v4 =	vmul.u32 $0x18, v26  }
0x3b0: {  	v3 =	vand.u32 $0x7, v3  }
0x3b1: {  	v3 =	vor.u32 v3, v4  }
0x3b2: {  	v4 =	vperm.xlane v3, v0;
	_ =	sdelay $0x1  }
0x3b3: {  	v4 =	vadd.s32 v1, v4;
	_ =	sdelay $0x1  }
0x3b4: {  	v3 =	vperm.xlane v3, v2;
	_ =	sdelay $0x1  }
0x3b5: {  	s19 =	simm.s32 $0x6080;
	v3 =	vadd.s32 v1, v3  }
0x3b6: {  	[tilespmem:s19], [sflag:$0x1] =	stream.indirect_vreg.gather [hbm4b:s5+s2], $0x80, v4, vm0, $0xb8;
	[tilespmem:$0xE500] =	vst v63  }
0x3b7: {  	s1 =	simm.s32 $0x6880  }
0x3b8: {  	[tilespmem:s1], [sflag:$0x1] =	stream.indirect_vreg.gather [hbm4b:s6+s2], $0x80, v4, vm1, $0xb8;
	[tilespmem:$0xE500] =	vst v63  }
0x3b9: {  	s14 =	simm.s32 $0x6C80  }
0x3ba: {  	[tilespmem:s14], [sflag:$0x1] =	stream.indirect_vreg.gather [hbm4b:s5+s2], $0x80, v3, vm0, $0xb8;
	[tilespmem:$0xE500] =	vst v63  }
0x3bb: {  	s17 =	simm.s32 $0x7480  }
0x3bc: {  	[tilespmem:s17], [sflag:$0x1] =	stream.indirect_vreg.gather [hbm4b:s6+s2], $0x80, v3, vm1, $0xb8;
	[tilespmem:$0xE500] =	vst v63  }
0x3bd: {  	v3 =	vld [tilespmem:$0x50];
	_ =	sdelay $0x4  }
0x3be: {  	v27 =	vshrl.u32 v3, $0x3  }
0x3bf: {  	v4 =	vmul.u32 $0x18, v27  }
0x3c0: {  	v3 =	vand.u32 $0x7, v3  }
0x3c1: {  	v3 =	vor.u32 v3, v4  }
0x3c2: {  	v4 =	vperm.xlane v3, v0;
	_ =	sdelay $0x1  }
0x3c3: {  	v4 =	vadd.s32 v1, v4;
	_ =	sdelay $0x1  }
0x3c4: {  	v3 =	vperm.xlane v3, v2;
	_ =	sdelay $0x1  }
0x3c5: {  	s18 =	simm.s32 $0x7880;
	v3 =	vadd.s32 v1, v3  }
0x3c6: {  	[tilespmem:s18], [sflag:$0x1] =	stream.indirect_vreg.gather [hbm4b:s5+s2], $0x80, v4, vm0, $0xb8;
	[tilespmem:$0xE500] =	vst v63  }
0x3c7: {  	s9 =	simm.s32 $0x8080  }
0x3c8: {  	[tilespmem:s9], [sflag:$0x1] =	stream.indirect_vreg.gather [hbm4b:s6+s2], $0x80, v4, vm1, $0xb8;
	[tilespmem:$0xE500] =	vst v63  }
0x3c9: {  	s10 =	simm.s32 $0x8480  }
0x3ca: {  	[tilespmem:s10], [sflag:$0x1] =	stream.indirect_vreg.gather [hbm4b:s5+s2], $0x80, v3, vm0, $0xb8;
	[tilespmem:$0xE500] =	vst v63  }
0x3cb: {  	s11 =	simm.s32 $0x8C80  }
0x3cc: {  	[tilespmem:s11], [sflag:$0x1] =	stream.indirect_vreg.gather [hbm4b:s6+s2], $0x80, v3, vm1, $0xb8;
	[tilespmem:$0xE500] =	vst v63  }
0x3cd: {  	v3 =	vld [tilespmem:$0x60];
	_ =	sdelay $0x4  }
0x3ce: {  	v28 =	vshrl.u32 v3, $0x3  }
0x3cf: {  	v4 =	vmul.u32 $0x18, v28  }
0x3d0: {  	v3 =	vand.u32 $0x7, v3  }
0x3d1: {  	v3 =	vor.u32 v3, v4  }
0x3d2: {  	v4 =	vperm.xlane v3, v0;
	_ =	sdelay $0x1  }
0x3d3: {  	v4 =	vadd.s32 v1, v4;
	_ =	sdelay $0x1  }
0x3d4: {  	v3 =	vperm.xlane v3, v2;
	_ =	sdelay $0x1  }
0x3d5: {  	s28 =	simm.s32 $0x9080;
	v3 =	vadd.s32 v1, v3  }
0x3d6: {  	[tilespmem:s28], [sflag:$0x1] =	stream.indirect_vreg.gather [hbm4b:s5+s2], $0x80, v4, vm0, $0xb8;
	[tilespmem:$0xE500] =	vst v63  }
0x3d7: {  	s0 =	simm.s32 $0x9880  }
0x3d8: {  	[tilespmem:s0], [sflag:$0x1] =	stream.indirect_vreg.gather [hbm4b:s6+s2], $0x80, v4, vm1, $0xb8;
	[tilespmem:$0xE500] =	vst v63  }
0x3d9: {  	s3 =	simm.s32 $0x9C80  }
0x3da: {  	[tilespmem:s3], [sflag:$0x1] =	stream.indirect_vreg.gather [hbm4b:s5+s2], $0x80, v3, vm0, $0xb8;
	[tilespmem:$0xE500] =	vst v63  }
0x3db: {  	s23 =	simm.s32 $0xA480  }
0x3dc: {  	[tilespmem:s23], [sflag:$0x1] =	stream.indirect_vreg.gather [hbm4b:s6+s2], $0x80, v3, vm1, $0xb8;
	[tilespmem:$0xE500] =	vst v63  }
0x3dd: {  	v3 =	vld [tilespmem:$0x70];
	_ =	sdelay $0x4  }
0x3de: {  	v29 =	vshrl.u32 v3, $0x3  }
0x3df: {  	v4 =	vmul.u32 $0x18, v29  }
0x3e0: {  	v3 =	vand.u32 $0x7, v3  }
0x3e1: {  	v3 =	vor.u32 v3, v4  }
0x3e2: {  	v4 =	vperm.xlane v3, v0;
	_ =	sdelay $0x1  }
0x3e3: {  	v4 =	vadd.s32 v1, v4;
	_ =	sdelay $0x1  }
0x3e4: {  	v3 =	vperm.xlane v3, v2;
	_ =	sdelay $0x1  }
0x3e5: {  	s13 =	simm.s32 $0xA880;
	v3 =	vadd.s32 v1, v3  }
0x3e6: {  	[tilespmem:s13], [sflag:$0x1] =	stream.indirect_vreg.gather [hbm4b:s5+s2], $0x80, v4, vm0, $0xb8;
	[tilespmem:$0xE500] =	vst v63  }
0x3e7: {  	s4 =	simm.s32 $0xB080  }
0x3e8: {  	[tilespmem:s4], [sflag:$0x1] =	stream.indirect_vreg.gather [hbm4b:s6+s2], $0x80, v4, vm1, $0xb8;
	[tilespmem:$0xE500] =	vst v63  }
0x3e9: {  	s7 =	simm.s32 $0xB480  }
0x3ea: {  	[tilespmem:s7], [sflag:$0x1] =	stream.indirect_vreg.gather [hbm4b:s5+s2], $0x80, v3, vm0, $0xb8;
	[tilespmem:$0xE500] =	vst v63  }
0x3eb: {  	s12 =	simm.s32 $0xBC80  }
0x3ec: {  	[tilespmem:s12], [sflag:$0x1] =	stream.indirect_vreg.gather [hbm4b:s6+s2], $0x80, v3, vm1, $0xb8;
	[tilespmem:$0xE500] =	vst v63  }
0x3ed: {  	_ =	swait.ge [sflag:s16], $0xC000  }
0x3ee: {  	[sflag:s16] =	ssyncset.done $0x0  }
0x3ef: {  	s17 =	rddreg [dreg:$0xf];
	[sflag:s16] =	ssyncadd.s32 $0xFFFF4000  }
0x3f0: {  	[hbm4b:s17+s2] =	stream.linear.scatter [tilespmem:s25], [sflag:$0x2], $0xC000, $0x38;
	[tilespmem:$0xE500] =	vst v63  }
0x3f1: {  	_ =	swait.ge [sflag:s8], $0xC000  }
0x3f2: {  	[sflag:s8] =	ssyncset.done $0x0  }
0x3f3: {  	s17 =	rddreg [dreg:$0x10];
	[sflag:s8] =	ssyncadd.s32 $0xFFFF4000  }
0x3f4: {  	[tilespmem:s2], [sflag:$0x2] =	stream.linear.gather [hbm4b:s17+s2], $0x80, $0x38;
	[tilespmem:$0xE500] =	vst v63  }
0x3f5: {  	_ =	swait.ge [sflag:s8], $0x80  }
0x3f6: {  	[sflag:s8] =	ssyncset.done $0x0  }
0x3f7: {  	[sflag:s8] =	ssyncadd.s32 $0xFFFFFF80  }
0x3f8: {  	v3 =	vld [tilespmem:$0x0];
	_ =	sdelay $0x4  }
0x3f9: {  	v30 =	vshrl.u32 v3, $0x3  }
0x3fa: {  	v4 =	vmul.u32 $0x18, v30  }
0x3fb: {  	v3 =	vand.u32 $0x7, v3  }
0x3fc: {  	v3 =	vor.u32 v3, v4  }
0x3fd: {  	v4 =	vperm.xlane v3, v0;
	_ =	sdelay $0x1  }
0x3fe: {  	v4 =	vadd.s32 v1, v4;
	_ =	sdelay $0x1  }
0x3ff: {  	v3 =	vperm.xlane v3, v2;
	_ =	sdelay $0x1  }
0x400: {  	v3 =	vadd.s32 v1, v3  }
0x401: {  	[tilespmem:s25], [sflag:$0x1] =	stream.indirect_vreg.gather [hbm4b:s5+s2], $0x80, v4, vm0, $0xb8;
	[tilespmem:$0xE500] =	vst v63  }
0x402: {  	s17 =	simm.s32 $0x880  }
0x403: {  	[tilespmem:s17], [sflag:$0x1] =	stream.indirect_vreg.gather [hbm4b:s6+s2], $0x80, v4, vm1, $0xb8;
	[tilespmem:$0xE500] =	vst v63  }
0x404: {  	s20 =	simm.s32 $0xC80  }
0x405: {  	[tilespmem:s20], [sflag:$0x1] =	stream.indirect_vreg.gather [hbm4b:s5+s2], $0x80, v3, vm0, $0xb8;
	[tilespmem:$0xE500] =	vst v63  }
0x406: {  	s17 =	simm.s32 $0x1480  }
0x407: {  	[tilespmem:s17], [sflag:$0x1] =	stream.indirect_vreg.gather [hbm4b:s6+s2], $0x80, v3, vm1, $0xb8;
	[tilespmem:$0xE500] =	vst v63  }
0x408: {  	v3 =	vld [tilespmem:$0x10];
	_ =	sdelay $0x4  }
0x409: {  	v31 =	vshrl.u32 v3, $0x3  }
0x40a: {  	v4 =	vmul.u32 $0x18, v31  }
0x40b: {  	v3 =	vand.u32 $0x7, v3  }
0x40c: {  	v3 =	vor.u32 v3, v4  }
0x40d: {  	v4 =	vperm.xlane v3, v0;
	_ =	sdelay $0x1  }
0x40e: {  	v4 =	vadd.s32 v1, v4;
	_ =	sdelay $0x1  }
0x40f: {  	v3 =	vperm.xlane v3, v2;
	_ =	sdelay $0x1  }
0x410: {  	s17 =	simm.s32 $0x1880;
	v3 =	vadd.s32 v1, v3  }
0x411: {  	[tilespmem:s17], [sflag:$0x1] =	stream.indirect_vreg.gather [hbm4b:s5+s2], $0x80, v4, vm0, $0xb8;
	[tilespmem:$0xE500] =	vst v63  }
0x412: {  	s17 =	simm.s32 $0x2080  }
0x413: {  	[tilespmem:s17], [sflag:$0x1] =	stream.indirect_vreg.gather [hbm4b:s6+s2], $0x80, v4, vm1, $0xb8;
	[tilespmem:$0xE500] =	vst v63  }
0x414: {  	s17 =	simm.s32 $0x2480  }
0x415: {  	[tilespmem:s17], [sflag:$0x1] =	stream.indirect_vreg.gather [hbm4b:s5+s2], $0x80, v3, vm0, $0xb8;
	[tilespmem:$0xE500] =	vst v63  }
0x416: {  	s15 =	simm.s32 $0x2C80  }
0x417: {  	[tilespmem:s15], [sflag:$0x1] =	stream.indirect_vreg.gather [hbm4b:s6+s2], $0x80, v3, vm1, $0xb8;
	[tilespmem:$0xE500] =	vst v63  }
0x418: {  	v3 =	vld [tilespmem:$0x20];
	_ =	sdelay $0x4  }
0x419: {  	v32 =	vshrl.u32 v3, $0x3  }
0x41a: {  	v4 =	vmul.u32 $0x18, v32  }
0x41b: {  	v3 =	vand.u32 $0x7, v3  }
0x41c: {  	v3 =	vor.u32 v3, v4  }
0x41d: {  	v4 =	vperm.xlane v3, v0;
	_ =	sdelay $0x1  }
0x41e: {  	v4 =	vadd.s32 v1, v4;
	_ =	sdelay $0x1  }
0x41f: {  	v3 =	vperm.xlane v3, v2;
	_ =	sdelay $0x1  }
0x420: {  	s21 =	simm.s32 $0x3080;
	v3 =	vadd.s32 v1, v3  }
0x421: {  	[tilespmem:s21], [sflag:$0x1] =	stream.indirect_vreg.gather [hbm4b:s5+s2], $0x80, v4, vm0, $0xb8;
	[tilespmem:$0xE500] =	vst v63  }
0x422: {  	s24 =	simm.s32 $0x3880  }
0x423: {  	[tilespmem:s24], [sflag:$0x1] =	stream.indirect_vreg.gather [hbm4b:s6+s2], $0x80, v4, vm1, $0xb8;
	[tilespmem:$0xE500] =	vst v63  }
0x424: {  	s22 =	simm.s32 $0x3C80  }
0x425: {  	[tilespmem:s22], [sflag:$0x1] =	stream.indirect_vreg.gather [hbm4b:s5+s2], $0x80, v3, vm0, $0xb8;
	[tilespmem:$0xE500] =	vst v63  }
0x426: {  	s29 =	simm.s32 $0x4480  }
0x427: {  	[tilespmem:s29], [sflag:$0x1] =	stream.indirect_vreg.gather [hbm4b:s6+s2], $0x80, v3, vm1, $0xb8;
	[tilespmem:$0xE500] =	vst v63  }
0x428: {  	v3 =	vld [tilespmem:$0x30];
	_ =	sdelay $0x4  }
0x429: {  	v33 =	vshrl.u32 v3, $0x3  }
0x42a: {  	v4 =	vmul.u32 $0x18, v33  }
0x42b: {  	v3 =	vand.u32 $0x7, v3  }
0x42c: {  	v3 =	vor.u32 v3, v4  }
0x42d: {  	v4 =	vperm.xlane v3, v0;
	_ =	sdelay $0x1  }
0x42e: {  	v4 =	vadd.s32 v1, v4;
	_ =	sdelay $0x1  }
0x42f: {  	v3 =	vperm.xlane v3, v2;
	_ =	sdelay $0x1  }
0x430: {  	s17 =	simm.s32 $0x4880;
	v3 =	vadd.s32 v1, v3  }
0x431: {  	[tilespmem:s17], [sflag:$0x1] =	stream.indirect_vreg.gather [hbm4b:s5+s2], $0x80, v4, vm0, $0xb8;
	[tilespmem:$0xE500] =	vst v63  }
0x432: {  	s31 =	simm.s32 $0x5080  }
0x433: {  	[tilespmem:s31], [sflag:$0x1] =	stream.indirect_vreg.gather [hbm4b:s6+s2], $0x80, v4, vm1, $0xb8;
	[tilespmem:$0xE500] =	vst v63  }
0x434: {  	s26 =	simm.s32 $0x5480  }
0x435: {  	[tilespmem:s26], [sflag:$0x1] =	stream.indirect_vreg.gather [hbm4b:s5+s2], $0x80, v3, vm0, $0xb8;
	[tilespmem:$0xE500] =	vst v63  }
0x436: {  	s30 =	simm.s32 $0x5C80  }
0x437: {  	[tilespmem:s30], [sflag:$0x1] =	stream.indirect_vreg.gather [hbm4b:s6+s2], $0x80, v3, vm1, $0xb8;
	[tilespmem:$0xE500] =	vst v63  }
0x438: {  	v3 =	vld [tilespmem:$0x40];
	_ =	sdelay $0x4  }
0x439: {  	v34 =	vshrl.u32 v3, $0x3  }
0x43a: {  	v4 =	vmul.u32 $0x18, v34  }
0x43b: {  	v3 =	vand.u32 $0x7, v3  }
0x43c: {  	v3 =	vor.u32 v3, v4  }
0x43d: {  	v4 =	vperm.xlane v3, v0;
	_ =	sdelay $0x1  }
0x43e: {  	v4 =	vadd.s32 v1, v4;
	_ =	sdelay $0x1  }
0x43f: {  	v3 =	vperm.xlane v3, v2;
	_ =	sdelay $0x1  }
0x440: {  	s19 =	simm.s32 $0x6080;
	v3 =	vadd.s32 v1, v3  }
0x441: {  	[tilespmem:s19], [sflag:$0x1] =	stream.indirect_vreg.gather [hbm4b:s5+s2], $0x80, v4, vm0, $0xb8;
	[tilespmem:$0xE500] =	vst v63  }
0x442: {  	s1 =	simm.s32 $0x6880  }
0x443: {  	[tilespmem:s1], [sflag:$0x1] =	stream.indirect_vreg.gather [hbm4b:s6+s2], $0x80, v4, vm1, $0xb8;
	[tilespmem:$0xE500] =	vst v63  }
0x444: {  	s14 =	simm.s32 $0x6C80  }
0x445: {  	[tilespmem:s14], [sflag:$0x1] =	stream.indirect_vreg.gather [hbm4b:s5+s2], $0x80, v3, vm0, $0xb8;
	[tilespmem:$0xE500] =	vst v63  }
0x446: {  	s17 =	simm.s32 $0x7480  }
0x447: {  	[tilespmem:s17], [sflag:$0x1] =	stream.indirect_vreg.gather [hbm4b:s6+s2], $0x80, v3, vm1, $0xb8;
	[tilespmem:$0xE500] =	vst v63  }
0x448: {  	v3 =	vld [tilespmem:$0x50];
	_ =	sdelay $0x4  }
0x449: {  	v35 =	vshrl.u32 v3, $0x3  }
0x44a: {  	v4 =	vmul.u32 $0x18, v35  }
0x44b: {  	v3 =	vand.u32 $0x7, v3  }
0x44c: {  	v3 =	vor.u32 v3, v4  }
0x44d: {  	v4 =	vperm.xlane v3, v0;
	_ =	sdelay $0x1  }
0x44e: {  	v4 =	vadd.s32 v1, v4;
	_ =	sdelay $0x1  }
0x44f: {  	v3 =	vperm.xlane v3, v2;
	_ =	sdelay $0x1  }
0x450: {  	s18 =	simm.s32 $0x7880;
	v3 =	vadd.s32 v1, v3  }
0x451: {  	[tilespmem:s18], [sflag:$0x1] =	stream.indirect_vreg.gather [hbm4b:s5+s2], $0x80, v4, vm0, $0xb8;
	[tilespmem:$0xE500] =	vst v63  }
0x452: {  	s9 =	simm.s32 $0x8080  }
0x453: {  	[tilespmem:s9], [sflag:$0x1] =	stream.indirect_vreg.gather [hbm4b:s6+s2], $0x80, v4, vm1, $0xb8;
	[tilespmem:$0xE500] =	vst v63  }
0x454: {  	s10 =	simm.s32 $0x8480  }
0x455: {  	[tilespmem:s10], [sflag:$0x1] =	stream.indirect_vreg.gather [hbm4b:s5+s2], $0x80, v3, vm0, $0xb8;
	[tilespmem:$0xE500] =	vst v63  }
0x456: {  	s11 =	simm.s32 $0x8C80  }
0x457: {  	[tilespmem:s11], [sflag:$0x1] =	stream.indirect_vreg.gather [hbm4b:s6+s2], $0x80, v3, vm1, $0xb8;
	[tilespmem:$0xE500] =	vst v63  }
0x458: {  	v3 =	vld [tilespmem:$0x60];
	_ =	sdelay $0x4  }
0x459: {  	v36 =	vshrl.u32 v3, $0x3  }
0x45a: {  	v4 =	vmul.u32 $0x18, v36  }
0x45b: {  	v3 =	vand.u32 $0x7, v3  }
0x45c: {  	v3 =	vor.u32 v3, v4  }
0x45d: {  	v4 =	vperm.xlane v3, v0;
	_ =	sdelay $0x1  }
0x45e: {  	v4 =	vadd.s32 v1, v4;
	_ =	sdelay $0x1  }
0x45f: {  	v3 =	vperm.xlane v3, v2;
	_ =	sdelay $0x1  }
0x460: {  	s28 =	simm.s32 $0x9080;
	v3 =	vadd.s32 v1, v3  }
0x461: {  	[tilespmem:s28], [sflag:$0x1] =	stream.indirect_vreg.gather [hbm4b:s5+s2], $0x80, v4, vm0, $0xb8;
	[tilespmem:$0xE500] =	vst v63  }
0x462: {  	s0 =	simm.s32 $0x9880  }
0x463: {  	[tilespmem:s0], [sflag:$0x1] =	stream.indirect_vreg.gather [hbm4b:s6+s2], $0x80, v4, vm1, $0xb8;
	[tilespmem:$0xE500] =	vst v63  }
0x464: {  	s3 =	simm.s32 $0x9C80  }
0x465: {  	[tilespmem:s3], [sflag:$0x1] =	stream.indirect_vreg.gather [hbm4b:s5+s2], $0x80, v3, vm0, $0xb8;
	[tilespmem:$0xE500] =	vst v63  }
0x466: {  	s23 =	simm.s32 $0xA480  }
0x467: {  	[tilespmem:s23], [sflag:$0x1] =	stream.indirect_vreg.gather [hbm4b:s6+s2], $0x80, v3, vm1, $0xb8;
	[tilespmem:$0xE500] =	vst v63  }
0x468: {  	v3 =	vld [tilespmem:$0x70];
	_ =	sdelay $0x4  }
0x469: {  	v37 =	vshrl.u32 v3, $0x3  }
0x46a: {  	v4 =	vmul.u32 $0x18, v37  }
0x46b: {  	v3 =	vand.u32 $0x7, v3  }
0x46c: {  	v3 =	vor.u32 v3, v4  }
0x46d: {  	v4 =	vperm.xlane v3, v0;
	_ =	sdelay $0x1  }
0x46e: {  	v4 =	vadd.s32 v1, v4;
	_ =	sdelay $0x1  }
0x46f: {  	v3 =	vperm.xlane v3, v2;
	_ =	sdelay $0x1  }
0x470: {  	s13 =	simm.s32 $0xA880;
	v3 =	vadd.s32 v1, v3  }
0x471: {  	[tilespmem:s13], [sflag:$0x1] =	stream.indirect_vreg.gather [hbm4b:s5+s2], $0x80, v4, vm0, $0xb8;
	[tilespmem:$0xE500] =	vst v63  }
0x472: {  	s4 =	simm.s32 $0xB080  }
0x473: {  	[tilespmem:s4], [sflag:$0x1] =	stream.indirect_vreg.gather [hbm4b:s6+s2], $0x80, v4, vm1, $0xb8;
	[tilespmem:$0xE500] =	vst v63  }
0x474: {  	s7 =	simm.s32 $0xB480  }
0x475: {  	[tilespmem:s7], [sflag:$0x1] =	stream.indirect_vreg.gather [hbm4b:s5+s2], $0x80, v3, vm0, $0xb8;
	[tilespmem:$0xE500] =	vst v63  }
0x476: {  	s12 =	simm.s32 $0xBC80  }
0x477: {  	[tilespmem:s12], [sflag:$0x1] =	stream.indirect_vreg.gather [hbm4b:s6+s2], $0x80, v3, vm1, $0xb8;
	[tilespmem:$0xE500] =	vst v63  }
0x478: {  	_ =	swait.ge [sflag:s16], $0xC000  }
0x479: {  	[sflag:s16] =	ssyncset.done $0x0  }
0x47a: {  	s17 =	rddreg [dreg:$0x11];
	[sflag:s16] =	ssyncadd.s32 $0xFFFF4000  }
0x47b: {  	[hbm4b:s17+s2] =	stream.linear.scatter [tilespmem:s25], [sflag:$0x2], $0xC000, $0x38;
	[tilespmem:$0xE500] =	vst v63  }
0x47c: {  	_ =	swait.ge [sflag:s8], $0xC000  }
0x47d: {  	[sflag:s8] =	ssyncset.done $0x0  }
0x47e: {  	s17 =	rddreg [dreg:$0x12];
	[sflag:s8] =	ssyncadd.s32 $0xFFFF4000  }
0x47f: {  	[tilespmem:s2], [sflag:$0x2] =	stream.linear.gather [hbm4b:s17+s2], $0x80, $0x38;
	[tilespmem:$0xE500] =	vst v63  }
0x480: {  	_ =	swait.ge [sflag:s8], $0x80  }
0x481: {  	[sflag:s8] =	ssyncset.done $0x0  }
0x482: {  	[sflag:s8] =	ssyncadd.s32 $0xFFFFFF80  }
0x483: {  	v3 =	vld [tilespmem:$0x0];
	_ =	sdelay $0x4  }
0x484: {  	v38 =	vshrl.u32 v3, $0x3  }
0x485: {  	v4 =	vmul.u32 $0x18, v38  }
0x486: {  	v3 =	vand.u32 $0x7, v3  }
0x487: {  	v3 =	vor.u32 v3, v4  }
0x488: {  	v4 =	vperm.xlane v3, v0;
	_ =	sdelay $0x1  }
0x489: {  	v4 =	vadd.s32 v1, v4;
	_ =	sdelay $0x1  }
0x48a: {  	v3 =	vperm.xlane v3, v2;
	_ =	sdelay $0x1  }
0x48b: {  	v3 =	vadd.s32 v1, v3  }
0x48c: {  	[tilespmem:s25], [sflag:$0x1] =	stream.indirect_vreg.gather [hbm4b:s5+s2], $0x80, v4, vm0, $0xb8;
	[tilespmem:$0xE500] =	vst v63  }
0x48d: {  	s17 =	simm.s32 $0x880  }
0x48e: {  	[tilespmem:s17], [sflag:$0x1] =	stream.indirect_vreg.gather [hbm4b:s6+s2], $0x80, v4, vm1, $0xb8;
	[tilespmem:$0xE500] =	vst v63  }
0x48f: {  	s20 =	simm.s32 $0xC80  }
0x490: {  	[tilespmem:s20], [sflag:$0x1] =	stream.indirect_vreg.gather [hbm4b:s5+s2], $0x80, v3, vm0, $0xb8;
	[tilespmem:$0xE500] =	vst v63  }
0x491: {  	s17 =	simm.s32 $0x1480  }
0x492: {  	[tilespmem:s17], [sflag:$0x1] =	stream.indirect_vreg.gather [hbm4b:s6+s2], $0x80, v3, vm1, $0xb8;
	[tilespmem:$0xE500] =	vst v63  }
0x493: {  	v3 =	vld [tilespmem:$0x10];
	_ =	sdelay $0x4  }
0x494: {  	v39 =	vshrl.u32 v3, $0x3  }
0x495: {  	v4 =	vmul.u32 $0x18, v39  }
0x496: {  	v3 =	vand.u32 $0x7, v3  }
0x497: {  	v3 =	vor.u32 v3, v4  }
0x498: {  	v4 =	vperm.xlane v3, v0;
	_ =	sdelay $0x1  }
0x499: {  	v4 =	vadd.s32 v1, v4;
	_ =	sdelay $0x1  }
0x49a: {  	v3 =	vperm.xlane v3, v2;
	_ =	sdelay $0x1  }
0x49b: {  	s17 =	simm.s32 $0x1880;
	v3 =	vadd.s32 v1, v3  }
0x49c: {  	[tilespmem:s17], [sflag:$0x1] =	stream.indirect_vreg.gather [hbm4b:s5+s2], $0x80, v4, vm0, $0xb8;
	[tilespmem:$0xE500] =	vst v63  }
0x49d: {  	s17 =	simm.s32 $0x2080  }
0x49e: {  	[tilespmem:s17], [sflag:$0x1] =	stream.indirect_vreg.gather [hbm4b:s6+s2], $0x80, v4, vm1, $0xb8;
	[tilespmem:$0xE500] =	vst v63  }
0x49f: {  	s17 =	simm.s32 $0x2480  }
0x4a0: {  	[tilespmem:s17], [sflag:$0x1] =	stream.indirect_vreg.gather [hbm4b:s5+s2], $0x80, v3, vm0, $0xb8;
	[tilespmem:$0xE500] =	vst v63  }
0x4a1: {  	s15 =	simm.s32 $0x2C80  }
0x4a2: {  	[tilespmem:s15], [sflag:$0x1] =	stream.indirect_vreg.gather [hbm4b:s6+s2], $0x80, v3, vm1, $0xb8;
	[tilespmem:$0xE500] =	vst v63  }
0x4a3: {  	v3 =	vld [tilespmem:$0x20];
	_ =	sdelay $0x4  }
0x4a4: {  	v40 =	vshrl.u32 v3, $0x3  }
0x4a5: {  	v4 =	vmul.u32 $0x18, v40  }
0x4a6: {  	v3 =	vand.u32 $0x7, v3  }
0x4a7: {  	v3 =	vor.u32 v3, v4  }
0x4a8: {  	v4 =	vperm.xlane v3, v0;
	_ =	sdelay $0x1  }
0x4a9: {  	v4 =	vadd.s32 v1, v4;
	_ =	sdelay $0x1  }
0x4aa: {  	v3 =	vperm.xlane v3, v2;
	_ =	sdelay $0x1  }
0x4ab: {  	s21 =	simm.s32 $0x3080;
	v3 =	vadd.s32 v1, v3  }
0x4ac: {  	[tilespmem:s21], [sflag:$0x1] =	stream.indirect_vreg.gather [hbm4b:s5+s2], $0x80, v4, vm0, $0xb8;
	[tilespmem:$0xE500] =	vst v63  }
0x4ad: {  	s24 =	simm.s32 $0x3880  }
0x4ae: {  	[tilespmem:s24], [sflag:$0x1] =	stream.indirect_vreg.gather [hbm4b:s6+s2], $0x80, v4, vm1, $0xb8;
	[tilespmem:$0xE500] =	vst v63  }
0x4af: {  	s22 =	simm.s32 $0x3C80  }
0x4b0: {  	[tilespmem:s22], [sflag:$0x1] =	stream.indirect_vreg.gather [hbm4b:s5+s2], $0x80, v3, vm0, $0xb8;
	[tilespmem:$0xE500] =	vst v63  }
0x4b1: {  	s29 =	simm.s32 $0x4480  }
0x4b2: {  	[tilespmem:s29], [sflag:$0x1] =	stream.indirect_vreg.gather [hbm4b:s6+s2], $0x80, v3, vm1, $0xb8;
	[tilespmem:$0xE500] =	vst v63  }
0x4b3: {  	v3 =	vld [tilespmem:$0x30];
	_ =	sdelay $0x4  }
0x4b4: {  	v41 =	vshrl.u32 v3, $0x3  }
0x4b5: {  	v4 =	vmul.u32 $0x18, v41  }
0x4b6: {  	v3 =	vand.u32 $0x7, v3  }
0x4b7: {  	v3 =	vor.u32 v3, v4  }
0x4b8: {  	v4 =	vperm.xlane v3, v0;
	_ =	sdelay $0x1  }
0x4b9: {  	v4 =	vadd.s32 v1, v4;
	_ =	sdelay $0x1  }
0x4ba: {  	v3 =	vperm.xlane v3, v2;
	_ =	sdelay $0x1  }
0x4bb: {  	s29 =	simm.s32 $0x4880;
	v3 =	vadd.s32 v1, v3  }
0x4bc: {  	[tilespmem:s29], [sflag:$0x1] =	stream.indirect_vreg.gather [hbm4b:s5+s2], $0x80, v4, vm0, $0xb8;
	[tilespmem:$0xE500] =	vst v63  }
0x4bd: {  	s31 =	simm.s32 $0x5080  }
0x4be: {  	[tilespmem:s31], [sflag:$0x1] =	stream.indirect_vreg.gather [hbm4b:s6+s2], $0x80, v4, vm1, $0xb8;
	[tilespmem:$0xE500] =	vst v63  }
0x4bf: {  	s26 =	simm.s32 $0x5480  }
0x4c0: {  	[tilespmem:s26], [sflag:$0x1] =	stream.indirect_vreg.gather [hbm4b:s5+s2], $0x80, v3, vm0, $0xb8;
	[tilespmem:$0xE500] =	vst v63  }
0x4c1: {  	s30 =	simm.s32 $0x5C80  }
0x4c2: {  	[tilespmem:s30], [sflag:$0x1] =	stream.indirect_vreg.gather [hbm4b:s6+s2], $0x80, v3, vm1, $0xb8;
	[tilespmem:$0xE500] =	vst v63  }
0x4c3: {  	v3 =	vld [tilespmem:$0x40];
	_ =	sdelay $0x4  }
0x4c4: {  	v42 =	vshrl.u32 v3, $0x3  }
0x4c5: {  	v4 =	vmul.u32 $0x18, v42  }
0x4c6: {  	v3 =	vand.u32 $0x7, v3  }
0x4c7: {  	v3 =	vor.u32 v3, v4  }
0x4c8: {  	v4 =	vperm.xlane v3, v0;
	_ =	sdelay $0x1  }
0x4c9: {  	v4 =	vadd.s32 v1, v4;
	_ =	sdelay $0x1  }
0x4ca: {  	v3 =	vperm.xlane v3, v2;
	_ =	sdelay $0x1  }
0x4cb: {  	s19 =	simm.s32 $0x6080;
	v3 =	vadd.s32 v1, v3  }
0x4cc: {  	[tilespmem:s19], [sflag:$0x1] =	stream.indirect_vreg.gather [hbm4b:s5+s2], $0x80, v4, vm0, $0xb8;
	[tilespmem:$0xE500] =	vst v63  }
0x4cd: {  	s1 =	simm.s32 $0x6880  }
0x4ce: {  	[tilespmem:s1], [sflag:$0x1] =	stream.indirect_vreg.gather [hbm4b:s6+s2], $0x80, v4, vm1, $0xb8;
	[tilespmem:$0xE500] =	vst v63  }
0x4cf: {  	s14 =	simm.s32 $0x6C80  }
0x4d0: {  	[tilespmem:s14], [sflag:$0x1] =	stream.indirect_vreg.gather [hbm4b:s5+s2], $0x80, v3, vm0, $0xb8;
	[tilespmem:$0xE500] =	vst v63  }
0x4d1: {  	s30 =	simm.s32 $0x7480  }
0x4d2: {  	[tilespmem:s30], [sflag:$0x1] =	stream.indirect_vreg.gather [hbm4b:s6+s2], $0x80, v3, vm1, $0xb8;
	[tilespmem:$0xE500] =	vst v63  }
0x4d3: {  	v3 =	vld [tilespmem:$0x50];
	_ =	sdelay $0x4  }
0x4d4: {  	v43 =	vshrl.u32 v3, $0x3  }
0x4d5: {  	v4 =	vmul.u32 $0x18, v43  }
0x4d6: {  	v3 =	vand.u32 $0x7, v3  }
0x4d7: {  	v3 =	vor.u32 v3, v4  }
0x4d8: {  	v4 =	vperm.xlane v3, v0;
	_ =	sdelay $0x1  }
0x4d9: {  	v4 =	vadd.s32 v1, v4;
	_ =	sdelay $0x1  }
0x4da: {  	v3 =	vperm.xlane v3, v2;
	_ =	sdelay $0x1  }
0x4db: {  	s18 =	simm.s32 $0x7880;
	v3 =	vadd.s32 v1, v3  }
0x4dc: {  	[tilespmem:s18], [sflag:$0x1] =	stream.indirect_vreg.gather [hbm4b:s5+s2], $0x80, v4, vm0, $0xb8;
	[tilespmem:$0xE500] =	vst v63  }
0x4dd: {  	s9 =	simm.s32 $0x8080  }
0x4de: {  	[tilespmem:s9], [sflag:$0x1] =	stream.indirect_vreg.gather [hbm4b:s6+s2], $0x80, v4, vm1, $0xb8;
	[tilespmem:$0xE500] =	vst v63  }
0x4df: {  	s10 =	simm.s32 $0x8480  }
0x4e0: {  	[tilespmem:s10], [sflag:$0x1] =	stream.indirect_vreg.gather [hbm4b:s5+s2], $0x80, v3, vm0, $0xb8;
	[tilespmem:$0xE500] =	vst v63  }
0x4e1: {  	s11 =	simm.s32 $0x8C80  }
0x4e2: {  	[tilespmem:s11], [sflag:$0x1] =	stream.indirect_vreg.gather [hbm4b:s6+s2], $0x80, v3, vm1, $0xb8;
	[tilespmem:$0xE500] =	vst v63  }
0x4e3: {  	v3 =	vld [tilespmem:$0x60];
	_ =	sdelay $0x4  }
0x4e4: {  	v44 =	vshrl.u32 v3, $0x3  }
0x4e5: {  	v4 =	vmul.u32 $0x18, v44  }
0x4e6: {  	v3 =	vand.u32 $0x7, v3  }
0x4e7: {  	v3 =	vor.u32 v3, v4  }
0x4e8: {  	v4 =	vperm.xlane v3, v0;
	_ =	sdelay $0x1  }
0x4e9: {  	v4 =	vadd.s32 v1, v4;
	_ =	sdelay $0x1  }
0x4ea: {  	v3 =	vperm.xlane v3, v2;
	_ =	sdelay $0x1  }
0x4eb: {  	s28 =	simm.s32 $0x9080;
	v3 =	vadd.s32 v1, v3  }
0x4ec: {  	[tilespmem:s28], [sflag:$0x1] =	stream.indirect_vreg.gather [hbm4b:s5+s2], $0x80, v4, vm0, $0xb8;
	[tilespmem:$0xE500] =	vst v63  }
0x4ed: {  	s0 =	simm.s32 $0x9880  }
0x4ee: {  	[tilespmem:s0], [sflag:$0x1] =	stream.indirect_vreg.gather [hbm4b:s6+s2], $0x80, v4, vm1, $0xb8;
	[tilespmem:$0xE500] =	vst v63  }
0x4ef: {  	s3 =	simm.s32 $0x9C80  }
0x4f0: {  	[tilespmem:s3], [sflag:$0x1] =	stream.indirect_vreg.gather [hbm4b:s5+s2], $0x80, v3, vm0, $0xb8;
	[tilespmem:$0xE500] =	vst v63  }
0x4f1: {  	s23 =	simm.s32 $0xA480  }
0x4f2: {  	[tilespmem:s23], [sflag:$0x1] =	stream.indirect_vreg.gather [hbm4b:s6+s2], $0x80, v3, vm1, $0xb8;
	[tilespmem:$0xE500] =	vst v63  }
0x4f3: {  	v3 =	vld [tilespmem:$0x70];
	_ =	sdelay $0x4  }
0x4f4: {  	v45 =	vshrl.u32 v3, $0x3  }
0x4f5: {  	v4 =	vmul.u32 $0x18, v45  }
0x4f6: {  	v3 =	vand.u32 $0x7, v3  }
0x4f7: {  	v3 =	vor.u32 v3, v4  }
0x4f8: {  	v4 =	vperm.xlane v3, v0;
	_ =	sdelay $0x1  }
0x4f9: {  	v4 =	vadd.s32 v1, v4;
	_ =	sdelay $0x1  }
0x4fa: {  	v3 =	vperm.xlane v3, v2;
	_ =	sdelay $0x1  }
0x4fb: {  	s13 =	simm.s32 $0xA880;
	v3 =	vadd.s32 v1, v3  }
0x4fc: {  	[tilespmem:s13], [sflag:$0x1] =	stream.indirect_vreg.gather [hbm4b:s5+s2], $0x80, v4, vm0, $0xb8;
	[tilespmem:$0xE500] =	vst v63  }
0x4fd: {  	s4 =	simm.s32 $0xB080  }
0x4fe: {  	[tilespmem:s4], [sflag:$0x1] =	stream.indirect_vreg.gather [hbm4b:s6+s2], $0x80, v4, vm1, $0xb8;
	[tilespmem:$0xE500] =	vst v63  }
0x4ff: {  	s7 =	simm.s32 $0xB480  }
0x500: {  	[tilespmem:s7], [sflag:$0x1] =	stream.indirect_vreg.gather [hbm4b:s5+s2], $0x80, v3, vm0, $0xb8;
	[tilespmem:$0xE500] =	vst v63  }
0x501: {  	s12 =	simm.s32 $0xBC80  }
0x502: {  	[tilespmem:s12], [sflag:$0x1] =	stream.indirect_vreg.gather [hbm4b:s6+s2], $0x80, v3, vm1, $0xb8;
	[tilespmem:$0xE500] =	vst v63  }
0x503: {  	_ =	swait.ge [sflag:s16], $0xC000  }
0x504: {  	[sflag:s16] =	ssyncset.done $0x0  }
0x505: {  	s13 =	rddreg [dreg:$0x13];
	[sflag:s16] =	ssyncadd.s32 $0xFFFF4000  }
0x506: {  	[hbm4b:s13+s2] =	stream.linear.scatter [tilespmem:s25], [sflag:$0x2], $0xC000, $0x38;
	[tilespmem:$0xE500] =	vst v63  }
0x507: {  	_ =	swait.ge [sflag:s8], $0xC000  }
0x508: {  	[sflag:s8] =	ssyncset.done $0x0  }
0x509: {  	s23 =	rddreg [dreg:$0x14];
	[sflag:s8] =	ssyncadd.s32 $0xFFFF4000  }
0x50a: {  	[tilespmem:s2], [sflag:$0x2] =	stream.linear.gather [hbm4b:s23+s2], $0x80, $0x38;
	[tilespmem:$0xE500] =	vst v63  }
0x50b: {  	_ =	swait.ge [sflag:s8], $0x80  }
0x50c: {  	[sflag:s8] =	ssyncset.done $0x0  }
0x50d: {  	[sflag:s8] =	ssyncadd.s32 $0xFFFFFF80  }
0x50e: {  	v3 =	vld [tilespmem:$0x0];
	_ =	sdelay $0x4  }
0x50f: {  	v46 =	vshrl.u32 v3, $0x3  }
0x510: {  	v4 =	vmul.u32 $0x18, v46  }
0x511: {  	v3 =	vand.u32 $0x7, v3  }
0x512: {  	v3 =	vor.u32 v3, v4  }
0x513: {  	v4 =	vperm.xlane v3, v0;
	_ =	sdelay $0x1  }
0x514: {  	v4 =	vadd.s32 v1, v4;
	_ =	sdelay $0x1  }
0x515: {  	v3 =	vperm.xlane v3, v2;
	_ =	sdelay $0x1  }
0x516: {  	v3 =	vadd.s32 v1, v3  }
0x517: {  	[tilespmem:s25], [sflag:$0x1] =	stream.indirect_vreg.gather [hbm4b:s5+s2], $0x80, v4, vm0, $0xb8;
	[tilespmem:$0xE500] =	vst v63  }
0x518: {  	s30 =	simm.s32 $0x880  }
0x519: {  	[tilespmem:s30], [sflag:$0x1] =	stream.indirect_vreg.gather [hbm4b:s6+s2], $0x80, v4, vm1, $0xb8;
	[tilespmem:$0xE500] =	vst v63  }
0x51a: {  	s20 =	simm.s32 $0xC80  }
0x51b: {  	[tilespmem:s20], [sflag:$0x1] =	stream.indirect_vreg.gather [hbm4b:s5+s2], $0x80, v3, vm0, $0xb8;
	[tilespmem:$0xE500] =	vst v63  }
0x51c: {  	s4 =	simm.s32 $0x1480  }
0x51d: {  	[tilespmem:s4], [sflag:$0x1] =	stream.indirect_vreg.gather [hbm4b:s6+s2], $0x80, v3, vm1, $0xb8;
	[tilespmem:$0xE500] =	vst v63  }
0x51e: {  	v3 =	vld [tilespmem:$0x10];
	_ =	sdelay $0x4  }
0x51f: {  	v47 =	vshrl.u32 v3, $0x3  }
0x520: {  	v4 =	vmul.u32 $0x18, v47  }
0x521: {  	v3 =	vand.u32 $0x7, v3  }
0x522: {  	v3 =	vor.u32 v3, v4  }
0x523: {  	v4 =	vperm.xlane v3, v0;
	_ =	sdelay $0x1  }
0x524: {  	v4 =	vadd.s32 v1, v4;
	_ =	sdelay $0x1  }
0x525: {  	v3 =	vperm.xlane v3, v2;
	_ =	sdelay $0x1  }
0x526: {  	s13 =	simm.s32 $0x1880;
	v3 =	vadd.s32 v1, v3  }
0x527: {  	[tilespmem:s13], [sflag:$0x1] =	stream.indirect_vreg.gather [hbm4b:s5+s2], $0x80, v4, vm0, $0xb8;
	[tilespmem:$0xE500] =	vst v63  }
0x528: {  	s17 =	simm.s32 $0x2080  }
0x529: {  	[tilespmem:s17], [sflag:$0x1] =	stream.indirect_vreg.gather [hbm4b:s6+s2], $0x80, v4, vm1, $0xb8;
	[tilespmem:$0xE500] =	vst v63  }
0x52a: {  	s20 =	simm.s32 $0x2480  }
0x52b: {  	[tilespmem:s20], [sflag:$0x1] =	stream.indirect_vreg.gather [hbm4b:s5+s2], $0x80, v3, vm0, $0xb8;
	[tilespmem:$0xE500] =	vst v63  }
0x52c: {  	s15 =	simm.s32 $0x2C80  }
0x52d: {  	[tilespmem:s15], [sflag:$0x1] =	stream.indirect_vreg.gather [hbm4b:s6+s2], $0x80, v3, vm1, $0xb8;
	[tilespmem:$0xE500] =	vst v63  }
0x52e: {  	v3 =	vld [tilespmem:$0x20];
	_ =	sdelay $0x4  }
0x52f: {  	v48 =	vshrl.u32 v3, $0x3  }
0x530: {  	v4 =	vmul.u32 $0x18, v48  }
0x531: {  	v3 =	vand.u32 $0x7, v3  }
0x532: {  	v3 =	vor.u32 v3, v4  }
0x533: {  	v4 =	vperm.xlane v3, v0;
	_ =	sdelay $0x1  }
0x534: {  	v4 =	vadd.s32 v1, v4;
	_ =	sdelay $0x1  }
0x535: {  	v3 =	vperm.xlane v3, v2;
	_ =	sdelay $0x1  }
0x536: {  	s21 =	simm.s32 $0x3080;
	v3 =	vadd.s32 v1, v3  }
0x537: {  	[tilespmem:s21], [sflag:$0x1] =	stream.indirect_vreg.gather [hbm4b:s5+s2], $0x80, v4, vm0, $0xb8;
	[tilespmem:$0xE500] =	vst v63  }
0x538: {  	s24 =	simm.s32 $0x3880  }
0x539: {  	[tilespmem:s24], [sflag:$0x1] =	stream.indirect_vreg.gather [hbm4b:s6+s2], $0x80, v4, vm1, $0xb8;
	[tilespmem:$0xE500] =	vst v63  }
0x53a: {  	s22 =	simm.s32 $0x3C80  }
0x53b: {  	[tilespmem:s22], [sflag:$0x1] =	stream.indirect_vreg.gather [hbm4b:s5+s2], $0x80, v3, vm0, $0xb8;
	[tilespmem:$0xE500] =	vst v63  }
0x53c: {  	s23 =	simm.s32 $0x4480  }
0x53d: {  	[tilespmem:s23], [sflag:$0x1] =	stream.indirect_vreg.gather [hbm4b:s6+s2], $0x80, v3, vm1, $0xb8;
	[tilespmem:$0xE500] =	vst v63  }
0x53e: {  	v3 =	vld [tilespmem:$0x30];
	_ =	sdelay $0x4  }
0x53f: {  	v49 =	vshrl.u32 v3, $0x3  }
0x540: {  	v4 =	vmul.u32 $0x18, v49  }
0x541: {  	v3 =	vand.u32 $0x7, v3  }
0x542: {  	v3 =	vor.u32 v3, v4  }
0x543: {  	v4 =	vperm.xlane v3, v0;
	_ =	sdelay $0x1  }
0x544: {  	v4 =	vadd.s32 v1, v4;
	_ =	sdelay $0x1  }
0x545: {  	v3 =	vperm.xlane v3, v2;
	_ =	sdelay $0x1  }
0x546: {  	s24 =	simm.s32 $0x4880;
	v3 =	vadd.s32 v1, v3  }
0x547: {  	[tilespmem:s24], [sflag:$0x1] =	stream.indirect_vreg.gather [hbm4b:s5+s2], $0x80, v4, vm0, $0xb8;
	[tilespmem:$0xE500] =	vst v63  }
0x548: {  	s31 =	simm.s32 $0x5080  }
0x549: {  	[tilespmem:s31], [sflag:$0x1] =	stream.indirect_vreg.gather [hbm4b:s6+s2], $0x80, v4, vm1, $0xb8;
	[tilespmem:$0xE500] =	vst v63  }
0x54a: {  	s29 =	simm.s32 $0x5480  }
0x54b: {  	[tilespmem:s29], [sflag:$0x1] =	stream.indirect_vreg.gather [hbm4b:s5+s2], $0x80, v3, vm0, $0xb8;
	[tilespmem:$0xE500] =	vst v63  }
0x54c: {  	s29 =	simm.s32 $0x5C80  }
0x54d: {  	[tilespmem:s29], [sflag:$0x1] =	stream.indirect_vreg.gather [hbm4b:s6+s2], $0x80, v3, vm1, $0xb8;
	[tilespmem:$0xE500] =	vst v63  }
0x54e: {  	v3 =	vld [tilespmem:$0x40];
	_ =	sdelay $0x4  }
0x54f: {  	v50 =	vshrl.u32 v3, $0x3  }
0x550: {  	v4 =	vmul.u32 $0x18, v50  }
0x551: {  	v3 =	vand.u32 $0x7, v3  }
0x552: {  	v3 =	vor.u32 v3, v4  }
0x553: {  	v4 =	vperm.xlane v3, v0;
	_ =	sdelay $0x1  }
0x554: {  	v4 =	vadd.s32 v1, v4;
	_ =	sdelay $0x1  }
0x555: {  	v3 =	vperm.xlane v3, v2;
	_ =	sdelay $0x1  }
0x556: {  	s26 =	simm.s32 $0x6080;
	v3 =	vadd.s32 v1, v3  }
0x557: {  	[tilespmem:s26], [sflag:$0x1] =	stream.indirect_vreg.gather [hbm4b:s5+s2], $0x80, v4, vm0, $0xb8;
	[tilespmem:$0xE500] =	vst v63  }
0x558: {  	s31 =	simm.s32 $0x6880  }
0x559: {  	[tilespmem:s31], [sflag:$0x1] =	stream.indirect_vreg.gather [hbm4b:s6+s2], $0x80, v4, vm1, $0xb8;
	[tilespmem:$0xE500] =	vst v63  }
0x55a: {  	s14 =	simm.s32 $0x6C80  }
0x55b: {  	[tilespmem:s14], [sflag:$0x1] =	stream.indirect_vreg.gather [hbm4b:s5+s2], $0x80, v3, vm0, $0xb8;
	[tilespmem:$0xE500] =	vst v63  }
0x55c: {  	s17 =	simm.s32 $0x7480  }
0x55d: {  	[tilespmem:s17], [sflag:$0x1] =	stream.indirect_vreg.gather [hbm4b:s6+s2], $0x80, v3, vm1, $0xb8;
	[tilespmem:$0xE500] =	vst v63  }
0x55e: {  	v3 =	vld [tilespmem:$0x50];
	_ =	sdelay $0x4  }
0x55f: {  	v51 =	vshrl.u32 v3, $0x3  }
0x560: {  	v4 =	vmul.u32 $0x18, v51  }
0x561: {  	v3 =	vand.u32 $0x7, v3  }
0x562: {  	v3 =	vor.u32 v3, v4  }
0x563: {  	v4 =	vperm.xlane v3, v0;
	_ =	sdelay $0x1  }
0x564: {  	v4 =	vadd.s32 v1, v4;
	_ =	sdelay $0x1  }
0x565: {  	v3 =	vperm.xlane v3, v2;
	_ =	sdelay $0x1  }
0x566: {  	s18 =	simm.s32 $0x7880;
	v3 =	vadd.s32 v1, v3  }
0x567: {  	[tilespmem:s18], [sflag:$0x1] =	stream.indirect_vreg.gather [hbm4b:s5+s2], $0x80, v4, vm0, $0xb8;
	[tilespmem:$0xE500] =	vst v63  }
0x568: {  	s9 =	simm.s32 $0x8080  }
0x569: {  	[tilespmem:s9], [sflag:$0x1] =	stream.indirect_vreg.gather [hbm4b:s6+s2], $0x80, v4, vm1, $0xb8;
	[tilespmem:$0xE500] =	vst v63  }
0x56a: {  	s10 =	simm.s32 $0x8480  }
0x56b: {  	[tilespmem:s10], [sflag:$0x1] =	stream.indirect_vreg.gather [hbm4b:s5+s2], $0x80, v3, vm0, $0xb8;
	[tilespmem:$0xE500] =	vst v63  }
0x56c: {  	s11 =	simm.s32 $0x8C80  }
0x56d: {  	[tilespmem:s11], [sflag:$0x1] =	stream.indirect_vreg.gather [hbm4b:s6+s2], $0x80, v3, vm1, $0xb8;
	[tilespmem:$0xE500] =	vst v63  }
0x56e: {  	v3 =	vld [tilespmem:$0x60];
	_ =	sdelay $0x4  }
0x56f: {  	v52 =	vshrl.u32 v3, $0x3  }
0x570: {  	v4 =	vmul.u32 $0x18, v52  }
0x571: {  	v3 =	vand.u32 $0x7, v3  }
0x572: {  	v3 =	vor.u32 v3, v4  }
0x573: {  	v4 =	vperm.xlane v3, v0;
	_ =	sdelay $0x1  }
0x574: {  	v4 =	vadd.s32 v1, v4;
	_ =	sdelay $0x1  }
0x575: {  	v3 =	vperm.xlane v3, v2;
	_ =	sdelay $0x1  }
0x576: {  	s29 =	simm.s32 $0x9080;
	v3 =	vadd.s32 v1, v3  }
0x577: {  	[tilespmem:s29], [sflag:$0x1] =	stream.indirect_vreg.gather [hbm4b:s5+s2], $0x80, v4, vm0, $0xb8;
	[tilespmem:$0xE500] =	vst v63  }
0x578: {  	s0 =	simm.s32 $0x9880  }
0x579: {  	[tilespmem:s0], [sflag:$0x1] =	stream.indirect_vreg.gather [hbm4b:s6+s2], $0x80, v4, vm1, $0xb8;
	[tilespmem:$0xE500] =	vst v63  }
0x57a: {  	s3 =	simm.s32 $0x9C80  }
0x57b: {  	[tilespmem:s3], [sflag:$0x1] =	stream.indirect_vreg.gather [hbm4b:s5+s2], $0x80, v3, vm0, $0xb8;
	[tilespmem:$0xE500] =	vst v63  }
0x57c: {  	s31 =	simm.s32 $0xA480  }
0x57d: {  	[tilespmem:s31], [sflag:$0x1] =	stream.indirect_vreg.gather [hbm4b:s6+s2], $0x80, v3, vm1, $0xb8;
	[tilespmem:$0xE500] =	vst v63  }
0x57e: {  	v3 =	vld [tilespmem:$0x70];
	_ =	sdelay $0x4  }
0x57f: {  	v53 =	vshrl.u32 v3, $0x3  }
0x580: {  	v4 =	vmul.u32 $0x18, v53  }
0x581: {  	v3 =	vand.u32 $0x7, v3  }
0x582: {  	v3 =	vor.u32 v3, v4  }
0x583: {  	v4 =	vperm.xlane v3, v0;
	_ =	sdelay $0x1  }
0x584: {  	v4 =	vadd.s32 v1, v4;
	_ =	sdelay $0x1  }
0x585: {  	v3 =	vperm.xlane v3, v2;
	_ =	sdelay $0x1  }
0x586: {  	s19 =	simm.s32 $0xA880;
	v3 =	vadd.s32 v1, v3  }
0x587: {  	[tilespmem:s19], [sflag:$0x1] =	stream.indirect_vreg.gather [hbm4b:s5+s2], $0x80, v4, vm0, $0xb8;
	[tilespmem:$0xE500] =	vst v63  }
0x588: {  	s28 =	simm.s32 $0xB080  }
0x589: {  	[tilespmem:s28], [sflag:$0x1] =	stream.indirect_vreg.gather [hbm4b:s6+s2], $0x80, v4, vm1, $0xb8;
	[tilespmem:$0xE500] =	vst v63  }
0x58a: {  	s7 =	simm.s32 $0xB480  }
0x58b: {  	[tilespmem:s7], [sflag:$0x1] =	stream.indirect_vreg.gather [hbm4b:s5+s2], $0x80, v3, vm0, $0xb8;
	[tilespmem:$0xE500] =	vst v63  }
0x58c: {  	s17 =	simm.s32 $0xBC80  }
0x58d: {  	[tilespmem:s17], [sflag:$0x1] =	stream.indirect_vreg.gather [hbm4b:s6+s2], $0x80, v3, vm1, $0xb8;
	[tilespmem:$0xE500] =	vst v63  }
0x58e: {  	_ =	swait.ge [sflag:s16], $0xC000  }
0x58f: {  	[sflag:s16] =	ssyncset.done $0x0  }
0x590: {  	s28 =	rddreg [dreg:$0x15];
	[sflag:s16] =	ssyncadd.s32 $0xFFFF4000  }
0x591: {  	[hbm4b:s28+s2] =	stream.linear.scatter [tilespmem:s25], [sflag:$0x2], $0xC000, $0x38;
	[tilespmem:$0xE500] =	vst v63  }
0x592: {  	_ =	swait.ge [sflag:s8], $0xC000  }
0x593: {  	[sflag:s8] =	ssyncset.done $0x0  }
0x594: {  	s28 =	rddreg [dreg:$0x16];
	[sflag:s8] =	ssyncadd.s32 $0xFFFF4000  }
0x595: {  	[tilespmem:s2], [sflag:$0x2] =	stream.linear.gather [hbm4b:s28+s2], $0x80, $0x38;
	[tilespmem:$0xE500] =	vst v63  }
0x596: {  	_ =	swait.ge [sflag:s8], $0x80  }
0x597: {  	[sflag:s8] =	ssyncset.done $0x0  }
0x598: {  	[sflag:s8] =	ssyncadd.s32 $0xFFFFFF80  }
0x599: {  	v3 =	vld [tilespmem:$0x0];
	_ =	sdelay $0x4  }
0x59a: {  	v54 =	vshrl.u32 v3, $0x3  }
0x59b: {  	v4 =	vmul.u32 $0x18, v54  }
0x59c: {  	v3 =	vand.u32 $0x7, v3  }
0x59d: {  	v3 =	vor.u32 v3, v4  }
0x59e: {  	v4 =	vperm.xlane v3, v0;
	_ =	sdelay $0x1  }
0x59f: {  	v4 =	vadd.s32 v1, v4;
	_ =	sdelay $0x1  }
0x5a0: {  	v3 =	vperm.xlane v3, v2;
	_ =	sdelay $0x1  }
0x5a1: {  	v3 =	vadd.s32 v1, v3  }
0x5a2: {  	[tilespmem:s25], [sflag:$0x1] =	stream.indirect_vreg.gather [hbm4b:s5+s2], $0x80, v4, vm0, $0xb8;
	[tilespmem:$0xE500] =	vst v63  }
0x5a3: {  	s28 =	simm.s32 $0x880  }
0x5a4: {  	[tilespmem:s28], [sflag:$0x1] =	stream.indirect_vreg.gather [hbm4b:s6+s2], $0x80, v4, vm1, $0xb8;
	[tilespmem:$0xE500] =	vst v63  }
0x5a5: {  	s12 =	simm.s32 $0xC80  }
0x5a6: {  	[tilespmem:s12], [sflag:$0x1] =	stream.indirect_vreg.gather [hbm4b:s5+s2], $0x80, v3, vm0, $0xb8;
	[tilespmem:$0xE500] =	vst v63  }
0x5a7: {  	s28 =	simm.s32 $0x1480  }
0x5a8: {  	[tilespmem:s28], [sflag:$0x1] =	stream.indirect_vreg.gather [hbm4b:s6+s2], $0x80, v3, vm1, $0xb8;
	[tilespmem:$0xE500] =	vst v63  }
0x5a9: {  	v3 =	vld [tilespmem:$0x10];
	_ =	sdelay $0x4  }
0x5aa: {  	v55 =	vshrl.u32 v3, $0x3  }
0x5ab: {  	v4 =	vmul.u32 $0x18, v55  }
0x5ac: {  	v3 =	vand.u32 $0x7, v3  }
0x5ad: {  	v3 =	vor.u32 v3, v4  }
0x5ae: {  	v4 =	vperm.xlane v3, v0;
	_ =	sdelay $0x1  }
0x5af: {  	v4 =	vadd.s32 v1, v4;
	_ =	sdelay $0x1  }
0x5b0: {  	v3 =	vperm.xlane v3, v2;
	_ =	sdelay $0x1  }
0x5b1: {  	s17 =	simm.s32 $0x1880;
	v3 =	vadd.s32 v1, v3  }
0x5b2: {  	[tilespmem:s17], [sflag:$0x1] =	stream.indirect_vreg.gather [hbm4b:s5+s2], $0x80, v4, vm0, $0xb8;
	[tilespmem:$0xE500] =	vst v63  }
0x5b3: {  	s28 =	simm.s32 $0x2080  }
0x5b4: {  	[tilespmem:s28], [sflag:$0x1] =	stream.indirect_vreg.gather [hbm4b:s6+s2], $0x80, v4, vm1, $0xb8;
	[tilespmem:$0xE500] =	vst v63  }
0x5b5: {  	s17 =	simm.s32 $0x2480  }
0x5b6: {  	[tilespmem:s17], [sflag:$0x1] =	stream.indirect_vreg.gather [hbm4b:s5+s2], $0x80, v3, vm0, $0xb8;
	[tilespmem:$0xE500] =	vst v63  }
0x5b7: {  	s1 =	simm.s32 $0x2C80  }
0x5b8: {  	[tilespmem:s1], [sflag:$0x1] =	stream.indirect_vreg.gather [hbm4b:s6+s2], $0x80, v3, vm1, $0xb8;
	[tilespmem:$0xE500] =	vst v63  }
0x5b9: {  	v3 =	vld [tilespmem:$0x20];
	_ =	sdelay $0x4  }
0x5ba: {  	v56 =	vshrl.u32 v3, $0x3  }
0x5bb: {  	v4 =	vmul.u32 $0x18, v56  }
0x5bc: {  	v3 =	vand.u32 $0x7, v3  }
0x5bd: {  	v3 =	vor.u32 v3, v4  }
0x5be: {  	v4 =	vperm.xlane v3, v0;
	_ =	sdelay $0x1  }
0x5bf: {  	v4 =	vadd.s32 v1, v4;
	_ =	sdelay $0x1  }
0x5c0: {  	v3 =	vperm.xlane v3, v2;
	_ =	sdelay $0x1  }
0x5c1: {  	s13 =	simm.s32 $0x3080;
	v3 =	vadd.s32 v1, v3  }
0x5c2: {  	[tilespmem:s13], [sflag:$0x1] =	stream.indirect_vreg.gather [hbm4b:s5+s2], $0x80, v4, vm0, $0xb8;
	[tilespmem:$0xE500] =	vst v63  }
0x5c3: {  	s21 =	simm.s32 $0x3880  }
0x5c4: {  	[tilespmem:s21], [sflag:$0x1] =	stream.indirect_vreg.gather [hbm4b:s6+s2], $0x80, v4, vm1, $0xb8;
	[tilespmem:$0xE500] =	vst v63  }
0x5c5: {  	s20 =	simm.s32 $0x3C80  }
0x5c6: {  	[tilespmem:s20], [sflag:$0x1] =	stream.indirect_vreg.gather [hbm4b:s5+s2], $0x80, v3, vm0, $0xb8;
	[tilespmem:$0xE500] =	vst v63  }
0x5c7: {  	s23 =	simm.s32 $0x4480  }
0x5c8: {  	[tilespmem:s23], [sflag:$0x1] =	stream.indirect_vreg.gather [hbm4b:s6+s2], $0x80, v3, vm1, $0xb8;
	[tilespmem:$0xE500] =	vst v63  }
0x5c9: {  	v3 =	vld [tilespmem:$0x30];
	_ =	sdelay $0x4  }
0x5ca: {  	v57 =	vshrl.u32 v3, $0x3  }
0x5cb: {  	v4 =	vmul.u32 $0x18, v57  }
0x5cc: {  	v3 =	vand.u32 $0x7, v3  }
0x5cd: {  	v3 =	vor.u32 v3, v4  }
0x5ce: {  	v4 =	vperm.xlane v3, v0;
	_ =	sdelay $0x1  }
0x5cf: {  	v4 =	vadd.s32 v1, v4;
	_ =	sdelay $0x1  }
0x5d0: {  	v3 =	vperm.xlane v3, v2;
	_ =	sdelay $0x1  }
0x5d1: {  	s28 =	simm.s32 $0x4880;
	v3 =	vadd.s32 v1, v3  }
0x5d2: {  	[tilespmem:s28], [sflag:$0x1] =	stream.indirect_vreg.gather [hbm4b:s5+s2], $0x80, v4, vm0, $0xb8;
	[tilespmem:$0xE500] =	vst v63  }
0x5d3: {  	s30 =	simm.s32 $0x5080  }
0x5d4: {  	[tilespmem:s30], [sflag:$0x1] =	stream.indirect_vreg.gather [hbm4b:s6+s2], $0x80, v4, vm1, $0xb8;
	[tilespmem:$0xE500] =	vst v63  }
0x5d5: {  	s4 =	simm.s32 $0x5480  }
0x5d6: {  	[tilespmem:s4], [sflag:$0x1] =	stream.indirect_vreg.gather [hbm4b:s5+s2], $0x80, v3, vm0, $0xb8;
	[tilespmem:$0xE500] =	vst v63  }
0x5d7: {  	s13 =	simm.s32 $0x5C80  }
0x5d8: {  	[tilespmem:s13], [sflag:$0x1] =	stream.indirect_vreg.gather [hbm4b:s6+s2], $0x80, v3, vm1, $0xb8;
	[tilespmem:$0xE500] =	vst v63  }
0x5d9: {  	v3 =	vld [tilespmem:$0x40];
	_ =	sdelay $0x4  }
0x5da: {  	v58 =	vshrl.u32 v3, $0x3  }
0x5db: {  	v4 =	vmul.u32 $0x18, v58  }
0x5dc: {  	v3 =	vand.u32 $0x7, v3  }
0x5dd: {  	v3 =	vor.u32 v3, v4  }
0x5de: {  	v4 =	vperm.xlane v3, v0;
	_ =	sdelay $0x1  }
0x5df: {  	v4 =	vadd.s32 v1, v4;
	_ =	sdelay $0x1  }
0x5e0: {  	v3 =	vperm.xlane v3, v2;
	_ =	sdelay $0x1  }
0x5e1: {  	s24 =	simm.s32 $0x6080;
	v3 =	vadd.s32 v1, v3  }
0x5e2: {  	[tilespmem:s24], [sflag:$0x1] =	stream.indirect_vreg.gather [hbm4b:s5+s2], $0x80, v4, vm0, $0xb8;
	[tilespmem:$0xE500] =	vst v63  }
0x5e3: {  	s26 =	simm.s32 $0x6880  }
0x5e4: {  	[tilespmem:s26], [sflag:$0x1] =	stream.indirect_vreg.gather [hbm4b:s6+s2], $0x80, v4, vm1, $0xb8;
	[tilespmem:$0xE500] =	vst v63  }
0x5e5: {  	s22 =	simm.s32 $0x6C80  }
0x5e6: {  	[tilespmem:s22], [sflag:$0x1] =	stream.indirect_vreg.gather [hbm4b:s5+s2], $0x80, v3, vm0, $0xb8;
	[tilespmem:$0xE500] =	vst v63  }
0x5e7: {  	s17 =	simm.s32 $0x7480  }
0x5e8: {  	[tilespmem:s17], [sflag:$0x1] =	stream.indirect_vreg.gather [hbm4b:s6+s2], $0x80, v3, vm1, $0xb8;
	[tilespmem:$0xE500] =	vst v63  }
0x5e9: {  	v3 =	vld [tilespmem:$0x50];
	_ =	sdelay $0x4  }
0x5ea: {  	v59 =	vshrl.u32 v3, $0x3  }
0x5eb: {  	v4 =	vmul.u32 $0x18, v59  }
0x5ec: {  	v3 =	vand.u32 $0x7, v3  }
0x5ed: {  	v3 =	vor.u32 v3, v4  }
0x5ee: {  	v4 =	vperm.xlane v3, v0;
	_ =	sdelay $0x1  }
0x5ef: {  	v4 =	vadd.s32 v1, v4;
	_ =	sdelay $0x1  }
0x5f0: {  	v3 =	vperm.xlane v3, v2;
	_ =	sdelay $0x1  }
0x5f1: {  	s14 =	simm.s32 $0x7880;
	v3 =	vadd.s32 v1, v3  }
0x5f2: {  	[tilespmem:s14], [sflag:$0x1] =	stream.indirect_vreg.gather [hbm4b:s5+s2], $0x80, v4, vm0, $0xb8;
	[tilespmem:$0xE500] =	vst v63  }
0x5f3: {  	s15 =	simm.s32 $0x8080  }
0x5f4: {  	[tilespmem:s15], [sflag:$0x1] =	stream.indirect_vreg.gather [hbm4b:s6+s2], $0x80, v4, vm1, $0xb8;
	[tilespmem:$0xE500] =	vst v63  }
0x5f5: {  	s9 =	simm.s32 $0x8480  }
0x5f6: {  	[tilespmem:s9], [sflag:$0x1] =	stream.indirect_vreg.gather [hbm4b:s5+s2], $0x80, v3, vm0, $0xb8;
	[tilespmem:$0xE500] =	vst v63  }
0x5f7: {  	s10 =	simm.s32 $0x8C80  }
0x5f8: {  	[tilespmem:s10], [sflag:$0x1] =	stream.indirect_vreg.gather [hbm4b:s6+s2], $0x80, v3, vm1, $0xb8;
	[tilespmem:$0xE500] =	vst v63  }
0x5f9: {  	v3 =	vld [tilespmem:$0x60];
	_ =	sdelay $0x4  }
0x5fa: {  	v60 =	vshrl.u32 v3, $0x3  }
0x5fb: {  	v4 =	vmul.u32 $0x18, v60  }
0x5fc: {  	v3 =	vand.u32 $0x7, v3  }
0x5fd: {  	v3 =	vor.u32 v3, v4  }
0x5fe: {  	v4 =	vperm.xlane v3, v0;
	_ =	sdelay $0x1  }
0x5ff: {  	v4 =	vadd.s32 v1, v4;
	_ =	sdelay $0x1  }
0x600: {  	v3 =	vperm.xlane v3, v2;
	_ =	sdelay $0x1  }
0x601: {  	s29 =	simm.s32 $0x9080;
	v3 =	vadd.s32 v1, v3  }
0x602: {  	[tilespmem:s29], [sflag:$0x1] =	stream.indirect_vreg.gather [hbm4b:s5+s2], $0x80, v4, vm0, $0xb8;
	[tilespmem:$0xE500] =	vst v63  }
0x603: {  	s11 =	simm.s32 $0x9880  }
0x604: {  	[tilespmem:s11], [sflag:$0x1] =	stream.indirect_vreg.gather [hbm4b:s6+s2], $0x80, v4, vm1, $0xb8;
	[tilespmem:$0xE500] =	vst v63  }
0x605: {  	s0 =	simm.s32 $0x9C80  }
0x606: {  	[tilespmem:s0], [sflag:$0x1] =	stream.indirect_vreg.gather [hbm4b:s5+s2], $0x80, v3, vm0, $0xb8;
	[tilespmem:$0xE500] =	vst v63  }
0x607: {  	s31 =	simm.s32 $0xA480  }
0x608: {  	[tilespmem:s31], [sflag:$0x1] =	stream.indirect_vreg.gather [hbm4b:s6+s2], $0x80, v3, vm1, $0xb8;
	[tilespmem:$0xE500] =	vst v63  }
0x609: {  	v3 =	vld [tilespmem:$0x70];
	_ =	sdelay $0x4  }
0x60a: {  	v61 =	vshrl.u32 v3, $0x3  }
0x60b: {  	v4 =	vmul.u32 $0x18, v61  }
0x60c: {  	v3 =	vand.u32 $0x7, v3  }
0x60d: {  	v3 =	vor.u32 v3, v4  }
0x60e: {  	v4 =	vperm.xlane v3, v0;
	_ =	sdelay $0x1  }
0x60f: {  	v4 =	vadd.s32 v1, v4;
	_ =	sdelay $0x1  }
0x610: {  	v3 =	vperm.xlane v3, v2;
	_ =	sdelay $0x1  }
0x611: {  	s3 =	simm.s32 $0xA880;
	v3 =	vadd.s32 v1, v3  }
0x612: {  	[tilespmem:s3], [sflag:$0x1] =	stream.indirect_vreg.gather [hbm4b:s5+s2], $0x80, v4, vm0, $0xb8;
	[tilespmem:$0xE500] =	vst v63  }
0x613: {  	s19 =	simm.s32 $0xB080  }
0x614: {  	[tilespmem:s19], [sflag:$0x1] =	stream.indirect_vreg.gather [hbm4b:s6+s2], $0x80, v4, vm1, $0xb8;
	[tilespmem:$0xE500] =	vst v63  }
0x615: {  	s18 =	simm.s32 $0xB480  }
0x616: {  	[tilespmem:s18], [sflag:$0x1] =	stream.indirect_vreg.gather [hbm4b:s5+s2], $0x80, v3, vm0, $0xb8;
	[tilespmem:$0xE500] =	vst v63  }
0x617: {  	s7 =	simm.s32 $0xBC80  }
0x618: {  	[tilespmem:s7], [sflag:$0x1] =	stream.indirect_vreg.gather [hbm4b:s6+s2], $0x80, v3, vm1, $0xb8;
	[tilespmem:$0xE500] =	vst v63  }
0x619: {  	s12 =	sld [smem:$0x7FB];
	_ =	swait.ge [sflag:s16], $0xC000  }
0x61a: {  	[sflag:s16] =	ssyncset.done $0x0  }
0x61b: {  	s20 =	rddreg [dreg:$0x17];
	[sflag:s16] =	ssyncadd.s32 $0xFFFF4000  }
0x61c: {  	[hbm4b:s20+s2] =	stream.linear.scatter [tilespmem:s25], [sflag:$0x2], $0xC000, $0x38;
	[tilespmem:$0xE500] =	vst v63  }
0x61d: {  	_ =	swait.ge [sflag:s8], $0xC000  }
0x61e: {  	s21 =	rddreg [dreg:$0x18];
	[sflag:s8] =	ssyncset.done $0x0  }
0x61f: {  	s22 =	rddreg [dreg:$0x1a];
	[sflag:s8] =	ssyncadd.s32 $0xFFFF4000  }
0x620: {  	[tilespmem:s22], [sflag:$0x2] =	stream.linear.gather [hbm4b:s21+s2], $0x18, $0x38;
	[tilespmem:$0xE500] =	vst v63  }
0x621: {  	_ =	swait.ge [sflag:s8], $0x18  }
0x622: {  	[sflag:s8] =	ssyncset.done $0x0  }
0x623: {  	[sflag:s8] =	ssyncadd.s32 $0xFFFFFFE8  }
0x624: {  	v3 =	vld [tilespmem:$0xC080];
	_ =	sdelay $0x4  }
0x625: {  	v62 =	vshrl.u32 v3, $0x3  }
0x626: {  	v4 =	vmul.u32 $0x18, v62  }
0x627: {  	v3 =	vand.u32 $0x7, v3  }
0x628: {  	v3 =	vor.u32 v3, v4  }
0x629: {  	v4 =	vperm.xlane v3, v0;
	_ =	sdelay $0x1  }
0x62a: {  	v4 =	vadd.s32 v1, v4;
	_ =	sdelay $0x1  }
0x62b: {  	v3 =	vperm.xlane v3, v2;
	_ =	sdelay $0x1  }
0x62c: {  	s24 =	simm.s32 $0xC100;
	v3 =	vadd.s32 v1, v3  }
0x62d: {  	[tilespmem:s24], [sflag:$0x1] =	stream.indirect_vreg.gather [hbm4b:s5+s2], $0x80, v4, vm0, $0xb8;
	[tilespmem:$0xE500] =	vst v63  }
0x62e: {  	s23 =	rddreg [dreg:$0x1b]  }
0x62f: {  	[tilespmem:s23], [sflag:$0x1] =	stream.indirect_vreg.gather [hbm4b:s6+s2], $0x80, v4, vm1, $0xb8;
	[tilespmem:$0xE500] =	vst v63  }
0x630: {  	s26 =	rddreg [dreg:$0x1c]  }
0x631: {  	[tilespmem:s26], [sflag:$0x1] =	stream.indirect_vreg.gather [hbm4b:s5+s2], $0x80, v3, vm0, $0xb8;
	[tilespmem:$0xE500] =	vst v63  }
0x632: {  	s28 =	rddreg [dreg:$0x1d]  }
0x633: {  	[tilespmem:s28], [sflag:$0x1] =	stream.indirect_vreg.gather [hbm4b:s6+s2], $0x80, v3, vm1, $0xb8;
	[tilespmem:$0xE500] =	vst v63  }
0x634: {  	v3 =	vld.msk [tilespmem:$0xC090], $0xff;
	_ =	sdelay $0x4  }
0x635: {  	v63 =	vshrl.u32 v3, $0x3  }
0x636: {  	v4 =	vmul.u32 $0x18, v63  }
0x637: {  	v3 =	vand.u32 $0x7, v3  }
0x638: {  	v3 =	vor.u32 v3, v4  }
0x639: {  	v3 =	vperm.xlane v3, v0;
	_ =	sdelay $0x1  }
0x63a: {  	v3 =	vadd.s32 v1, v3;
	_ =	sdelay $0x3  }
0x63b: {  	s29 =	rddreg [dreg:$0x1e]  }
0x63c: {  	[tilespmem:s29], [sflag:$0x1] =	stream.indirect_vreg.gather [hbm4b:s5+s2], $0x80, v3, vm0, $0xb8;
	[tilespmem:$0xE500] =	vst v63  }
0x63d: {  	s30 =	rddreg [dreg:$0x1f]  }
0x63e: {  	[tilespmem:s30], [sflag:$0x1] =	stream.indirect_vreg.gather [hbm4b:s6+s2], $0x80, v3, vm1, $0xb8;
	[tilespmem:$0xE500] =	vst v63  }
0x63f: {  	_ =	swait.ge [sflag:s16], $0x2400  }
0x640: {  	p0 =	sne.s32 s12, $0x1;
	[sflag:s16] =	ssyncset.done $0x0  }
.Ltmp0:
0x641: {  	s31 =	rddreg [dreg:$0x19];
	[sflag:s16] =	ssyncadd.s32 $0xFFFFDC00;
	(pc) =	sbr.rel @p0 .LBB2_1-.Ltmp0, $4  }
0x642: {  	[hbm4b:s31+s2] =	stream.linear.scatter [tilespmem:s24], [sflag:$0x2], $0x2400, $0x38;
	[tilespmem:$0xE500] =	vst v63  }
0x643: {  	_ =	swait.ge [sflag:s8], $0x2400  }
0x644: {  	[sflag:s8] =	ssyncset.done $0x0  }
0x645: {  	s1 =	sadd.s32 $0xFFFFFFFF, s12;
	[sflag:s8] =	ssyncadd.s32 $0xFFFFDC00  }
0x646: {  	_ =	sfence.sel $0x180000  }
0x647: {  	[bflag:$0x0] =	sbarrier.arrive $0xFFFF  }
0x648: {  	_ =	strace $0x90000047  }
0x649: {  	s0 =	stileid.u32;
	[bflag:$0x2] =	sbarrier.arrive $0xFFFF  }
0x64a: {  	p0 =	sne.s32 s0, $0x0;
	s0 =	rddreg [dreg:$0x3]  }
0x64b: {  	s0 =	sadd.s32 @!p0 $0x100000, s0  }
0x64c: {  	[sflag:s0] =	ssyncadd.tile.s32 @!p0 $0x1;
	_ =	shalt  }
.Lfunc_end2:
_tile_overlayer_lowered:
.L_overlay_start_2:
0x64d: {  	(tag) =	ssettag $0x2  }
0x64e: {  	s0 =	rddreg [dreg:$0x0];
	s2 =	stileid.u32  }
0x64f: {  	s1 =	rddreg [dreg:$0x1];
	p0 =	sne.s32 s2, $0x0  }
0x650: {  	s3 =	rddreg [dreg:$0x2];
	[bflag:$0x3] =	sbarrier.arrive $0xFFFF;
	s2 =	simm.s32 @!p0 $0x1C02  }
0x651: {  	[timem:s3], [sflag:s2] =	dma.local @!p0 [hbm:s0], s1  }
0x652: {  	s0 =	simm.s32 @!p0 $0x2  }
0x653: {  	_ =	swait.ge @!p0 [sflag:s0], s1  }
0x654: {  	s1 =	ssub.s32 @!p0 $0x0, s1;
	[sflag:s0] =	ssyncset.done @!p0 $0x0  }
0x655: {  	[sflag:s0] =	ssyncadd.s32 @!p0 s1  }
0x656: {  	[bflag:$0x3] =	sbarrier.arrive $0xFFFF  }
0x657: {  	_ =	shalt  }

// kernel: sparse-core-data-format-call.cloned.1.call-start
scs
called_computation_lowered:
.L_overlay_start_0:
0x0: {  	s2 =	sld [smem:$0x3FD9]  }
0x1: {  	s3 =	sld [smem:$0x3FFE];
	_ =	sdelay $0x1  }
0x2: {  	s1 =	srdreg.scid  }
0x3: {  	s0 =	sand.u32 $0x1, s1  }
0x4: {  	s15 =	sshll.u32 s0, $0xA;
	s2 =	sadd.s32 s3, s2  }
0x5: {  	s2 =	sadd.s32 s2, s15  }
0x6: {  	[smem:$0x3FC3] =	sst s2  }
0x7: {  	_ = 	snop  }
0x8: {  	s2 =	sld [smem:$0x3FD0];
	_ =	sdelay $0x2  }
0x9: {  	s16 =	simm.s32 $0xA;
	s4 =	simm.s32 $0x10  }
0xa: {  	[smem:s4], [sflag:s16] =	dma.local [hbm:s2], $0x1  }
0xb: {  	_ =	swait.eq [sflag:s16], $0x1  }
0xc: {  	[sflag:s16] =	ssyncset.done $0x0  }
0xd: {  	[sflag:s16] =	ssyncadd.s32 $0xFFFFFFFF  }
0xe: {  	s17 =	sld [smem:$0x10];
	(tm) =	ssettm $0x1  }
0xf: {  	s18 =	sld [smem:$0x3FFB];
	_ =	sdelay $0x3  }
0x10: {  	_ =	strace s18  }
0x11: {  	s3 =	sld [smem:$0x3FFC];
	_ =	sdelay $0x3  }
0x12: {  	_ =	strace s3  }
0x13: {  	s3 =	sld [smem:$0x3FFD];
	_ =	sdelay $0x3  }
0x14: {  	_ =	strace s3  }
0x15: {  	_ =	strace $0x8FFFFFFF  }
0x16: {  	s19 =	sld [smem:$0x3FDB];
	_ =	sdelay $0x1  }
0x17: {  	s20 =	simm.s32 $_scs_section_size  }
0x18: {  	s5 =	simm.s32 $_size__tile_overlayer_lowered;
	s6 =	simm.s32 $_tile_overlayer_lowered  }
0x19: {  	s23 =	simm.s32 $0x1BFF;
	s22 =	sshll.u32 s6, $0x1;
	s3 =	sadd.s32 s20, s19  }
0x1a: {  	s7 =	simm.s32 $0x0;
	s21 =	sshll.u32 s5, $0x1;
	s5 =	sadd.s32 s22, s3  }
0x1b: {  	[timem:s7], [sflag:s23] =	dma.local [hbm:s5], s21  }
0x1c: {  	_ =	swait.ge [sflag:s23], s21  }
0x1d: {  	s4 =	ssub.s32 $0x0, s21;
	[sflag:s23] =	ssyncset.done $0x0  }
0x1e: {  	[sflag:s23] =	ssyncadd.s32 s4;
	_ =	sdelay $0x1  }
0x1f: {  	s24 =	simm.s32 $0x1B8B  }
0x20: {  	_ =	swait.ge [sflag:s24], $0x1  }
0x21: {  	[sflag:s24] =	ssyncset.done $0x0  }
0x22: {  	s26 =	simm.s32 $0x1B8E;
	s25 =	sld [smem:$0x3FFE];
	[sflag:s24] =	ssyncadd.s32 $0xFFFFFFFF  }
0x23: {  	s27 =	simm.s32 $execute0_lowered;
	[smem:$0x3FD2] =	sst s26  }
0x24: {  	s5 =	sshll.u32 s27, $0x1;
	_ =	strace $0x80000049;
	[dreg:$0x1] =	wrdreg $0xFFFFFFFF  }
0x25: {  	s28 =	simm.s32 $_size_execute0_lowered;
	s3 =	sadd.s32 s3, s5;
	[dreg:$0x0] =	wrdreg $0x0  }
0x26: {  	s5 =	sshll.u32 s28, $0x1;
	[dreg:$0x2] =	wrdreg s3  }
0x27: {  	[dreg:$0x3] =	wrdreg s5  }
0x28: {  	[dreg:$0x4] =	wrdreg $0xC0  }
0x29: {  	_ =	task [dreg:s7], $0x5FFFF  }
0x2a: {  	[dreg:$0x1] =	wrdreg $0xFFFFFFFF  }
0x2b: {  	[dreg:$0x0] =	wrdreg $0x60  }
0x2c: {  	[dreg:$0x2] =	wrdreg s25  }
0x2d: {  	[dreg:$0x3] =	wrdreg s17  }
0x2e: {  	[dreg:$0x4] =	wrdreg $0x9  }
0x2f: {  	_ =	task.clear_ibuf [dreg:s7], $0x5FFFF;
	_ =	strace $0x90000049  }
0x30: {  	s29 =	simm.s32 $0x9;
	_ =	strace $0x8000004B  }
0x31: {  	_ =	swait.ge [sflag:s29], $0x1  }
0x32: {  	[sflag:s29] =	ssyncadd.s32 $0xFFFFFFFF  }
0x33: {  	_ =	strace $0x9000004B  }
0x34: {  	_ =	sfence  }
0x35: {  	s30 =	sld [smem:$0x0];
	_ =	sdelay $0x2  }
0x36: {  	s31 =	sshll.u32 s1, $0xD;
	s1 =	sshrl.u32 s1, $0x2  }
0x37: {  	s3 =	sand.u32 $0x4000, s31;
	s1 =	sadd.s32 s1, s30  }
0x38: {  	s0 =	sor.u32 s3, s0;
	s1 =	sshll.u32 s1, $0x11  }
0x39: {  	s0 =	sor.u32 s1, s0  }
0x3a: {  	s0 =	sadd.s32 $0x8F2B, s0  }
0x3b: {  	[sflag:s0] =	ssyncadd.remote.s32 $0x1  }
0x3c: {  	_ =	sfence.sel $0xFFFF  }
0x3d: {  	[dreg:$0x0] =	wrdreg $0xFFFFFFFF;
	(pc) =	sbr.abs _section_cstart, $3  }
0x3e: {  	[dreg:$0x1] =	wrdreg $0xFFFFFFFF  }
0x3f: {  	_ =	task.clear_ibuf [dreg:s7], $0x2FFFF;
	_ =	strace $0x9FFFFFFF  }
0x40: {  	(tm) =	ssettm $0x7FFFFFFF  }
0x41: {  	_ =	shalt  }
tec
execute0_lowered:
.L_overlay_start_1:
0x0: {  	(tag) =	ssettag $0x1  }
0x1: {  	s1 =	rddreg [dreg:$0x0];
	_ =	strace $0x8000004A  }
0x2: {  	s20 =	stileid.u32;
	s5 =	srdreg.scid;
	s4 =	simm.s32 $0x1  }
.Ltmp0:
0x3: {  	s6 =	simm.s32 $0x2;
	s12 =	simm.s32 $0x0;
	(pc) =	sbr.rel .LBB1_1-.Ltmp0, $4  }
0x4: {  	s13 =	simm.s32 $0x0;
	s8 =	simm.s32 $0x0;
	s10 =	simm.s32 $0x0  }
0x5: {  	s11 =	stileid.u32;
	s7 =	simm.s32 $0x0;
	s5 =	sshll.u32 s5, $0x7  }
0x6: {  	s21 =	simm.s32 $0x0;
	[sflag:s4] =	ssyncpa.u1 $0x0;
	s5 =	sand.u32 $0x80, s5  }
0x7: {  	s3 =	sadd.s32 $0xE00, s1;
	[sflag:s6] =	ssyncpa.u1 $0x0;
	s9 =	smov.u32 s5  }
.LBB1_7:
0x8: {  	s0 =	sshll.u32 s8, $0x3  }
0x9: {  	s0 =	sand.u32 $0xFFFFFC00, s0  }
0xa: {  	s2 =	sshrl.u32 s0, $0x8  }
0xb: {  	p0 =	sgt.s32 s8, $0x2C80;
	s1 =	smov.u32 s8;
	s2 =	smulhi.u32 $0x5B05B06, s2  }
0xc: {  	s25 =	smul.u32 $0x21C00, s10;
	s1 =	simm.s32 @!p0 $0x2C80  }
0xd: {  	s24 =	sand.u32 $0x7F, s8;
	s1 =	sadd.s32 s15, s1;
	s23 =	smulhi.u32 $0x2AAAAAB, s2  }
0xe: {  	s26 =	rddreg [dreg:$0x1];
	s29 =	sor.u32 $0x8000, s16;
	s6 =	sadd.s32 $0xFFFFD380, s1  }
0xf: {  	s1 =	ssub.s32 $0x2D00, s1;
	p0 =	sgt.s32 s6, $0x7F;
	s6 =	smul.u32 $0x60, s23  }
0x10: {  	s31 =	simm.s32 $0x16800;
	s22 =	smul.u32 $0x2D00, s2;
	s1 =	simm.s32 @p0 $0x0  }
0x11: {  	s0 =	sor.u32 s24, s0;
	s1 =	smul.u32 s1, s14;
	s2 =	ssub.s32 s2, s6  }
0x12: {  	s20 =	stileid.u32;
	s0 =	ssub.s32 s0, s22;
	s2 =	smul.u32 $0x5A0, s2  }
0x13: {  	s1 =	smul.u32 $0x60, s1;
	s27 =	sand.u32 $0x7, s0;
	s6 =	sadd.s32 s26, s25  }
0x14: {  	s0 =	sshrl.u32 s0, $0x3;
	s28 =	sshll.u32 s27, $0x12;
	s2 =	sadd.s32 s2, s6  }
0x15: {  	s1 =	sand.u32 $0x3FFFFFE0, s1;
	s30 =	sor.u32 $0x400, s28;
	s0 =	sadd.s32 s0, s2  }
0x16: {  	[hbm4b:s0+s30] =	stream.strided.scatter [tilespmem:s29], [sflag:$0x2], s1, s31, s30, $0x20;
	[tilespmem:$0x10100] =	vst v63  }
.LBB1_8:
0x17: {  	p0 =	slt.u32 s7, $0x2  }
0x18: {  	s1 =	smov.u32 s13;
	s2 =	smov.u32 s12;
	p1 =	sgt.s32 @!p0 s13, $0xF  }
0x19: {  	s0 =	sshra.s32 @!p0 s13, $0x1F;
	p2 =	sgt.s32 @!p0 s12, $0x2C80;
	s6 =	sshra.s32 @!p0 s12, $0x1F  }
0x1a: {  	p1 =	por !p1, p0;
	s0 =	sand.u32 @!p0 s0, s13;
	p2 =	por !p2, p0  }
0x1b: {  	s6 =	sand.u32 @!p0 s6, s12;
	s1 =	simm.s32 @p1 $0xF;
	s2 =	simm.s32 @p2 $0x2C80  }
0x1c: {  	s0 =	ssub.s32 @!p0 s1, s0;
	s1 =	ssub.s32 @!p0 s2, s6  }
0x1d: {  	s2 =	sadd.s32 @!p0 $0xFFFFFFF1, s0;
	s0 =	ssub.s32 @!p0 $0x10, s0;
	s6 =	sadd.s32 @!p0 $0xFFFFD380, s1  }
0x1e: {  	p1 =	sgt.s32 @!p0 s2, $0x0;
	s0 =	smul.u32 @!p0 $0x60, s0;
	p2 =	sgt.s32 @!p0 s6, $0x7F  }
0x1f: {  	s1 =	ssub.s32 @!p0 $0x2D00, s1;
	p1 =	por !p1, p0;
	p2 =	por !p2, p0  }
0x20: {  	s0 =	simm.s32 @!p1 $0x0;
	s1 =	simm.s32 @!p2 $0x0  }
0x21: {  	s0 =	smul.u32 @!p0 s1, s0;
	s1 =	sadd.s32 $0x100, s9  }
0x22: {  	s14 =	smov.u32 s11;
	s6 =	sadd.s32 $0x10, s11;
	p1 =	sgt.s32 s1, $0x2CBF  }
0x23: {  	s14 =	smov.u32 @p1 s6  }
0x24: {  	s7 =	sadd.s32 $0x1, s7;
	s1 =	smov.u32 @p1 s5;
	p1 =	sgt.s32 s14, $0xF  }
0x25: {  	s14 =	smov.u32 @p1 s20;
	p1 =	sne.s32 s7, $0x2F  }
.Ltmp1:
0x26: {  	_ = 	snop;
	(pc) =	sbr.rel @!p1 .LBB1_9-.Ltmp1, $4  }
0x27: {  	s12 =	smov.u32 s8;
	s2 =	simm.s32 @!p0 $0x2;
	s0 =	sand.u32 @!p0 $0x3FFFFFE0, s0  }
0x28: {  	s13 =	smov.u32 s10;
	s8 =	smov.u32 s9;
	_ =	swait.ge @!p0 [sflag:s2], s0  }
0x29: {  	s10 =	smov.u32 s11;
	s0 =	ssub.s32 @!p0 $0x0, s0;
	[sflag:s2] =	ssyncset.done @!p0 $0x0  }
0x2a: {  	s9 =	smov.u32 s1;
	[sflag:s2] =	ssyncadd.s32 @!p0 s0;
	s11 =	smov.u32 s14  }
.LBB1_1:
0x2b: {  	p0 =	sgt.u32 s7, $0x2C;
	s15 =	smov.u32 s11  }
0x2c: {  	s18 =	smov.u32 s9;
	p1 =	sgt.s32 @!p0 s11, $0xF;
	s14 =	sand.u32 @!p0 $0x1FFFFFF, s9  }
0x2d: {  	s17 =	sshra.s32 @!p0 s11, $0x1F;
	s19 =	sshra.s32 @!p0 s9, $0x1F;
	p1 =	por !p1, p0  }
0x2e: {  	s16 =	smulhi.u32 @!p0 $0x16E1F77, s14;
	s15 =	simm.s32 @p1 $0xF;
	p1 =	sgt.s32 @!p0 s9, $0x2C40  }
0x2f: {  	s17 =	sand.u32 @!p0 s17, s11;
	s19 =	sand.u32 @!p0 s19, s9;
	p1 =	por !p1, p0  }
0x30: {  	s15 =	ssub.s32 @!p0 s15, s17;
	s16 =	sshrl.u32 @!p0 s16, $0x6;
	s18 =	simm.s32 @p1 $0x2C40  }
0x31: {  	s15 =	sadd.s32 @!p0 $0xFFFFFFF1, s15;
	s16 =	smul.u32 @!p0 $0x2CC0, s16;
	s17 =	ssub.s32 @!p0 s18, s19  }
0x32: {  	p1 =	sgt.s32 @!p0 s15, $0x0;
	s15 =	sshll.u32 @!p0 s15, $0x7;
	s18 =	sadd.s32 @!p0 $0xFFFFD3C0, s17  }
0x33: {  	s19 =	smul.u32 @!p0 $0x2CC00, s11;
	s17 =	ssub.s32 @!p0 $0x2CC0, s17;
	p2 =	sgt.s32 @!p0 s18, $0x7F  }
0x34: {  	s15 =	ssub.s32 @!p0 $0x80, s15;
	p1 =	por !p1, p0;
	p2 =	por !p2, p0  }
0x35: {  	s18 =	sxor.u32 @!p0 $0xFFFFFFFF, s7;
	s15 =	simm.s32 @!p1 $0x0;
	s17 =	simm.s32 @!p2 $0x0  }
0x36: {  	s14 =	ssub.s32 @!p0 s14, s16;
	s16 =	sshll.u32 @!p0 s18, $0xE;
	s15 =	smul.u32 @!p0 s17, s15  }
0x37: {  	s14 =	sshll.u32 @!p0 s14, $0x4;
	s16 =	sand.u32 @!p0 $0x4000, s16;
	s17 =	sadd.s32 @!p0 s3, s19  }
0x38: {  	s14 =	sadd.s32 @!p0 s14, s17;
	s17 =	simm.s32 @!p0 $0x0;
	s15 =	sand.u32 @!p0 $0x3FFFFF80, s15  }
0x39: {  	[tilespmem:s16], [sflag:$0x1] =	stream.linear.gather @!p0 [hbm4b:s14+s17], s15, $0x38;
	[tilespmem:$0x10100] =	vst v63  }
0x3a: {  	p0 =	seq.s32 s7, $0x0  }
0x3b: {  	p1 =	seq.s32 @!p0 s7, $0x2E  }
0x3c: {  	p0 =	por p0, p1  }
.Ltmp2:
0x3d: {  	_ = 	snop;
	(pc) =	sbr.rel @p0 .LBB1_8-.Ltmp2, $1  }
0x3e: {  	_ =	sdelay $0x3  }
0x3f: {  	p0 =	sgt.s32 s10, $0xF  }
0x40: {  	s14 =	smov.u32 s10;
	s15 =	sshra.s32 s10, $0x1F;
	s16 =	ssub.s32 $0x0, s8  }
0x41: {  	s17 =	sshra.s32 s8, $0x1F;
	s14 =	simm.s32 @!p0 $0xF;
	s15 =	sand.u32 s15, s10  }
0x42: {  	s18 =	smov.u32 s8;
	p0 =	sgt.s32 s8, $0x2C40;
	s14 =	ssub.s32 s14, s15  }
0x43: {  	s15 =	sand.u32 s16, s17;
	s18 =	simm.s32 @!p0 $0x2C40;
	s30 =	sadd.s32 $0xFFFFFFF1, s14  }
0x44: {  	s17 =	sadd.s32 s15, s18;
	s14 =	ssub.s32 $0x10, s14;
	p0 =	sgt.s32 s30, $0x0  }
0x45: {  	s31 =	sadd.s32 $0xFFFFD3C0, s17;
	s16 =	ssub.s32 $0x2CC0, s17;
	s17 =	sadd.s32 $0x1, s10  }
0x46: {  	s18 =	sadd.s32 $0x80, s8;
	s14 =	simm.s32 @p0 $0x0;
	p0 =	slt.s32 s17, $0x10  }
0x47: {  	s17 =	simm.s32 @!p0 $0x10;
	p0 =	slt.s32 s18, $0x2CC0  }
0x48: {  	p1 =	sgt.s32 s31, $0x7F;
	s17 =	ssub.s32 s17, s10;
	s18 =	simm.s32 @!p0 $0x2CC0  }
0x49: {  	s16 =	simm.s32 @p1 $0x0;
	s18 =	ssub.s32 s18, s8;
	p0 =	slt.s32 s17, $0x1  }
0x4a: {  	s16 =	smul.u32 s16, s14;
	p1 =	slt.s32 @!p0 s18, $0x1  }
0x4b: {  	p1 =	por p0, p1  }
.Ltmp3:
0x4c: {  	s16 =	sshll.u32 s16, $0x7;
	(pc) =	sbr.rel @p1 .LBB1_7-.Ltmp3, $4  }
0x4d: {  	s16 =	sand.u32 $0x3FFFFF80, s16  }
0x4e: {  	_ =	swait.ge [sflag:s4], s16  }
0x4f: {  	s19 =	sand.u32 $0x1, s7;
	s16 =	ssub.s32 $0x0, s16;
	[sflag:s4] =	ssyncset.done $0x0  }
0x50: {  	[sflag:s4] =	ssyncadd.s32 s16;
	s16 =	smul.u32 $0x4080, s19  }
0x51: {  	_ = 	snop  }
0x52: {  	s19 =	sshll.u32 @!p0 s19, $0xE;
	s22 =	simm.s32 $0x0;
	s20 =	sor.u32 @!p0 $0x8000, s16  }
.LBB1_4:
0x53: {  	s23 =	sshll.u32 s22, $0x10  }
0x54: {  	s24 =	smul.u32 $0x10200, s22;
	s23 =	sshra.s32 s23, $0x2  }
0x55: {  	s1 =	simm.s32 $0x0;
	s27 =	simm.s32 $0x10;
	s25 =	sadd.s32 s23, s19  }
0x56: {  	p0 =	sne.s32 s18, $0x1;
	s29 =	simm.s32 $0x20;
	s27 =	sand.u32 $0x78, s27;
	v0 =	vmov s25  }
0x57: {  	s30 =	simm.s32 $0x30;
	s29 =	sand.u32 $0x78, s29;
	s27 =	smul.u32 $0x204, s27  }
0x58: {  	s31 =	simm.s32 $0x50;
	s30 =	sand.u32 $0x78, s30;
	s29 =	smul.u32 $0x204, s29  }
0x59: {  	s31 =	sand.u32 $0x78, s31;
	s30 =	smul.u32 $0x204, s30;
	s25 =	sand.u32 $0x78, s1  }
0x5a: {  	s26 =	sand.u32 $0x3F80, s21;
	s31 =	smul.u32 $0x204, s31;
	s28 =	sxor.u32 $0x40, s25  }
0x5b: {  	s0 =	sshra.s32 s24, $0x2;
	s24 =	simm.s32 $0x1;
	s28 =	smul.u32 $0x204, s28;
	v1 =	vld.idx.msk [tilespmem:v0+s26+$0x40 ss:$0x1], $0xffff  }
0x5c: {  	s23 =	sadd.s32 s0, s20;
	s0 =	sand.u32 $0x7F, s21;
	s25 =	smul.u32 $0x204, s25;
	v2 =	vld.idx.msk [tilespmem:v0+s26+$0x0 ss:$0x1], $0xffff  }
0x5d: {  	s27 =	sshrl.u32 s27, $0x2;
	s29 =	sshrl.u32 s29, $0x2;
	s28 =	sshrl.u32 s28, $0x2;
	v3 =	vld.idx.msk [tilespmem:v0+s26+$0x10 ss:$0x1], $0xffff  }
0x5e: {  	s2 =	sshrl.u32 s30, $0x2;
	s25 =	sshrl.u32 s25, $0x2;
	s28 =	sadd.s32 s28, s23;
	v4 =	vld.idx.msk [tilespmem:v0+s26+$0x20 ss:$0x1], $0xffff  }
.Ltmp4:
0x5f: {  	s25 =	sadd.s32 s25, s23;
	s28 =	sadd.s32 s0, s28;
	(pc) =	sbr.rel @!p0 .LBB1_6-.Ltmp4, $4  }
0x60: {  	s30 =	sshrl.u32 s31, $0x2;
	s27 =	sadd.s32 s27, s23;
	s25 =	sadd.s32 s0, s25;
	[tilespmem:s28+$0x0 ss:$0x81] =	vst.msk $0xffff, v1;
	v1 =	vld.idx.msk [tilespmem:v0+s26+$0x30 ss:$0x1], $0xffff  }
0x61: {  	s6 =	sadd.s32 s0, s27;
	s27 =	sadd.s32 s2, s23;
	s28 =	sadd.s32 s29, s23;
	[tilespmem:s25+$0x0 ss:$0x81] =	vst.msk $0xffff, v2;
	v2 =	vld.idx.msk [tilespmem:v0+s26+$0x50 ss:$0x1], $0xffff  }
0x62: {  	s27 =	sadd.s32 s0, s27;
	[tilespmem:s6+$0x0 ss:$0x81] =	vst.msk $0xffff, v3;
	s31 =	sadd.s32 s0, s28;
	s28 =	sadd.s32 s30, s23  }
0x63: {  	s25 =	simm.s32 $0x2808;
	s26 =	simm.s32 $0x0;
	[tilespmem:s31+$0x0 ss:$0x81] =	vst.msk $0xffff, v4;
	s28 =	sadd.s32 s0, s28  }
.LBB1_5:
0x64: {  	s0 =	sadd.s32 $0xFFFFD800, s25;
	s29 =	sadd.s32 $0xFFFFE000, s25  }
0x65: {  	[tilespmem:s27+$0x0 ss:$0x81] =	vst.msk $0xffff, v1;
	s27 =	smov.u32 s24;
	s24 =	sadd.s32 $0x1, s24;
	s26 =	sadd.s32 $0x80, s26  }
0x66: {  	s30 =	sadd.s32 $0xFFFFE800, s25;
	s0 =	sshrl.u32 s0, $0x7;
	p0 =	sne.s32 s18, s24;
	[tilespmem:s28+$0x0 ss:$0x81] =	vst.msk $0xffff, v2  }
0x67: {  	s31 =	sadd.s32 $0xFFFFF000, s25;
	s28 =	sand.u32 $0x3F80, s26;
	s0 =	sand.u32 $0x78, s0  }
0x68: {  	s6 =	sshrl.u32 s25, $0x7;
	s29 =	sshrl.u32 s29, $0x7;
	v3 =	vld.idx.msk [tilespmem:v0+s28+$0x40 ss:$0x1], $0xffff;
	s2 =	sxor.u32 $0x40, s0  }
0x69: {  	s30 =	sshrl.u32 s30, $0x7;
	s31 =	sshrl.u32 s31, $0x7;
	v4 =	vld.idx.msk [tilespmem:v0+s28+$0x0 ss:$0x1], $0xffff;
	s2 =	smul.u32 $0x204, s2  }
0x6a: {  	s6 =	sand.u32 $0x78, s6;
	s29 =	sand.u32 $0x78, s29;
	s30 =	sand.u32 $0x78, s30;
	v5 =	vld.idx.msk [tilespmem:v0+s28+$0x10 ss:$0x1], $0xffff  }
0x6b: {  	s31 =	sand.u32 $0x78, s31;
	s6 =	smul.u32 $0x204, s6;
	v6 =	vld.idx.msk [tilespmem:v0+s28+$0x20 ss:$0x1], $0xffff;
	s2 =	sshrl.u32 s2, $0x2  }
0x6c: {  	s1 =	sand.u32 $0x7F, s27;
	s0 =	smul.u32 $0x204, s0;
	v1 =	vld.idx.msk [tilespmem:v0+s28+$0x30 ss:$0x1], $0xffff;
	s2 =	sadd.s32 s2, s23  }
0x6d: {  	s27 =	smul.u32 $0x204, s29;
	s2 =	sadd.s32 s1, s2;
	v2 =	vld.idx.msk [tilespmem:v0+s28+$0x50 ss:$0x1], $0xffff  }
0x6e: {  	s0 =	sshrl.u32 s0, $0x2;
	s28 =	smul.u32 $0x204, s30;
	[tilespmem:s2+$0x0 ss:$0x81] =	vst.msk $0xffff, v3  }
0x6f: {  	s0 =	sadd.s32 s0, s23;
	s2 =	sshrl.u32 s27, $0x2;
	s27 =	smul.u32 $0x204, s31  }
.Ltmp5:
0x70: {  	s2 =	sadd.s32 s2, s23;
	s28 =	sshrl.u32 s28, $0x2;
	(pc) =	sbr.rel @p0 .LBB1_5-.Ltmp5, $4  }
0x71: {  	s0 =	sadd.s32 s1, s0;
	s28 =	sadd.s32 s28, s23;
	s27 =	sshrl.u32 s27, $0x2  }
0x72: {  	s6 =	sshrl.u32 s6, $0x2;
	[tilespmem:s0+$0x0 ss:$0x81] =	vst.msk $0xffff, v4;
	s0 =	sadd.s32 s1, s2;
	s2 =	sadd.s32 s27, s23  }
0x73: {  	[tilespmem:s0+$0x0 ss:$0x81] =	vst.msk $0xffff, v5;
	s0 =	sadd.s32 s1, s28;
	s27 =	sadd.s32 s1, s2;
	s2 =	sadd.s32 s6, s23  }
0x74: {  	s25 =	sadd.s32 $0x8, s25;
	[tilespmem:s0+$0x0 ss:$0x81] =	vst.msk $0xffff, v6;
	s28 =	sadd.s32 s1, s2  }
.LBB1_6:
0x75: {  	s22 =	sadd.s32 $0x1, s22  }
0x76: {  	p0 =	sne.s32 s22, s17  }
.Ltmp6:
0x77: {  	_ = 	snop;
	(pc) =	sbr.rel @p0 .LBB1_4-.Ltmp6, $4  }
.Ltmp7:
0x78: {  	_ = 	snop;
	(pc) =	sbr.rel @!p0 .LBB1_7-.Ltmp7, $4  }
0x79: {  	_ = 	snop  }
0x7a: {  	[tilespmem:s27+$0x0 ss:$0x81] =	vst.msk $0xffff, v1  }
0x7b: {  	[tilespmem:s28+$0x0 ss:$0x81] =	vst.msk $0xffff, v2  }
0x7c: {  	_ = 	snop  }
.LBB1_9:
0x7d: {  	_ =	sfence.sel $0x180000  }
0x7e: {  	s0 =	simm.s32 $0x1;
	[bflag:$0x0] =	sbarrier.arrive $0xFFFF  }
0x7f: {  	s31 =	simm.s32 $0x2;
	[sflag:s0] =	ssyncpa.u1 $0x1  }
0x80: {  	[sflag:s31] =	ssyncpa.u1 $0x1  }
0x81: {  	_ =	strace $0x9000004A  }
0x82: {  	[bflag:$0x2] =	sbarrier.arrive $0xFFFF  }
0x83: {  	p0 =	sne.s32 s20, $0x0;
	s0 =	rddreg [dreg:$0x2]  }
0x84: {  	s0 =	sadd.s32 @!p0 $0x100000, s0  }
0x85: {  	[sflag:s0] =	ssyncadd.tile.s32 @!p0 $0x1;
	_ =	shalt  }
.Lfunc_end1:
_tile_overlayer_lowered:
.L_overlay_start_2:
0x86: {  	(tag) =	ssettag $0x2  }
0x87: {  	s0 =	rddreg [dreg:$0x0];
	s2 =	stileid.u32  }
0x88: {  	s1 =	rddreg [dreg:$0x1];
	p0 =	sne.s32 s2, $0x0  }
0x89: {  	s3 =	rddreg [dreg:$0x2];
	[bflag:$0x3] =	sbarrier.arrive $0xFFFF;
	s2 =	simm.s32 @!p0 $0x1C01  }
0x8a: {  	[timem:s3], [sflag:s2] =	dma.local @!p0 [hbm:s0], s1  }
0x8b: {  	s0 =	simm.s32 @!p0 $0x1  }
0x8c: {  	_ =	swait.ge @!p0 [sflag:s0], s1  }
0x8d: {  	s1 =	ssub.s32 @!p0 $0x0, s1;
	[sflag:s0] =	ssyncset.done @!p0 $0x0  }
0x8e: {  	[sflag:s0] =	ssyncadd.s32 @!p0 s1  }
0x8f: {  	[bflag:$0x3] =	sbarrier.arrive $0xFFFF  }
0x90: {  	_ =	shalt  }

</sc_bundles>
